<compile_context>
chip_gen: v7x
topology: tpu7x:2x2x1
jax: 0.10.2.dev20260603
libtpu: 0.0.44.dev20260713+nightly
codegen_flags: <defaults>
</compile_context>

<pallas_src>
import functools

import jax
import jax.numpy as jnp
from jax import lax
from jax.experimental import pallas as pl
from jax.experimental.pallas import tpu as pltpu
from jax.experimental.pallas import tpu_sc as plsc

N_NODES = 10000
N_EDGES = 320000
D_FEAT = 128
HIDDEN = 16
N_CLASSES = 10

NC = 2
NS = 16
NW = NC * NS
EW = N_EDGES // NW
KC = 125
CH = EW // KC
NBUF = 8
NG = CH // NBUF
NP = 10240
RW = NP // NS

_mesh = plsc.VectorSubcoreMesh(core_axis_name="c", subcore_axis_name="s")
_params = pltpu.CompilerParams(use_tc_tiling_on_sc=False)


@functools.partial(
    pl.kernel,
    mesh=_mesh,
    compiler_params=_params,
    out_type=jax.ShapeDtypeStruct((NC, NP, 128), jnp.float32),
    scratch_types=[
        pltpu.VMEM((CH, KC), jnp.int32),
        pltpu.VMEM((KC, HIDDEN), jnp.float32),
        pltpu.VMEM_SHARED((NP, HIDDEN), jnp.float32),
        pltpu.SemaphoreType.DMA((NBUF,)),
    ],
)
def _deg_kernel(col_hbm, ones_hbm, zeros_hbm, out_hbm, col_v, ones_v, acc, sems):
    cid = lax.axis_index("c")
    sid = lax.axis_index("s")
    wid = sid * NC + cid
    pltpu.sync_copy(col_hbm.at[wid], col_v)
    pltpu.sync_copy(ones_hbm, ones_v)
    pltpu.sync_copy(zeros_hbm.at[pl.ds(sid * RW, RW)], acc.at[pl.ds(sid * RW, RW)])
    plsc.subcore_barrier()

    def group(g, carry):
        base = g * NBUF
        for b in range(NBUF):
            pltpu.async_copy(ones_v, acc.at[col_v.at[base + b]], sems.at[b],
                             add=True)
        for b in range(NBUF):
            pltpu.make_async_copy(ones_v, acc.at[col_v.at[base + b]],
                                  sems.at[b]).wait()
        return carry

    lax.fori_loop(0, NG, group, 0)
    plsc.subcore_barrier()
    pltpu.sync_copy(acc.at[pl.ds(sid * RW, RW)],
                    out_hbm.at[cid, pl.ds(sid * RW, RW), pl.ds(0, HIDDEN)])


@functools.partial(
    pl.kernel,
    mesh=_mesh,
    compiler_params=_params,
    out_type=jax.ShapeDtypeStruct((NC, NP, 128), jnp.float32),
    scratch_types=[
        pltpu.VMEM((CH, KC), jnp.int32),
        pltpu.VMEM((CH, KC), jnp.int32),
        pltpu.VMEM((NBUF, KC, HIDDEN), jnp.float32),
        pltpu.VMEM_SHARED((NP, HIDDEN), jnp.float32),
        pltpu.SemaphoreType.DMA((NBUF,)),
        pltpu.SemaphoreType.DMA((NBUF,)),
    ],
)
def _scatter_kernel(hs_hbm, row_hbm, col_hbm, zeros_hbm, out_hbm,
                    row_v, col_v, gat_v, acc, semg, sems):
    cid = lax.axis_index("c")
    sid = lax.axis_index("s")
    wid = sid * NC + cid
    pltpu.sync_copy(row_hbm.at[wid], row_v)
    pltpu.sync_copy(col_hbm.at[wid], col_v)
    pltpu.sync_copy(zeros_hbm.at[pl.ds(sid * RW, RW)], acc.at[pl.ds(sid * RW, RW)])
    plsc.subcore_barrier()

    for b in range(NBUF):
        pltpu.async_copy(hs_hbm.at[row_v.at[b]], gat_v.at[b], semg.at[b])

    def group(g, carry):
        base = g * NBUF
        for b in range(NBUF):
            jj = base + b
            pltpu.make_async_copy(hs_hbm.at[row_v.at[jj]], gat_v.at[b],
                                  semg.at[b]).wait()
            pltpu.async_copy(gat_v.at[b], acc.at[col_v.at[jj]], sems.at[b],
                             add=True)
        for b in range(NBUF):
            jj = base + b
            pltpu.make_async_copy(gat_v.at[b], acc.at[col_v.at[jj]],
                                  sems.at[b]).wait()

            @pl.when(g < NG - 1)
            def _():
                pltpu.async_copy(hs_hbm.at[row_v.at[jj + NBUF]], gat_v.at[b],
                                 semg.at[b])

        return carry

    lax.fori_loop(0, NG, group, 0)
    plsc.subcore_barrier()
    pltpu.sync_copy(acc.at[pl.ds(sid * RW, RW)],
                    out_hbm.at[cid, pl.ds(sid * RW, RW), pl.ds(0, HIDDEN)])


def _tc0_body(ei_ref, row_ref, col_ref):
    row_ref[...] = ei_ref[0, :]
    col_ref[...] = ei_ref[1, :]


def _tc1a_body(x_ref, w1_ref, h_ref):
    h_ref[...] = jnp.dot(x_ref[...], w1_ref[...],
                         preferred_element_type=jnp.float32)


def _tc1b_body(h_ref, degp_ref, hs_ref, dis_ref):
    deg = degp_ref[0, :N_NODES, :HIDDEN] + degp_ref[1, :N_NODES, :HIDDEN] + 1.0
    dis = lax.rsqrt(deg)
    dis_ref[...] = dis
    hs_ref[...] = h_ref[...] * dis


def _tc2_body(p_ref, hs_ref, dis_ref, b1_ref, w2_ref, h2s_ref):
    dis = dis_ref[...]
    h1 = jnp.maximum(
        dis * (p_ref[0, :N_NODES, :HIDDEN] + p_ref[1, :N_NODES, :HIDDEN] + hs_ref[...])
        + b1_ref[...], 0.0)
    h2s_ref[...] = jnp.dot(h1, w2_ref[...],
                           preferred_element_type=jnp.float32) * dis


def _tc3_body(q_ref, h2s_ref, dis_ref, b2_ref, out_ref):
    out_ref[...] = dis_ref[...] * (
        q_ref[0, :N_NODES, :HIDDEN] + q_ref[1, :N_NODES, :HIDDEN] + h2s_ref[...]) + b2_ref[...]


_SDS = jax.ShapeDtypeStruct


def kernel(x, edge_index, W1, b1, W2, b2):
    ei = edge_index.astype(jnp.int32)
    row1, col1 = pl.pallas_call(
        _tc0_body,
        out_shape=(_SDS((N_EDGES,), jnp.int32), _SDS((N_EDGES,), jnp.int32)),
    )(ei)
    row3 = row1.reshape(NW, CH, KC)
    col3 = col1.reshape(NW, CH, KC)
    ones_h = jnp.ones((KC, HIDDEN), jnp.float32)
    zeros_h = jnp.zeros((NP, HIDDEN), jnp.float32)
    W2p = jnp.pad(W2, ((0, 0), (0, HIDDEN - N_CLASSES)))
    b1r = b1.reshape(1, HIDDEN)
    b2p = jnp.pad(b2, (0, HIDDEN - N_CLASSES)).reshape(1, HIDDEN)

    degp = _deg_kernel(col3, ones_h, zeros_h)

    h = pl.pallas_call(
        _tc1a_body,
        out_shape=_SDS((N_NODES, HIDDEN), jnp.float32),
    )(x, W1)

    hs, dis = pl.pallas_call(
        _tc1b_body,
        out_shape=(_SDS((N_NODES, HIDDEN), jnp.float32),
                   _SDS((N_NODES, HIDDEN), jnp.float32)),
    )(h, degp)

    p = _scatter_kernel(hs, row3, col3, zeros_h)

    h2s = pl.pallas_call(
        _tc2_body,
        out_shape=_SDS((N_NODES, HIDDEN), jnp.float32),
    )(p, hs, dis, b1r, W2p)

    q = _scatter_kernel(h2s, row3, col3, zeros_h)

    out16 = pl.pallas_call(
        _tc3_body,
        out_shape=_SDS((N_NODES, HIDDEN), jnp.float32),
    )(q, h2s, dis, b2p)

    return out16[:, :N_CLASSES]

# --- scband reference (transcript-rebuilt; emitter-appended) ---
"""Pipeline reference for scband-gcn-30219389894763 (READ-ONLY COPY).

The authoritative reference and input builder live on the scoring server;
editing this copy changes nothing except your own understanding.
"""

import jax, jax.numpy as jnp
import numpy as np

N_NODES = 10000
N_EDGES = 320000
D_FEAT = 128
HIDDEN = 16
N_CLASSES = 10


def setup_inputs(seed: int = 0) -> dict:
    key = jax.random.key(seed)
    k1, k2, k3, k4, k5, k6 = jax.random.split(key, 6)
    x = jax.random.normal(k1, (N_NODES, D_FEAT), dtype=jnp.float32)
    edge_index = jax.random.randint(k2, (2, N_EDGES), 0, N_NODES, dtype=jnp.int64)
    # Glorot-style init for GCNConv weights, zeros for bias (PyG default)
    s1 = jnp.sqrt(6.0 / (D_FEAT + HIDDEN))
    W1 = jax.random.uniform(k3, (D_FEAT, HIDDEN), dtype=jnp.float32, minval=-s1, maxval=s1)
    b1 = jnp.zeros((HIDDEN,), dtype=jnp.float32)
    s2 = jnp.sqrt(6.0 / (HIDDEN + N_CLASSES))
    W2 = jax.random.uniform(k4, (HIDDEN, N_CLASSES), dtype=jnp.float32, minval=-s2, maxval=s2)
    b2 = jnp.zeros((N_CLASSES,), dtype=jnp.float32)
    return {"x": x, "edge_index": edge_index, "W1": W1, "b1": b1, "W2": W2, "b2": b2}


def gcn_norm(edge_index, num_nodes):
    # add self loops, edge_weight = ones
    loop = jnp.arange(num_nodes, dtype=edge_index.dtype)
    row = jnp.concatenate([edge_index[0], loop])
    col = jnp.concatenate([edge_index[1], loop])
    ew = jnp.ones(row.shape[0], dtype=jnp.float32)
    deg = jnp.zeros((num_nodes,), dtype=jnp.float32).at[col].add(ew)
    deg_inv_sqrt = jnp.where(deg > 0, 1.0 / jnp.sqrt(deg), 0.0)
    norm = deg_inv_sqrt[row] * ew * deg_inv_sqrt[col]
    return row, col, norm


def gcn_conv(x, row, col, norm, W, b):
    h = x @ W
    msg = h[row] * norm[:, None]
    out = jnp.zeros((x.shape[0], h.shape[1]), dtype=h.dtype).at[col].add(msg)
    return out + b


def reference(x, edge_index, W1, b1, W2, b2):
    row, col, norm = gcn_norm(edge_index, x.shape[0])
    h = gcn_conv(x, row, col, norm, W1, b1)
    h = jax.nn.relu(h)
    # dropout is identity in eval mode
    out = gcn_conv(h, row, col, norm, W2, b2)
    return out

if __name__ == "__main__":
    import jax
    _d = setup_inputs()
    print(jax.jit(kernel)(*tuple(_d.values())))

</pallas_src>

<mosaic_0001>
#map = affine_map<(d0, d1) -> (0, 0, 0)>
#map1 = affine_map<(d0, d1) -> (0, 0)>
module attributes {stable_mosaic.version = 14 : i64} {
  func.func @_deg_kernel(%arg0: i32, %arg1: i32, %arg2: memref<32x80x125xi32, #tpu.memory_space<hbm>>, %arg3: memref<125x16xf32, #tpu.memory_space<hbm>>, %arg4: memref<10240x16xf32, #tpu.memory_space<hbm>>, %arg5: memref<2x10240x128xf32, #tpu.memory_space<hbm>>, %arg6: memref<80x125xi32, #tpu.memory_space<vmem>>, %arg7: memref<125x16xf32, #tpu.memory_space<vmem>>, %arg8: memref<10240x16xf32, #tpu.memory_space<vmem_shared>>, %arg9: memref<8x!tpu.dma_semaphore, #tpu.memory_space<semaphore_mem>>) attributes {dimension_semantics = [#tpu.dimension_semantics<core_parallel>, #tpu.dimension_semantics<subcore_parallel>], iteration_bounds = array<i64: 2, 16>, scalar_prefetch = 0 : i64, scratch_operands = 4 : i64, tpu.core_type = #tpu.core_type<sc_vector_subcore>, window_params = [{transform_indices = #map}, {transform_indices = #map1}, {transform_indices = #map1}, {transform_indices = #map}]} {
    %mul3A = arith.constant 2 : i32
    %mul3A_0 = arith.muli %arg1, %mul3A : i32
    %add3A = arith.addi %mul3A_0, %arg0 : i32
    "tpu.region"() ({
      %run_scoped3A = tpu.sem_alloc : memref<!tpu.dma_semaphore, #tpu.memory_space<semaphore_mem>>
      %dma_start3A = arith.constant 0 : i32
      %dma_start3A_15 = arith.constant 0 : i32
      %dma_start3A_16 = tpu.memref_slice %arg2[%add3A, %dma_start3A, %dma_start3A_15] : memref<32x80x125xi32, #tpu.memory_space<hbm>> -> memref<1x80x125xi32, #tpu.memory_space<hbm>>
      %dma_start3A_17 = tpu.memref_squeeze %dma_start3A_16 : memref<1x80x125xi32, #tpu.memory_space<hbm>> -> memref<80x125xi32, #tpu.memory_space<hbm>>
      %dma_start3A_18 = arith.constant 0 : i32
      %dma_start3A_19 = arith.constant 0 : i32
      %dma_start3A_20 = tpu.memref_slice %arg2[%add3A, %dma_start3A_18, %dma_start3A_19] : memref<32x80x125xi32, #tpu.memory_space<hbm>> -> memref<1x80x125xi32, #tpu.memory_space<hbm>>
      %dma_start3A_21 = tpu.memref_squeeze %dma_start3A_20 : memref<1x80x125xi32, #tpu.memory_space<hbm>> -> memref<80x125xi32, #tpu.memory_space<hbm>>
      tpu.enqueue_dma source(%dma_start3A_21 : memref<80x125xi32, #tpu.memory_space<hbm>>) target(%arg6 : memref<80x125xi32, #tpu.memory_space<vmem>>) target_semaphore(%run_scoped3A : memref<!tpu.dma_semaphore, #tpu.memory_space<semaphore_mem>>)
      %dma_wait3A = arith.constant 0 : i32
      %dma_wait3A_22 = arith.constant 0 : i32
      %dma_wait3A_23 = tpu.memref_slice %arg2[%add3A, %dma_wait3A, %dma_wait3A_22] : memref<32x80x125xi32, #tpu.memory_space<hbm>> -> memref<1x80x125xi32, #tpu.memory_space<hbm>>
      %dma_wait3A_24 = tpu.memref_squeeze %dma_wait3A_23 : memref<1x80x125xi32, #tpu.memory_space<hbm>> -> memref<80x125xi32, #tpu.memory_space<hbm>>
      %dma_wait3A_25 = arith.constant 0 : i32
      %dma_wait3A_26 = arith.constant 0 : i32
      %dma_wait3A_27 = tpu.memref_slice %arg2[%add3A, %dma_wait3A_25, %dma_wait3A_26] : memref<32x80x125xi32, #tpu.memory_space<hbm>> -> memref<1x80x125xi32, #tpu.memory_space<hbm>>
      %dma_wait3A_28 = tpu.memref_squeeze %dma_wait3A_27 : memref<1x80x125xi32, #tpu.memory_space<hbm>> -> memref<80x125xi32, #tpu.memory_space<hbm>>
      tpu.wait_dma2 semaphore(%run_scoped3A : memref<!tpu.dma_semaphore, #tpu.memory_space<semaphore_mem>>) src(%dma_wait3A_28 : memref<80x125xi32, #tpu.memory_space<hbm>>) dst(%arg6 : memref<80x125xi32, #tpu.memory_space<vmem>>)
      tpu.yield
    }) : () -> ()
    "tpu.region"() ({
      %run_scoped3A = tpu.sem_alloc : memref<!tpu.dma_semaphore, #tpu.memory_space<semaphore_mem>>
      tpu.enqueue_dma source(%arg3 : memref<125x16xf32, #tpu.memory_space<hbm>>) target(%arg7 : memref<125x16xf32, #tpu.memory_space<vmem>>) target_semaphore(%run_scoped3A : memref<!tpu.dma_semaphore, #tpu.memory_space<semaphore_mem>>)
      tpu.wait_dma2 semaphore(%run_scoped3A : memref<!tpu.dma_semaphore, #tpu.memory_space<semaphore_mem>>) src(%arg3 : memref<125x16xf32, #tpu.memory_space<hbm>>) dst(%arg7 : memref<125x16xf32, #tpu.memory_space<vmem>>)
      tpu.yield
    }) : () -> ()
    %mul3A_1 = arith.constant 640 : i32
    %mul3A_2 = arith.muli %arg1, %mul3A_1 : i32
    %mul3A_3 = arith.constant 640 : i32
    %mul3A_4 = arith.muli %arg1, %mul3A_3 : i32
    "tpu.region"() ({
      %run_scoped3A = tpu.sem_alloc : memref<!tpu.dma_semaphore, #tpu.memory_space<semaphore_mem>>
      %dma_start3A = arith.constant 0 : i32
      %dma_start3A_15 = tpu.memref_slice %arg8[%mul3A_4, %dma_start3A] : memref<10240x16xf32, #tpu.memory_space<vmem_shared>> -> memref<640x16xf32, #tpu.memory_space<vmem_shared>>
      %dma_start3A_16 = arith.constant 0 : i32
      %dma_start3A_17 = tpu.memref_slice %arg4[%mul3A_2, %dma_start3A_16] : memref<10240x16xf32, #tpu.memory_space<hbm>> -> memref<640x16xf32, #tpu.memory_space<hbm>>
      tpu.enqueue_dma source(%dma_start3A_17 : memref<640x16xf32, #tpu.memory_space<hbm>>) target(%dma_start3A_15 : memref<640x16xf32, #tpu.memory_space<vmem_shared>>) target_semaphore(%run_scoped3A : memref<!tpu.dma_semaphore, #tpu.memory_space<semaphore_mem>>)
      %dma_wait3A = arith.constant 0 : i32
      %dma_wait3A_18 = tpu.memref_slice %arg8[%mul3A_4, %dma_wait3A] : memref<10240x16xf32, #tpu.memory_space<vmem_shared>> -> memref<640x16xf32, #tpu.memory_space<vmem_shared>>
      %dma_wait3A_19 = arith.constant 0 : i32
      %dma_wait3A_20 = tpu.memref_slice %arg4[%mul3A_2, %dma_wait3A_19] : memref<10240x16xf32, #tpu.memory_space<hbm>> -> memref<640x16xf32, #tpu.memory_space<hbm>>
      tpu.wait_dma2 semaphore(%run_scoped3A : memref<!tpu.dma_semaphore, #tpu.memory_space<semaphore_mem>>) src(%dma_wait3A_20 : memref<640x16xf32, #tpu.memory_space<hbm>>) dst(%dma_wait3A_18 : memref<640x16xf32, #tpu.memory_space<vmem_shared>>)
      tpu.yield
    }) : () -> ()
    %barrier3A = arith.constant 0 : index
    tpu.barrier barrier_id(%barrier3A)
    %scan3A = arith.constant 0 : i32
    %scan3A_5 = arith.constant 0 : i32
    %scan3A_6 = arith.constant 10 : i32
    %scan3A_7 = arith.addi %scan3A_5, %scan3A_6 : i32
    %scan3A_8 = arith.constant 1 : i32
    scf.for %scan3A_15 = %scan3A_5 to %scan3A_7 step %scan3A_8  : i32 {
      %mul3A_16 = arith.constant 8 : i32
      %mul3A_17 = arith.muli %scan3A_15, %mul3A_16 : i32
      %add3A_18 = arith.constant 0 : i32
      %add3A_19 = arith.addi %mul3A_17, %add3A_18 : i32
      %dma_start3A = arith.constant 0 : i32
      %dma_start3A_20 = arith.constant 0 : i32
      %dma_start3A_21 = tpu.memref_slice %arg6[%add3A_19, %dma_start3A_20] : memref<80x125xi32, #tpu.memory_space<vmem>> -> memref<1x125xi32, #tpu.memory_space<vmem>>
      %dma_start3A_22 = tpu.memref_squeeze %dma_start3A_21 : memref<1x125xi32, #tpu.memory_space<vmem>> -> memref<125xi32, #tpu.memory_space<vmem>>
      %dma_start3A_23 = arith.constant 0 : i32
      %dma_start3A_24 = arith.constant 0 : i32
      %dma_start3A_25 = tpu.memref_slice %arg8[%dma_start3A_23, %dma_start3A_24] : memref<10240x16xf32, #tpu.memory_space<vmem_shared>> -> memref<10240x16xf32, #tpu.memory_space<vmem_shared>>
      %dma_start3A_26 = tpu.memref_slice %arg9[%dma_start3A] : memref<8x!tpu.dma_semaphore, #tpu.memory_space<semaphore_mem>> -> memref<1x!tpu.dma_semaphore, #tpu.memory_space<semaphore_mem>>
      %dma_start3A_27 = tpu.memref_squeeze %dma_start3A_26 : memref<1x!tpu.dma_semaphore, #tpu.memory_space<semaphore_mem>> -> memref<!tpu.dma_semaphore, #tpu.memory_space<semaphore_mem>>
      tpu.enqueue_indirect_dma source(%arg7 : memref<125x16xf32, #tpu.memory_space<vmem>>) target(%dma_start3A_25 : memref<10240x16xf32, #tpu.memory_space<vmem_shared>>) offsets(%dma_start3A_22 : memref<125xi32, #tpu.memory_space<vmem>>) semaphore(%dma_start3A_27 : memref<!tpu.dma_semaphore, #tpu.memory_space<semaphore_mem>>) {add = true}
      %add3A_28 = arith.constant 1 : i32
      %add3A_29 = arith.addi %mul3A_17, %add3A_28 : i32
      %dma_start3A_30 = arith.constant 1 : i32
      %dma_start3A_31 = arith.constant 0 : i32
      %dma_start3A_32 = tpu.memref_slice %arg6[%add3A_29, %dma_start3A_31] : memref<80x125xi32, #tpu.memory_space<vmem>> -> memref<1x125xi32, #tpu.memory_space<vmem>>
      %dma_start3A_33 = tpu.memref_squeeze %dma_start3A_32 : memref<1x125xi32, #tpu.memory_space<vmem>> -> memref<125xi32, #tpu.memory_space<vmem>>
      %dma_start3A_34 = arith.constant 0 : i32
      %dma_start3A_35 = arith.constant 0 : i32
      %dma_start3A_36 = tpu.memref_slice %arg8[%dma_start3A_34, %dma_start3A_35] : memref<10240x16xf32, #tpu.memory_space<vmem_shared>> -> memref<10240x16xf32, #tpu.memory_space<vmem_shared>>
      %dma_start3A_37 = tpu.memref_slice %arg9[%dma_start3A_30] : memref<8x!tpu.dma_semaphore, #tpu.memory_space<semaphore_mem>> -> memref<1x!tpu.dma_semaphore, #tpu.memory_space<semaphore_mem>>
      %dma_start3A_38 = tpu.memref_squeeze %dma_start3A_37 : memref<1x!tpu.dma_semaphore, #tpu.memory_space<semaphore_mem>> -> memref<!tpu.dma_semaphore, #tpu.memory_space<semaphore_mem>>
      tpu.enqueue_indirect_dma source(%arg7 : memref<125x16xf32, #tpu.memory_space<vmem>>) target(%dma_start3A_36 : memref<10240x16xf32, #tpu.memory_space<vmem_shared>>) offsets(%dma_start3A_33 : memref<125xi32, #tpu.memory_space<vmem>>) semaphore(%dma_start3A_38 : memref<!tpu.dma_semaphore, #tpu.memory_space<semaphore_mem>>) {add = true}
      %add3A_39 = arith.constant 2 : i32
      %add3A_40 = arith.addi %mul3A_17, %add3A_39 : i32
      %dma_start3A_41 = arith.constant 2 : i32
      %dma_start3A_42 = arith.constant 0 : i32
      %dma_start3A_43 = tpu.memref_slice %arg6[%add3A_40, %dma_start3A_42] : memref<80x125xi32, #tpu.memory_space<vmem>> -> memref<1x125xi32, #tpu.memory_space<vmem>>
      %dma_start3A_44 = tpu.memref_squeeze %dma_start3A_43 : memref<1x125xi32, #tpu.memory_space<vmem>> -> memref<125xi32, #tpu.memory_space<vmem>>
      %dma_start3A_45 = arith.constant 0 : i32
      %dma_start3A_46 = arith.constant 0 : i32
      %dma_start3A_47 = tpu.memref_slice %arg8[%dma_start3A_45, %dma_start3A_46] : memref<10240x16xf32, #tpu.memory_space<vmem_shared>> -> memref<10240x16xf32, #tpu.memory_space<vmem_shared>>
      %dma_start3A_48 = tpu.memref_slice %arg9[%dma_start3A_41] : memref<8x!tpu.dma_semaphore, #tpu.memory_space<semaphore_mem>> -> memref<1x!tpu.dma_semaphore, #tpu.memory_space<semaphore_mem>>
      %dma_start3A_49 = tpu.memref_squeeze %dma_start3A_48 : memref<1x!tpu.dma_semaphore, #tpu.memory_space<semaphore_mem>> -> memref<!tpu.dma_semaphore, #tpu.memory_space<semaphore_mem>>
      tpu.enqueue_indirect_dma source(%arg7 : memref<125x16xf32, #tpu.memory_space<vmem>>) target(%dma_start3A_47 : memref<10240x16xf32, #tpu.memory_space<vmem_shared>>) offsets(%dma_start3A_44 : memref<125xi32, #tpu.memory_space<vmem>>) semaphore(%dma_start3A_49 : memref<!tpu.dma_semaphore, #tpu.memory_space<semaphore_mem>>) {add = true}
      %add3A_50 = arith.constant 3 : i32
      %add3A_51 = arith.addi %mul3A_17, %add3A_50 : i32
      %dma_start3A_52 = arith.constant 3 : i32
      %dma_start3A_53 = arith.constant 0 : i32
      %dma_start3A_54 = tpu.memref_slice %arg6[%add3A_51, %dma_start3A_53] : memref<80x125xi32, #tpu.memory_space<vmem>> -> memref<1x125xi32, #tpu.memory_space<vmem>>
      %dma_start3A_55 = tpu.memref_squeeze %dma_start3A_54 : memref<1x125xi32, #tpu.memory_space<vmem>> -> memref<125xi32, #tpu.memory_space<vmem>>
      %dma_start3A_56 = arith.constant 0 : i32
      %dma_start3A_57 = arith.constant 0 : i32
      %dma_start3A_58 = tpu.memref_slice %arg8[%dma_start3A_56, %dma_start3A_57] : memref<10240x16xf32, #tpu.memory_space<vmem_shared>> -> memref<10240x16xf32, #tpu.memory_space<vmem_shared>>
      %dma_start3A_59 = tpu.memref_slice %arg9[%dma_start3A_52] : memref<8x!tpu.dma_semaphore, #tpu.memory_space<semaphore_mem>> -> memref<1x!tpu.dma_semaphore, #tpu.memory_space<semaphore_mem>>
      %dma_start3A_60 = tpu.memref_squeeze %dma_start3A_59 : memref<1x!tpu.dma_semaphore, #tpu.memory_space<semaphore_mem>> -> memref<!tpu.dma_semaphore, #tpu.memory_space<semaphore_mem>>
      tpu.enqueue_indirect_dma source(%arg7 : memref<125x16xf32, #tpu.memory_space<vmem>>) target(%dma_start3A_58 : memref<10240x16xf32, #tpu.memory_space<vmem_shared>>) offsets(%dma_start3A_55 : memref<125xi32, #tpu.memory_space<vmem>>) semaphore(%dma_start3A_60 : memref<!tpu.dma_semaphore, #tpu.memory_space<semaphore_mem>>) {add = true}
      %add3A_61 = arith.constant 4 : i32
      %add3A_62 = arith.addi %mul3A_17, %add3A_61 : i32
      %dma_start3A_63 = arith.constant 4 : i32
      %dma_start3A_64 = arith.constant 0 : i32
      %dma_start3A_65 = tpu.memref_slice %arg6[%add3A_62, %dma_start3A_64] : memref<80x125xi32, #tpu.memory_space<vmem>> -> memref<1x125xi32, #tpu.memory_space<vmem>>
      %dma_start3A_66 = tpu.memref_squeeze %dma_start3A_65 : memref<1x125xi32, #tpu.memory_space<vmem>> -> memref<125xi32, #tpu.memory_space<vmem>>
      %dma_start3A_67 = arith.constant 0 : i32
      %dma_start3A_68 = arith.constant 0 : i32
      %dma_start3A_69 = tpu.memref_slice %arg8[%dma_start3A_67, %dma_start3A_68] : memref<10240x16xf32, #tpu.memory_space<vmem_shared>> -> memref<10240x16xf32, #tpu.memory_space<vmem_shared>>
      %dma_start3A_70 = tpu.memref_slice %arg9[%dma_start3A_63] : memref<8x!tpu.dma_semaphore, #tpu.memory_space<semaphore_mem>> -> memref<1x!tpu.dma_semaphore, #tpu.memory_space<semaphore_mem>>
      %dma_start3A_71 = tpu.memref_squeeze %dma_start3A_70 : memref<1x!tpu.dma_semaphore, #tpu.memory_space<semaphore_mem>> -> memref<!tpu.dma_semaphore, #tpu.memory_space<semaphore_mem>>
      tpu.enqueue_indirect_dma source(%arg7 : memref<125x16xf32, #tpu.memory_space<vmem>>) target(%dma_start3A_69 : memref<10240x16xf32, #tpu.memory_space<vmem_shared>>) offsets(%dma_start3A_66 : memref<125xi32, #tpu.memory_space<vmem>>) semaphore(%dma_start3A_71 : memref<!tpu.dma_semaphore, #tpu.memory_space<semaphore_mem>>) {add = true}
      %add3A_72 = arith.constant 5 : i32
      %add3A_73 = arith.addi %mul3A_17, %add3A_72 : i32
      %dma_start3A_74 = arith.constant 5 : i32
      %dma_start3A_75 = arith.constant 0 : i32
      %dma_start3A_76 = tpu.memref_slice %arg6[%add3A_73, %dma_start3A_75] : memref<80x125xi32, #tpu.memory_space<vmem>> -> memref<1x125xi32, #tpu.memory_space<vmem>>
      %dma_start3A_77 = tpu.memref_squeeze %dma_start3A_76 : memref<1x125xi32, #tpu.memory_space<vmem>> -> memref<125xi32, #tpu.memory_space<vmem>>
      %dma_start3A_78 = arith.constant 0 : i32
      %dma_start3A_79 = arith.constant 0 : i32
      %dma_start3A_80 = tpu.memref_slice %arg8[%dma_start3A_78, %dma_start3A_79] : memref<10240x16xf32, #tpu.memory_space<vmem_shared>> -> memref<10240x16xf32, #tpu.memory_space<vmem_shared>>
      %dma_start3A_81 = tpu.memref_slice %arg9[%dma_start3A_74] : memref<8x!tpu.dma_semaphore, #tpu.memory_space<semaphore_mem>> -> memref<1x!tpu.dma_semaphore, #tpu.memory_space<semaphore_mem>>
      %dma_start3A_82 = tpu.memref_squeeze %dma_start3A_81 : memref<1x!tpu.dma_semaphore, #tpu.memory_space<semaphore_mem>> -> memref<!tpu.dma_semaphore, #tpu.memory_space<semaphore_mem>>
      tpu.enqueue_indirect_dma source(%arg7 : memref<125x16xf32, #tpu.memory_space<vmem>>) target(%dma_start3A_80 : memref<10240x16xf32, #tpu.memory_space<vmem_shared>>) offsets(%dma_start3A_77 : memref<125xi32, #tpu.memory_space<vmem>>) semaphore(%dma_start3A_82 : memref<!tpu.dma_semaphore, #tpu.memory_space<semaphore_mem>>) {add = true}
      %add3A_83 = arith.constant 6 : i32
      %add3A_84 = arith.addi %mul3A_17, %add3A_83 : i32
      %dma_start3A_85 = arith.constant 6 : i32
      %dma_start3A_86 = arith.constant 0 : i32
      %dma_start3A_87 = tpu.memref_slice %arg6[%add3A_84, %dma_start3A_86] : memref<80x125xi32, #tpu.memory_space<vmem>> -> memref<1x125xi32, #tpu.memory_space<vmem>>
      %dma_start3A_88 = tpu.memref_squeeze %dma_start3A_87 : memref<1x125xi32, #tpu.memory_space<vmem>> -> memref<125xi32, #tpu.memory_space<vmem>>
      %dma_start3A_89 = arith.constant 0 : i32
      %dma_start3A_90 = arith.constant 0 : i32
      %dma_start3A_91 = tpu.memref_slice %arg8[%dma_start3A_89, %dma_start3A_90] : memref<10240x16xf32, #tpu.memory_space<vmem_shared>> -> memref<10240x16xf32, #tpu.memory_space<vmem_shared>>
      %dma_start3A_92 = tpu.memref_slice %arg9[%dma_start3A_85] : memref<8x!tpu.dma_semaphore, #tpu.memory_space<semaphore_mem>> -> memref<1x!tpu.dma_semaphore, #tpu.memory_space<semaphore_mem>>
      %dma_start3A_93 = tpu.memref_squeeze %dma_start3A_92 : memref<1x!tpu.dma_semaphore, #tpu.memory_space<semaphore_mem>> -> memref<!tpu.dma_semaphore, #tpu.memory_space<semaphore_mem>>
      tpu.enqueue_indirect_dma source(%arg7 : memref<125x16xf32, #tpu.memory_space<vmem>>) target(%dma_start3A_91 : memref<10240x16xf32, #tpu.memory_space<vmem_shared>>) offsets(%dma_start3A_88 : memref<125xi32, #tpu.memory_space<vmem>>) semaphore(%dma_start3A_93 : memref<!tpu.dma_semaphore, #tpu.memory_space<semaphore_mem>>) {add = true}
      %add3A_94 = arith.constant 7 : i32
      %add3A_95 = arith.addi %mul3A_17, %add3A_94 : i32
      %dma_start3A_96 = arith.constant 7 : i32
      %dma_start3A_97 = arith.constant 0 : i32
      %dma_start3A_98 = tpu.memref_slice %arg6[%add3A_95, %dma_start3A_97] : memref<80x125xi32, #tpu.memory_space<vmem>> -> memref<1x125xi32, #tpu.memory_space<vmem>>
      %dma_start3A_99 = tpu.memref_squeeze %dma_start3A_98 : memref<1x125xi32, #tpu.memory_space<vmem>> -> memref<125xi32, #tpu.memory_space<vmem>>
      %dma_start3A_100 = arith.constant 0 : i32
      %dma_start3A_101 = arith.constant 0 : i32
      %dma_start3A_102 = tpu.memref_slice %arg8[%dma_start3A_100, %dma_start3A_101] : memref<10240x16xf32, #tpu.memory_space<vmem_shared>> -> memref<10240x16xf32, #tpu.memory_space<vmem_shared>>
      %dma_start3A_103 = tpu.memref_slice %arg9[%dma_start3A_96] : memref<8x!tpu.dma_semaphore, #tpu.memory_space<semaphore_mem>> -> memref<1x!tpu.dma_semaphore, #tpu.memory_space<semaphore_mem>>
      %dma_start3A_104 = tpu.memref_squeeze %dma_start3A_103 : memref<1x!tpu.dma_semaphore, #tpu.memory_space<semaphore_mem>> -> memref<!tpu.dma_semaphore, #tpu.memory_space<semaphore_mem>>
      tpu.enqueue_indirect_dma source(%arg7 : memref<125x16xf32, #tpu.memory_space<vmem>>) target(%dma_start3A_102 : memref<10240x16xf32, #tpu.memory_space<vmem_shared>>) offsets(%dma_start3A_99 : memref<125xi32, #tpu.memory_space<vmem>>) semaphore(%dma_start3A_104 : memref<!tpu.dma_semaphore, #tpu.memory_space<semaphore_mem>>) {add = true}
      %add3A_105 = arith.constant 0 : i32
      %add3A_106 = arith.addi %mul3A_17, %add3A_105 : i32
      %dma_wait3A = arith.constant 0 : i32
      %dma_wait3A_107 = arith.constant 0 : i32
      %dma_wait3A_108 = tpu.memref_slice %arg6[%add3A_106, %dma_wait3A_107] : memref<80x125xi32, #tpu.memory_space<vmem>> -> memref<1x125xi32, #tpu.memory_space<vmem>>
      %dma_wait3A_109 = tpu.memref_squeeze %dma_wait3A_108 : memref<1x125xi32, #tpu.memory_space<vmem>> -> memref<125xi32, #tpu.memory_space<vmem>>
      %dma_wait3A_110 = arith.constant 0 : i32
      %dma_wait3A_111 = arith.constant 0 : i32
      %dma_wait3A_112 = tpu.memref_slice %arg8[%dma_wait3A_110, %dma_wait3A_111] : memref<10240x16xf32, #tpu.memory_space<vmem_shared>> -> memref<10240x16xf32, #tpu.memory_space<vmem_shared>>
      %dma_wait3A_113 = tpu.memref_slice %arg9[%dma_wait3A] : memref<8x!tpu.dma_semaphore, #tpu.memory_space<semaphore_mem>> -> memref<1x!tpu.dma_semaphore, #tpu.memory_space<semaphore_mem>>
      %dma_wait3A_114 = tpu.memref_squeeze %dma_wait3A_113 : memref<1x!tpu.dma_semaphore, #tpu.memory_space<semaphore_mem>> -> memref<!tpu.dma_semaphore, #tpu.memory_space<semaphore_mem>>
      tpu.wait_indirect_dma semaphore(%dma_wait3A_114 : memref<!tpu.dma_semaphore, #tpu.memory_space<semaphore_mem>>) src(%arg7 : memref<125x16xf32, #tpu.memory_space<vmem>>) dst(%dma_wait3A_112 : memref<10240x16xf32, #tpu.memory_space<vmem_shared>>)
      %add3A_115 = arith.constant 1 : i32
      %add3A_116 = arith.addi %mul3A_17, %add3A_115 : i32
      %dma_wait3A_117 = arith.constant 1 : i32
      %dma_wait3A_118 = arith.constant 0 : i32
      %dma_wait3A_119 = tpu.memref_slice %arg6[%add3A_116, %dma_wait3A_118] : memref<80x125xi32, #tpu.memory_space<vmem>> -> memref<1x125xi32, #tpu.memory_space<vmem>>
      %dma_wait3A_120 = tpu.memref_squeeze %dma_wait3A_119 : memref<1x125xi32, #tpu.memory_space<vmem>> -> memref<125xi32, #tpu.memory_space<vmem>>
      %dma_wait3A_121 = arith.constant 0 : i32
      %dma_wait3A_122 = arith.constant 0 : i32
      %dma_wait3A_123 = tpu.memref_slice %arg8[%dma_wait3A_121, %dma_wait3A_122] : memref<10240x16xf32, #tpu.memory_space<vmem_shared>> -> memref<10240x16xf32, #tpu.memory_space<vmem_shared>>
      %dma_wait3A_124 = tpu.memref_slice %arg9[%dma_wait3A_117] : memref<8x!tpu.dma_semaphore, #tpu.memory_space<semaphore_mem>> -> memref<1x!tpu.dma_semaphore, #tpu.memory_space<semaphore_mem>>
      %dma_wait3A_125 = tpu.memref_squeeze %dma_wait3A_124 : memref<1x!tpu.dma_semaphore, #tpu.memory_space<semaphore_mem>> -> memref<!tpu.dma_semaphore, #tpu.memory_space<semaphore_mem>>
      tpu.wait_indirect_dma semaphore(%dma_wait3A_125 : memref<!tpu.dma_semaphore, #tpu.memory_space<semaphore_mem>>) src(%arg7 : memref<125x16xf32, #tpu.memory_space<vmem>>) dst(%dma_wait3A_123 : memref<10240x16xf32, #tpu.memory_space<vmem_shared>>)
      %add3A_126 = arith.constant 2 : i32
      %add3A_127 = arith.addi %mul3A_17, %add3A_126 : i32
      %dma_wait3A_128 = arith.constant 2 : i32
      %dma_wait3A_129 = arith.constant 0 : i32
      %dma_wait3A_130 = tpu.memref_slice %arg6[%add3A_127, %dma_wait3A_129] : memref<80x125xi32, #tpu.memory_space<vmem>> -> memref<1x125xi32, #tpu.memory_space<vmem>>
      %dma_wait3A_131 = tpu.memref_squeeze %dma_wait3A_130 : memref<1x125xi32, #tpu.memory_space<vmem>> -> memref<125xi32, #tpu.memory_space<vmem>>
      %dma_wait3A_132 = arith.constant 0 : i32
      %dma_wait3A_133 = arith.constant 0 : i32
      %dma_wait3A_134 = tpu.memref_slice %arg8[%dma_wait3A_132, %dma_wait3A_133] : memref<10240x16xf32, #tpu.memory_space<vmem_shared>> -> memref<10240x16xf32, #tpu.memory_space<vmem_shared>>
      %dma_wait3A_135 = tpu.memref_slice %arg9[%dma_wait3A_128] : memref<8x!tpu.dma_semaphore, #tpu.memory_space<semaphore_mem>> -> memref<1x!tpu.dma_semaphore, #tpu.memory_space<semaphore_mem>>
      %dma_wait3A_136 = tpu.memref_squeeze %dma_wait3A_135 : memref<1x!tpu.dma_semaphore, #tpu.memory_space<semaphore_mem>> -> memref<!tpu.dma_semaphore, #tpu.memory_space<semaphore_mem>>
      tpu.wait_indirect_dma semaphore(%dma_wait3A_136 : memref<!tpu.dma_semaphore, #tpu.memory_space<semaphore_mem>>) src(%arg7 : memref<125x16xf32, #tpu.memory_space<vmem>>) dst(%dma_wait3A_134 : memref<10240x16xf32, #tpu.memory_space<vmem_shared>>)
      %add3A_137 = arith.constant 3 : i32
      %add3A_138 = arith.addi %mul3A_17, %add3A_137 : i32
      %dma_wait3A_139 = arith.constant 3 : i32
      %dma_wait3A_140 = arith.constant 0 : i32
      %dma_wait3A_141 = tpu.memref_slice %arg6[%add3A_138, %dma_wait3A_140] : memref<80x125xi32, #tpu.memory_space<vmem>> -> memref<1x125xi32, #tpu.memory_space<vmem>>
      %dma_wait3A_142 = tpu.memref_squeeze %dma_wait3A_141 : memref<1x125xi32, #tpu.memory_space<vmem>> -> memref<125xi32, #tpu.memory_space<vmem>>
      %dma_wait3A_143 = arith.constant 0 : i32
      %dma_wait3A_144 = arith.constant 0 : i32
      %dma_wait3A_145 = tpu.memref_slice %arg8[%dma_wait3A_143, %dma_wait3A_144] : memref<10240x16xf32, #tpu.memory_space<vmem_shared>> -> memref<10240x16xf32, #tpu.memory_space<vmem_shared>>
      %dma_wait3A_146 = tpu.memref_slice %arg9[%dma_wait3A_139] : memref<8x!tpu.dma_semaphore, #tpu.memory_space<semaphore_mem>> -> memref<1x!tpu.dma_semaphore, #tpu.memory_space<semaphore_mem>>
      %dma_wait3A_147 = tpu.memref_squeeze %dma_wait3A_146 : memref<1x!tpu.dma_semaphore, #tpu.memory_space<semaphore_mem>> -> memref<!tpu.dma_semaphore, #tpu.memory_space<semaphore_mem>>
      tpu.wait_indirect_dma semaphore(%dma_wait3A_147 : memref<!tpu.dma_semaphore, #tpu.memory_space<semaphore_mem>>) src(%arg7 : memref<125x16xf32, #tpu.memory_space<vmem>>) dst(%dma_wait3A_145 : memref<10240x16xf32, #tpu.memory_space<vmem_shared>>)
      %add3A_148 = arith.constant 4 : i32
      %add3A_149 = arith.addi %mul3A_17, %add3A_148 : i32
      %dma_wait3A_150 = arith.constant 4 : i32
      %dma_wait3A_151 = arith.constant 0 : i32
      %dma_wait3A_152 = tpu.memref_slice %arg6[%add3A_149, %dma_wait3A_151] : memref<80x125xi32, #tpu.memory_space<vmem>> -> memref<1x125xi32, #tpu.memory_space<vmem>>
      %dma_wait3A_153 = tpu.memref_squeeze %dma_wait3A_152 : memref<1x125xi32, #tpu.memory_space<vmem>> -> memref<125xi32, #tpu.memory_space<vmem>>
      %dma_wait3A_154 = arith.constant 0 : i32
      %dma_wait3A_155 = arith.constant 0 : i32
      %dma_wait3A_156 = tpu.memref_slice %arg8[%dma_wait3A_154, %dma_wait3A_155] : memref<10240x16xf32, #tpu.memory_space<vmem_shared>> -> memref<10240x16xf32, #tpu.memory_space<vmem_shared>>
      %dma_wait3A_157 = tpu.memref_slice %arg9[%dma_wait3A_150] : memref<8x!tpu.dma_semaphore, #tpu.memory_space<semaphore_mem>> -> memref<1x!tpu.dma_semaphore, #tpu.memory_space<semaphore_mem>>
      %dma_wait3A_158 = tpu.memref_squeeze %dma_wait3A_157 : memref<1x!tpu.dma_semaphore, #tpu.memory_space<semaphore_mem>> -> memref<!tpu.dma_semaphore, #tpu.memory_space<semaphore_mem>>
      tpu.wait_indirect_dma semaphore(%dma_wait3A_158 : memref<!tpu.dma_semaphore, #tpu.memory_space<semaphore_mem>>) src(%arg7 : memref<125x16xf32, #tpu.memory_space<vmem>>) dst(%dma_wait3A_156 : memref<10240x16xf32, #tpu.memory_space<vmem_shared>>)
      %add3A_159 = arith.constant 5 : i32
      %add3A_160 = arith.addi %mul3A_17, %add3A_159 : i32
      %dma_wait3A_161 = arith.constant 5 : i32
      %dma_wait3A_162 = arith.constant 0 : i32
      %dma_wait3A_163 = tpu.memref_slice %arg6[%add3A_160, %dma_wait3A_162] : memref<80x125xi32, #tpu.memory_space<vmem>> -> memref<1x125xi32, #tpu.memory_space<vmem>>
      %dma_wait3A_164 = tpu.memref_squeeze %dma_wait3A_163 : memref<1x125xi32, #tpu.memory_space<vmem>> -> memref<125xi32, #tpu.memory_space<vmem>>
      %dma_wait3A_165 = arith.constant 0 : i32
      %dma_wait3A_166 = arith.constant 0 : i32
      %dma_wait3A_167 = tpu.memref_slice %arg8[%dma_wait3A_165, %dma_wait3A_166] : memref<10240x16xf32, #tpu.memory_space<vmem_shared>> -> memref<10240x16xf32, #tpu.memory_space<vmem_shared>>
      %dma_wait3A_168 = tpu.memref_slice %arg9[%dma_wait3A_161] : memref<8x!tpu.dma_semaphore, #tpu.memory_space<semaphore_mem>> -> memref<1x!tpu.dma_semaphore, #tpu.memory_space<semaphore_mem>>
      %dma_wait3A_169 = tpu.memref_squeeze %dma_wait3A_168 : memref<1x!tpu.dma_semaphore, #tpu.memory_space<semaphore_mem>> -> memref<!tpu.dma_semaphore, #tpu.memory_space<semaphore_mem>>
      tpu.wait_indirect_dma semaphore(%dma_wait3A_169 : memref<!tpu.dma_semaphore, #tpu.memory_space<semaphore_mem>>) src(%arg7 : memref<125x16xf32, #tpu.memory_space<vmem>>) dst(%dma_wait3A_167 : memref<10240x16xf32, #tpu.memory_space<vmem_shared>>)
      %add3A_170 = arith.constant 6 : i32
      %add3A_171 = arith.addi %mul3A_17, %add3A_170 : i32
      %dma_wait3A_172 = arith.constant 6 : i32
      %dma_wait3A_173 = arith.constant 0 : i32
      %dma_wait3A_174 = tpu.memref_slice %arg6[%add3A_171, %dma_wait3A_173] : memref<80x125xi32, #tpu.memory_space<vmem>> -> memref<1x125xi32, #tpu.memory_space<vmem>>
      %dma_wait3A_175 = tpu.memref_squeeze %dma_wait3A_174 : memref<1x125xi32, #tpu.memory_space<vmem>> -> memref<125xi32, #tpu.memory_space<vmem>>
      %dma_wait3A_176 = arith.constant 0 : i32
      %dma_wait3A_177 = arith.constant 0 : i32
      %dma_wait3A_178 = tpu.memref_slice %arg8[%dma_wait3A_176, %dma_wait3A_177] : memref<10240x16xf32, #tpu.memory_space<vmem_shared>> -> memref<10240x16xf32, #tpu.memory_space<vmem_shared>>
      %dma_wait3A_179 = tpu.memref_slice %arg9[%dma_wait3A_172] : memref<8x!tpu.dma_semaphore, #tpu.memory_space<semaphore_mem>> -> memref<1x!tpu.dma_semaphore, #tpu.memory_space<semaphore_mem>>
      %dma_wait3A_180 = tpu.memref_squeeze %dma_wait3A_179 : memref<1x!tpu.dma_semaphore, #tpu.memory_space<semaphore_mem>> -> memref<!tpu.dma_semaphore, #tpu.memory_space<semaphore_mem>>
      tpu.wait_indirect_dma semaphore(%dma_wait3A_180 : memref<!tpu.dma_semaphore, #tpu.memory_space<semaphore_mem>>) src(%arg7 : memref<125x16xf32, #tpu.memory_space<vmem>>) dst(%dma_wait3A_178 : memref<10240x16xf32, #tpu.memory_space<vmem_shared>>)
      %add3A_181 = arith.constant 7 : i32
      %add3A_182 = arith.addi %mul3A_17, %add3A_181 : i32
      %dma_wait3A_183 = arith.constant 7 : i32
      %dma_wait3A_184 = arith.constant 0 : i32
      %dma_wait3A_185 = tpu.memref_slice %arg6[%add3A_182, %dma_wait3A_184] : memref<80x125xi32, #tpu.memory_space<vmem>> -> memref<1x125xi32, #tpu.memory_space<vmem>>
      %dma_wait3A_186 = tpu.memref_squeeze %dma_wait3A_185 : memref<1x125xi32, #tpu.memory_space<vmem>> -> memref<125xi32, #tpu.memory_space<vmem>>
      %dma_wait3A_187 = arith.constant 0 : i32
      %dma_wait3A_188 = arith.constant 0 : i32
      %dma_wait3A_189 = tpu.memref_slice %arg8[%dma_wait3A_187, %dma_wait3A_188] : memref<10240x16xf32, #tpu.memory_space<vmem_shared>> -> memref<10240x16xf32, #tpu.memory_space<vmem_shared>>
      %dma_wait3A_190 = tpu.memref_slice %arg9[%dma_wait3A_183] : memref<8x!tpu.dma_semaphore, #tpu.memory_space<semaphore_mem>> -> memref<1x!tpu.dma_semaphore, #tpu.memory_space<semaphore_mem>>
      %dma_wait3A_191 = tpu.memref_squeeze %dma_wait3A_190 : memref<1x!tpu.dma_semaphore, #tpu.memory_space<semaphore_mem>> -> memref<!tpu.dma_semaphore, #tpu.memory_space<semaphore_mem>>
      tpu.wait_indirect_dma semaphore(%dma_wait3A_191 : memref<!tpu.dma_semaphore, #tpu.memory_space<semaphore_mem>>) src(%arg7 : memref<125x16xf32, #tpu.memory_space<vmem>>) dst(%dma_wait3A_189 : memref<10240x16xf32, #tpu.memory_space<vmem_shared>>)
    }
    %scan3A_9 = arith.constant 10 : i32
    %barrier3A_10 = arith.constant 0 : index
    tpu.barrier barrier_id(%barrier3A_10)
    %mul3A_11 = arith.constant 640 : i32
    %mul3A_12 = arith.muli %arg1, %mul3A_11 : i32
    %mul3A_13 = arith.constant 640 : i32
    %mul3A_14 = arith.muli %arg1, %mul3A_13 : i32
    "tpu.region"() ({
      %run_scoped3A = tpu.sem_alloc : memref<!tpu.dma_semaphore, #tpu.memory_space<semaphore_mem>>
      %dma_start3A = arith.constant 0 : i32
      %dma_start3A_15 = tpu.memref_slice %arg5[%arg0, %mul3A_14, %dma_start3A] : memref<2x10240x128xf32, #tpu.memory_space<hbm>> -> memref<1x640x16xf32, #tpu.memory_space<hbm>>
      %dma_start3A_16 = tpu.memref_squeeze %dma_start3A_15 : memref<1x640x16xf32, #tpu.memory_space<hbm>> -> memref<640x16xf32, #tpu.memory_space<hbm>>
      %dma_start3A_17 = arith.constant 0 : i32
      %dma_start3A_18 = tpu.memref_slice %arg8[%mul3A_12, %dma_start3A_17] : memref<10240x16xf32, #tpu.memory_space<vmem_shared>> -> memref<640x16xf32, #tpu.memory_space<vmem_shared>>
      tpu.enqueue_dma source(%dma_start3A_18 : memref<640x16xf32, #tpu.memory_space<vmem_shared>>) target(%dma_start3A_16 : memref<640x16xf32, #tpu.memory_space<hbm>>) target_semaphore(%run_scoped3A : memref<!tpu.dma_semaphore, #tpu.memory_space<semaphore_mem>>)
      %dma_wait3A = arith.constant 0 : i32
      %dma_wait3A_19 = tpu.memref_slice %arg5[%arg0, %mul3A_14, %dma_wait3A] : memref<2x10240x128xf32, #tpu.memory_space<hbm>> -> memref<1x640x16xf32, #tpu.memory_space<hbm>>
      %dma_wait3A_20 = tpu.memref_squeeze %dma_wait3A_19 : memref<1x640x16xf32, #tpu.memory_space<hbm>> -> memref<640x16xf32, #tpu.memory_space<hbm>>
      %dma_wait3A_21 = arith.constant 0 : i32
      %dma_wait3A_22 = tpu.memref_slice %arg8[%mul3A_12, %dma_wait3A_21] : memref<10240x16xf32, #tpu.memory_space<vmem_shared>> -> memref<640x16xf32, #tpu.memory_space<vmem_shared>>
      tpu.wait_dma2 semaphore(%run_scoped3A : memref<!tpu.dma_semaphore, #tpu.memory_space<semaphore_mem>>) src(%dma_wait3A_22 : memref<640x16xf32, #tpu.memory_space<vmem_shared>>) dst(%dma_wait3A_20 : memref<640x16xf32, #tpu.memory_space<hbm>>)
      tpu.yield
    }) : () -> ()
    return
  }
}

#map = affine_map<(d0, d1) -> (0, 0)>
#map1 = affine_map<(d0, d1) -> (0, 0, 0)>
module attributes {stable_mosaic.version = 14 : i64} {
  func.func @_scatter_kernel(%arg0: i32, %arg1: i32, %arg2: memref<10000x16xf32, #tpu.memory_space<hbm>>, %arg3: memref<32x80x125xi32, #tpu.memory_space<hbm>>, %arg4: memref<32x80x125xi32, #tpu.memory_space<hbm>>, %arg5: memref<10240x16xf32, #tpu.memory_space<hbm>>, %arg6: memref<2x10240x128xf32, #tpu.memory_space<hbm>>, %arg7: memref<80x125xi32, #tpu.memory_space<vmem>>, %arg8: memref<80x125xi32, #tpu.memory_space<vmem>>, %arg9: memref<8x125x16xf32, #tpu.memory_space<vmem>>, %arg10: memref<10240x16xf32, #tpu.memory_space<vmem_shared>>, %arg11: memref<8x!tpu.dma_semaphore, #tpu.memory_space<semaphore_mem>>, %arg12: memref<8x!tpu.dma_semaphore, #tpu.memory_space<semaphore_mem>>) attributes {dimension_semantics = [#tpu.dimension_semantics<core_parallel>, #tpu.dimension_semantics<subcore_parallel>], iteration_bounds = array<i64: 2, 16>, scalar_prefetch = 0 : i64, scratch_operands = 6 : i64, tpu.core_type = #tpu.core_type<sc_vector_subcore>, window_params = [{transform_indices = #map}, {transform_indices = #map1}, {transform_indices = #map1}, {transform_indices = #map}, {transform_indices = #map1}]} {
    %mul3A = arith.constant 2 : i32
    %mul3A_0 = arith.muli %arg1, %mul3A : i32
    %add3A = arith.addi %mul3A_0, %arg0 : i32
    "tpu.region"() ({
      %run_scoped3A = tpu.sem_alloc : memref<!tpu.dma_semaphore, #tpu.memory_space<semaphore_mem>>
      %dma_start3A_134 = arith.constant 0 : i32
      %dma_start3A_135 = arith.constant 0 : i32
      %dma_start3A_136 = tpu.memref_slice %arg3[%add3A, %dma_start3A_134, %dma_start3A_135] : memref<32x80x125xi32, #tpu.memory_space<hbm>> -> memref<1x80x125xi32, #tpu.memory_space<hbm>>
      %dma_start3A_137 = tpu.memref_squeeze %dma_start3A_136 : memref<1x80x125xi32, #tpu.memory_space<hbm>> -> memref<80x125xi32, #tpu.memory_space<hbm>>
      %dma_start3A_138 = arith.constant 0 : i32
      %dma_start3A_139 = arith.constant 0 : i32
      %dma_start3A_140 = tpu.memref_slice %arg3[%add3A, %dma_start3A_138, %dma_start3A_139] : memref<32x80x125xi32, #tpu.memory_space<hbm>> -> memref<1x80x125xi32, #tpu.memory_space<hbm>>
      %dma_start3A_141 = tpu.memref_squeeze %dma_start3A_140 : memref<1x80x125xi32, #tpu.memory_space<hbm>> -> memref<80x125xi32, #tpu.memory_space<hbm>>
      tpu.enqueue_dma source(%dma_start3A_141 : memref<80x125xi32, #tpu.memory_space<hbm>>) target(%arg7 : memref<80x125xi32, #tpu.memory_space<vmem>>) target_semaphore(%run_scoped3A : memref<!tpu.dma_semaphore, #tpu.memory_space<semaphore_mem>>)
      %dma_wait3A = arith.constant 0 : i32
      %dma_wait3A_142 = arith.constant 0 : i32
      %dma_wait3A_143 = tpu.memref_slice %arg3[%add3A, %dma_wait3A, %dma_wait3A_142] : memref<32x80x125xi32, #tpu.memory_space<hbm>> -> memref<1x80x125xi32, #tpu.memory_space<hbm>>
      %dma_wait3A_144 = tpu.memref_squeeze %dma_wait3A_143 : memref<1x80x125xi32, #tpu.memory_space<hbm>> -> memref<80x125xi32, #tpu.memory_space<hbm>>
      %dma_wait3A_145 = arith.constant 0 : i32
      %dma_wait3A_146 = arith.constant 0 : i32
      %dma_wait3A_147 = tpu.memref_slice %arg3[%add3A, %dma_wait3A_145, %dma_wait3A_146] : memref<32x80x125xi32, #tpu.memory_space<hbm>> -> memref<1x80x125xi32, #tpu.memory_space<hbm>>
      %dma_wait3A_148 = tpu.memref_squeeze %dma_wait3A_147 : memref<1x80x125xi32, #tpu.memory_space<hbm>> -> memref<80x125xi32, #tpu.memory_space<hbm>>
      tpu.wait_dma2 semaphore(%run_scoped3A : memref<!tpu.dma_semaphore, #tpu.memory_space<semaphore_mem>>) src(%dma_wait3A_148 : memref<80x125xi32, #tpu.memory_space<hbm>>) dst(%arg7 : memref<80x125xi32, #tpu.memory_space<vmem>>)
      tpu.yield
    }) : () -> ()
    "tpu.region"() ({
      %run_scoped3A = tpu.sem_alloc : memref<!tpu.dma_semaphore, #tpu.memory_space<semaphore_mem>>
      %dma_start3A_134 = arith.constant 0 : i32
      %dma_start3A_135 = arith.constant 0 : i32
      %dma_start3A_136 = tpu.memref_slice %arg4[%add3A, %dma_start3A_134, %dma_start3A_135] : memref<32x80x125xi32, #tpu.memory_space<hbm>> -> memref<1x80x125xi32, #tpu.memory_space<hbm>>
      %dma_start3A_137 = tpu.memref_squeeze %dma_start3A_136 : memref<1x80x125xi32, #tpu.memory_space<hbm>> -> memref<80x125xi32, #tpu.memory_space<hbm>>
      %dma_start3A_138 = arith.constant 0 : i32
      %dma_start3A_139 = arith.constant 0 : i32
      %dma_start3A_140 = tpu.memref_slice %arg4[%add3A, %dma_start3A_138, %dma_start3A_139] : memref<32x80x125xi32, #tpu.memory_space<hbm>> -> memref<1x80x125xi32, #tpu.memory_space<hbm>>
      %dma_start3A_141 = tpu.memref_squeeze %dma_start3A_140 : memref<1x80x125xi32, #tpu.memory_space<hbm>> -> memref<80x125xi32, #tpu.memory_space<hbm>>
      tpu.enqueue_dma source(%dma_start3A_141 : memref<80x125xi32, #tpu.memory_space<hbm>>) target(%arg8 : memref<80x125xi32, #tpu.memory_space<vmem>>) target_semaphore(%run_scoped3A : memref<!tpu.dma_semaphore, #tpu.memory_space<semaphore_mem>>)
      %dma_wait3A = arith.constant 0 : i32
      %dma_wait3A_142 = arith.constant 0 : i32
      %dma_wait3A_143 = tpu.memref_slice %arg4[%add3A, %dma_wait3A, %dma_wait3A_142] : memref<32x80x125xi32, #tpu.memory_space<hbm>> -> memref<1x80x125xi32, #tpu.memory_space<hbm>>
      %dma_wait3A_144 = tpu.memref_squeeze %dma_wait3A_143 : memref<1x80x125xi32, #tpu.memory_space<hbm>> -> memref<80x125xi32, #tpu.memory_space<hbm>>
      %dma_wait3A_145 = arith.constant 0 : i32
      %dma_wait3A_146 = arith.constant 0 : i32
      %dma_wait3A_147 = tpu.memref_slice %arg4[%add3A, %dma_wait3A_145, %dma_wait3A_146] : memref<32x80x125xi32, #tpu.memory_space<hbm>> -> memref<1x80x125xi32, #tpu.memory_space<hbm>>
      %dma_wait3A_148 = tpu.memref_squeeze %dma_wait3A_147 : memref<1x80x125xi32, #tpu.memory_space<hbm>> -> memref<80x125xi32, #tpu.memory_space<hbm>>
      tpu.wait_dma2 semaphore(%run_scoped3A : memref<!tpu.dma_semaphore, #tpu.memory_space<semaphore_mem>>) src(%dma_wait3A_148 : memref<80x125xi32, #tpu.memory_space<hbm>>) dst(%arg8 : memref<80x125xi32, #tpu.memory_space<vmem>>)
      tpu.yield
    }) : () -> ()
    %mul3A_1 = arith.constant 640 : i32
    %mul3A_2 = arith.muli %arg1, %mul3A_1 : i32
    %mul3A_3 = arith.constant 640 : i32
    %mul3A_4 = arith.muli %arg1, %mul3A_3 : i32
    "tpu.region"() ({
      %run_scoped3A = tpu.sem_alloc : memref<!tpu.dma_semaphore, #tpu.memory_space<semaphore_mem>>
      %dma_start3A_134 = arith.constant 0 : i32
      %dma_start3A_135 = tpu.memref_slice %arg10[%mul3A_4, %dma_start3A_134] : memref<10240x16xf32, #tpu.memory_space<vmem_shared>> -> memref<640x16xf32, #tpu.memory_space<vmem_shared>>
      %dma_start3A_136 = arith.constant 0 : i32
      %dma_start3A_137 = tpu.memref_slice %arg5[%mul3A_2, %dma_start3A_136] : memref<10240x16xf32, #tpu.memory_space<hbm>> -> memref<640x16xf32, #tpu.memory_space<hbm>>
      tpu.enqueue_dma source(%dma_start3A_137 : memref<640x16xf32, #tpu.memory_space<hbm>>) target(%dma_start3A_135 : memref<640x16xf32, #tpu.memory_space<vmem_shared>>) target_semaphore(%run_scoped3A : memref<!tpu.dma_semaphore, #tpu.memory_space<semaphore_mem>>)
      %dma_wait3A = arith.constant 0 : i32
      %dma_wait3A_138 = tpu.memref_slice %arg10[%mul3A_4, %dma_wait3A] : memref<10240x16xf32, #tpu.memory_space<vmem_shared>> -> memref<640x16xf32, #tpu.memory_space<vmem_shared>>
      %dma_wait3A_139 = arith.constant 0 : i32
      %dma_wait3A_140 = tpu.memref_slice %arg5[%mul3A_2, %dma_wait3A_139] : memref<10240x16xf32, #tpu.memory_space<hbm>> -> memref<640x16xf32, #tpu.memory_space<hbm>>
      tpu.wait_dma2 semaphore(%run_scoped3A : memref<!tpu.dma_semaphore, #tpu.memory_space<semaphore_mem>>) src(%dma_wait3A_140 : memref<640x16xf32, #tpu.memory_space<hbm>>) dst(%dma_wait3A_138 : memref<640x16xf32, #tpu.memory_space<vmem_shared>>)
      tpu.yield
    }) : () -> ()
    %barrier3A = arith.constant 0 : index
    tpu.barrier barrier_id(%barrier3A)
    %dma_start3A = arith.constant 0 : i32
    %dma_start3A_5 = arith.constant 0 : i32
    %dma_start3A_6 = arith.constant 0 : i32
    %dma_start3A_7 = arith.constant 0 : i32
    %dma_start3A_8 = arith.constant 0 : i32
    %dma_start3A_9 = tpu.memref_slice %arg9[%dma_start3A_5, %dma_start3A_7, %dma_start3A_8] : memref<8x125x16xf32, #tpu.memory_space<vmem>> -> memref<1x125x16xf32, #tpu.memory_space<vmem>>
    %dma_start3A_10 = tpu.memref_squeeze %dma_start3A_9 : memref<1x125x16xf32, #tpu.memory_space<vmem>> -> memref<125x16xf32, #tpu.memory_space<vmem>>
    %dma_start3A_11 = arith.constant 0 : i32
    %dma_start3A_12 = tpu.memref_slice %arg7[%dma_start3A, %dma_start3A_11] : memref<80x125xi32, #tpu.memory_space<vmem>> -> memref<1x125xi32, #tpu.memory_space<vmem>>
    %dma_start3A_13 = tpu.memref_squeeze %dma_start3A_12 : memref<1x125xi32, #tpu.memory_space<vmem>> -> memref<125xi32, #tpu.memory_space<vmem>>
    %dma_start3A_14 = arith.constant 0 : i32
    %dma_start3A_15 = arith.constant 0 : i32
    %dma_start3A_16 = tpu.memref_slice %arg2[%dma_start3A_14, %dma_start3A_15] : memref<10000x16xf32, #tpu.memory_space<hbm>> -> memref<10000x16xf32, #tpu.memory_space<hbm>>
    %dma_start3A_17 = tpu.memref_slice %arg11[%dma_start3A_6] : memref<8x!tpu.dma_semaphore, #tpu.memory_space<semaphore_mem>> -> memref<1x!tpu.dma_semaphore, #tpu.memory_space<semaphore_mem>>
    %dma_start3A_18 = tpu.memref_squeeze %dma_start3A_17 : memref<1x!tpu.dma_semaphore, #tpu.memory_space<semaphore_mem>> -> memref<!tpu.dma_semaphore, #tpu.memory_space<semaphore_mem>>
    tpu.enqueue_indirect_dma source(%dma_start3A_16 : memref<10000x16xf32, #tpu.memory_space<hbm>>) target(%dma_start3A_10 : memref<125x16xf32, #tpu.memory_space<vmem>>) offsets(%dma_start3A_13 : memref<125xi32, #tpu.memory_space<vmem>>) semaphore(%dma_start3A_18 : memref<!tpu.dma_semaphore, #tpu.memory_space<semaphore_mem>>)
    %dma_start3A_19 = arith.constant 1 : i32
    %dma_start3A_20 = arith.constant 1 : i32
    %dma_start3A_21 = arith.constant 1 : i32
    %dma_start3A_22 = arith.constant 0 : i32
    %dma_start3A_23 = arith.constant 0 : i32
    %dma_start3A_24 = tpu.memref_slice %arg9[%dma_start3A_20, %dma_start3A_22, %dma_start3A_23] : memref<8x125x16xf32, #tpu.memory_space<vmem>> -> memref<1x125x16xf32, #tpu.memory_space<vmem>>
    %dma_start3A_25 = tpu.memref_squeeze %dma_start3A_24 : memref<1x125x16xf32, #tpu.memory_space<vmem>> -> memref<125x16xf32, #tpu.memory_space<vmem>>
    %dma_start3A_26 = arith.constant 0 : i32
    %dma_start3A_27 = tpu.memref_slice %arg7[%dma_start3A_19, %dma_start3A_26] : memref<80x125xi32, #tpu.memory_space<vmem>> -> memref<1x125xi32, #tpu.memory_space<vmem>>
    %dma_start3A_28 = tpu.memref_squeeze %dma_start3A_27 : memref<1x125xi32, #tpu.memory_space<vmem>> -> memref<125xi32, #tpu.memory_space<vmem>>
    %dma_start3A_29 = arith.constant 0 : i32
    %dma_start3A_30 = arith.constant 0 : i32
    %dma_start3A_31 = tpu.memref_slice %arg2[%dma_start3A_29, %dma_start3A_30] : memref<10000x16xf32, #tpu.memory_space<hbm>> -> memref<10000x16xf32, #tpu.memory_space<hbm>>
    %dma_start3A_32 = tpu.memref_slice %arg11[%dma_start3A_21] : memref<8x!tpu.dma_semaphore, #tpu.memory_space<semaphore_mem>> -> memref<1x!tpu.dma_semaphore, #tpu.memory_space<semaphore_mem>>
    %dma_start3A_33 = tpu.memref_squeeze %dma_start3A_32 : memref<1x!tpu.dma_semaphore, #tpu.memory_space<semaphore_mem>> -> memref<!tpu.dma_semaphore, #tpu.memory_space<semaphore_mem>>
    tpu.enqueue_indirect_dma source(%dma_start3A_31 : memref<10000x16xf32, #tpu.memory_space<hbm>>) target(%dma_start3A_25 : memref<125x16xf32, #tpu.memory_space<vmem>>) offsets(%dma_start3A_28 : memref<125xi32, #tpu.memory_space<vmem>>) semaphore(%dma_start3A_33 : memref<!tpu.dma_semaphore, #tpu.memory_space<semaphore_mem>>)
    %dma_start3A_34 = arith.constant 2 : i32
    %dma_start3A_35 = arith.constant 2 : i32
    %dma_start3A_36 = arith.constant 2 : i32
    %dma_start3A_37 = arith.constant 0 : i32
    %dma_start3A_38 = arith.constant 0 : i32
    %dma_start3A_39 = tpu.memref_slice %arg9[%dma_start3A_35, %dma_start3A_37, %dma_start3A_38] : memref<8x125x16xf32, #tpu.memory_space<vmem>> -> memref<1x125x16xf32, #tpu.memory_space<vmem>>
    %dma_start3A_40 = tpu.memref_squeeze %dma_start3A_39 : memref<1x125x16xf32, #tpu.memory_space<vmem>> -> memref<125x16xf32, #tpu.memory_space<vmem>>
    %dma_start3A_41 = arith.constant 0 : i32
    %dma_start3A_42 = tpu.memref_slice %arg7[%dma_start3A_34, %dma_start3A_41] : memref<80x125xi32, #tpu.memory_space<vmem>> -> memref<1x125xi32, #tpu.memory_space<vmem>>
    %dma_start3A_43 = tpu.memref_squeeze %dma_start3A_42 : memref<1x125xi32, #tpu.memory_space<vmem>> -> memref<125xi32, #tpu.memory_space<vmem>>
    %dma_start3A_44 = arith.constant 0 : i32
    %dma_start3A_45 = arith.constant 0 : i32
    %dma_start3A_46 = tpu.memref_slice %arg2[%dma_start3A_44, %dma_start3A_45] : memref<10000x16xf32, #tpu.memory_space<hbm>> -> memref<10000x16xf32, #tpu.memory_space<hbm>>
    %dma_start3A_47 = tpu.memref_slice %arg11[%dma_start3A_36] : memref<8x!tpu.dma_semaphore, #tpu.memory_space<semaphore_mem>> -> memref<1x!tpu.dma_semaphore, #tpu.memory_space<semaphore_mem>>
    %dma_start3A_48 = tpu.memref_squeeze %dma_start3A_47 : memref<1x!tpu.dma_semaphore, #tpu.memory_space<semaphore_mem>> -> memref<!tpu.dma_semaphore, #tpu.memory_space<semaphore_mem>>
    tpu.enqueue_indirect_dma source(%dma_start3A_46 : memref<10000x16xf32, #tpu.memory_space<hbm>>) target(%dma_start3A_40 : memref<125x16xf32, #tpu.memory_space<vmem>>) offsets(%dma_start3A_43 : memref<125xi32, #tpu.memory_space<vmem>>) semaphore(%dma_start3A_48 : memref<!tpu.dma_semaphore, #tpu.memory_space<semaphore_mem>>)
    %dma_start3A_49 = arith.constant 3 : i32
    %dma_start3A_50 = arith.constant 3 : i32
    %dma_start3A_51 = arith.constant 3 : i32
    %dma_start3A_52 = arith.constant 0 : i32
    %dma_start3A_53 = arith.constant 0 : i32
    %dma_start3A_54 = tpu.memref_slice %arg9[%dma_start3A_50, %dma_start3A_52, %dma_start3A_53] : memref<8x125x16xf32, #tpu.memory_space<vmem>> -> memref<1x125x16xf32, #tpu.memory_space<vmem>>
    %dma_start3A_55 = tpu.memref_squeeze %dma_start3A_54 : memref<1x125x16xf32, #tpu.memory_space<vmem>> -> memref<125x16xf32, #tpu.memory_space<vmem>>
    %dma_start3A_56 = arith.constant 0 : i32
    %dma_start3A_57 = tpu.memref_slice %arg7[%dma_start3A_49, %dma_start3A_56] : memref<80x125xi32, #tpu.memory_space<vmem>> -> memref<1x125xi32, #tpu.memory_space<vmem>>
    %dma_start3A_58 = tpu.memref_squeeze %dma_start3A_57 : memref<1x125xi32, #tpu.memory_space<vmem>> -> memref<125xi32, #tpu.memory_space<vmem>>
    %dma_start3A_59 = arith.constant 0 : i32
    %dma_start3A_60 = arith.constant 0 : i32
    %dma_start3A_61 = tpu.memref_slice %arg2[%dma_start3A_59, %dma_start3A_60] : memref<10000x16xf32, #tpu.memory_space<hbm>> -> memref<10000x16xf32, #tpu.memory_space<hbm>>
    %dma_start3A_62 = tpu.memref_slice %arg11[%dma_start3A_51] : memref<8x!tpu.dma_semaphore, #tpu.memory_space<semaphore_mem>> -> memref<1x!tpu.dma_semaphore, #tpu.memory_space<semaphore_mem>>
    %dma_start3A_63 = tpu.memref_squeeze %dma_start3A_62 : memref<1x!tpu.dma_semaphore, #tpu.memory_space<semaphore_mem>> -> memref<!tpu.dma_semaphore, #tpu.memory_space<semaphore_mem>>
    tpu.enqueue_indirect_dma source(%dma_start3A_61 : memref<10000x16xf32, #tpu.memory_space<hbm>>) target(%dma_start3A_55 : memref<125x16xf32, #tpu.memory_space<vmem>>) offsets(%dma_start3A_58 : memref<125xi32, #tpu.memory_space<vmem>>) semaphore(%dma_start3A_63 : memref<!tpu.dma_semaphore, #tpu.memory_space<semaphore_mem>>)
    %dma_start3A_64 = arith.constant 4 : i32
    %dma_start3A_65 = arith.constant 4 : i32
    %dma_start3A_66 = arith.constant 4 : i32
    %dma_start3A_67 = arith.constant 0 : i32
    %dma_start3A_68 = arith.constant 0 : i32
    %dma_start3A_69 = tpu.memref_slice %arg9[%dma_start3A_65, %dma_start3A_67, %dma_start3A_68] : memref<8x125x16xf32, #tpu.memory_space<vmem>> -> memref<1x125x16xf32, #tpu.memory_space<vmem>>
    %dma_start3A_70 = tpu.memref_squeeze %dma_start3A_69 : memref<1x125x16xf32, #tpu.memory_space<vmem>> -> memref<125x16xf32, #tpu.memory_space<vmem>>
    %dma_start3A_71 = arith.constant 0 : i32
    %dma_start3A_72 = tpu.memref_slice %arg7[%dma_start3A_64, %dma_start3A_71] : memref<80x125xi32, #tpu.memory_space<vmem>> -> memref<1x125xi32, #tpu.memory_space<vmem>>
    %dma_start3A_73 = tpu.memref_squeeze %dma_start3A_72 : memref<1x125xi32, #tpu.memory_space<vmem>> -> memref<125xi32, #tpu.memory_space<vmem>>
    %dma_start3A_74 = arith.constant 0 : i32
    %dma_start3A_75 = arith.constant 0 : i32
    %dma_start3A_76 = tpu.memref_slice %arg2[%dma_start3A_74, %dma_start3A_75] : memref<10000x16xf32, #tpu.memory_space<hbm>> -> memref<10000x16xf32, #tpu.memory_space<hbm>>
    %dma_start3A_77 = tpu.memref_slice %arg11[%dma_start3A_66] : memref<8x!tpu.dma_semaphore, #tpu.memory_space<semaphore_mem>> -> memref<1x!tpu.dma_semaphore, #tpu.memory_space<semaphore_mem>>
    %dma_start3A_78 = tpu.memref_squeeze %dma_start3A_77 : memref<1x!tpu.dma_semaphore, #tpu.memory_space<semaphore_mem>> -> memref<!tpu.dma_semaphore, #tpu.memory_space<semaphore_mem>>
    tpu.enqueue_indirect_dma source(%dma_start3A_76 : memref<10000x16xf32, #tpu.memory_space<hbm>>) target(%dma_start3A_70 : memref<125x16xf32, #tpu.memory_space<vmem>>) offsets(%dma_start3A_73 : memref<125xi32, #tpu.memory_space<vmem>>) semaphore(%dma_start3A_78 : memref<!tpu.dma_semaphore, #tpu.memory_space<semaphore_mem>>)
    %dma_start3A_79 = arith.constant 5 : i32
    %dma_start3A_80 = arith.constant 5 : i32
    %dma_start3A_81 = arith.constant 5 : i32
    %dma_start3A_82 = arith.constant 0 : i32
    %dma_start3A_83 = arith.constant 0 : i32
    %dma_start3A_84 = tpu.memref_slice %arg9[%dma_start3A_80, %dma_start3A_82, %dma_start3A_83] : memref<8x125x16xf32, #tpu.memory_space<vmem>> -> memref<1x125x16xf32, #tpu.memory_space<vmem>>
    %dma_start3A_85 = tpu.memref_squeeze %dma_start3A_84 : memref<1x125x16xf32, #tpu.memory_space<vmem>> -> memref<125x16xf32, #tpu.memory_space<vmem>>
    %dma_start3A_86 = arith.constant 0 : i32
    %dma_start3A_87 = tpu.memref_slice %arg7[%dma_start3A_79, %dma_start3A_86] : memref<80x125xi32, #tpu.memory_space<vmem>> -> memref<1x125xi32, #tpu.memory_space<vmem>>
    %dma_start3A_88 = tpu.memref_squeeze %dma_start3A_87 : memref<1x125xi32, #tpu.memory_space<vmem>> -> memref<125xi32, #tpu.memory_space<vmem>>
    %dma_start3A_89 = arith.constant 0 : i32
    %dma_start3A_90 = arith.constant 0 : i32
    %dma_start3A_91 = tpu.memref_slice %arg2[%dma_start3A_89, %dma_start3A_90] : memref<10000x16xf32, #tpu.memory_space<hbm>> -> memref<10000x16xf32, #tpu.memory_space<hbm>>
    %dma_start3A_92 = tpu.memref_slice %arg11[%dma_start3A_81] : memref<8x!tpu.dma_semaphore, #tpu.memory_space<semaphore_mem>> -> memref<1x!tpu.dma_semaphore, #tpu.memory_space<semaphore_mem>>
    %dma_start3A_93 = tpu.memref_squeeze %dma_start3A_92 : memref<1x!tpu.dma_semaphore, #tpu.memory_space<semaphore_mem>> -> memref<!tpu.dma_semaphore, #tpu.memory_space<semaphore_mem>>
    tpu.enqueue_indirect_dma source(%dma_start3A_91 : memref<10000x16xf32, #tpu.memory_space<hbm>>) target(%dma_start3A_85 : memref<125x16xf32, #tpu.memory_space<vmem>>) offsets(%dma_start3A_88 : memref<125xi32, #tpu.memory_space<vmem>>) semaphore(%dma_start3A_93 : memref<!tpu.dma_semaphore, #tpu.memory_space<semaphore_mem>>)
    %dma_start3A_94 = arith.constant 6 : i32
    %dma_start3A_95 = arith.constant 6 : i32
    %dma_start3A_96 = arith.constant 6 : i32
    %dma_start3A_97 = arith.constant 0 : i32
    %dma_start3A_98 = arith.constant 0 : i32
    %dma_start3A_99 = tpu.memref_slice %arg9[%dma_start3A_95, %dma_start3A_97, %dma_start3A_98] : memref<8x125x16xf32, #tpu.memory_space<vmem>> -> memref<1x125x16xf32, #tpu.memory_space<vmem>>
    %dma_start3A_100 = tpu.memref_squeeze %dma_start3A_99 : memref<1x125x16xf32, #tpu.memory_space<vmem>> -> memref<125x16xf32, #tpu.memory_space<vmem>>
    %dma_start3A_101 = arith.constant 0 : i32
    %dma_start3A_102 = tpu.memref_slice %arg7[%dma_start3A_94, %dma_start3A_101] : memref<80x125xi32, #tpu.memory_space<vmem>> -> memref<1x125xi32, #tpu.memory_space<vmem>>
    %dma_start3A_103 = tpu.memref_squeeze %dma_start3A_102 : memref<1x125xi32, #tpu.memory_space<vmem>> -> memref<125xi32, #tpu.memory_space<vmem>>
    %dma_start3A_104 = arith.constant 0 : i32
    %dma_start3A_105 = arith.constant 0 : i32
    %dma_start3A_106 = tpu.memref_slice %arg2[%dma_start3A_104, %dma_start3A_105] : memref<10000x16xf32, #tpu.memory_space<hbm>> -> memref<10000x16xf32, #tpu.memory_space<hbm>>
    %dma_start3A_107 = tpu.memref_slice %arg11[%dma_start3A_96] : memref<8x!tpu.dma_semaphore, #tpu.memory_space<semaphore_mem>> -> memref<1x!tpu.dma_semaphore, #tpu.memory_space<semaphore_mem>>
    %dma_start3A_108 = tpu.memref_squeeze %dma_start3A_107 : memref<1x!tpu.dma_semaphore, #tpu.memory_space<semaphore_mem>> -> memref<!tpu.dma_semaphore, #tpu.memory_space<semaphore_mem>>
    tpu.enqueue_indirect_dma source(%dma_start3A_106 : memref<10000x16xf32, #tpu.memory_space<hbm>>) target(%dma_start3A_100 : memref<125x16xf32, #tpu.memory_space<vmem>>) offsets(%dma_start3A_103 : memref<125xi32, #tpu.memory_space<vmem>>) semaphore(%dma_start3A_108 : memref<!tpu.dma_semaphore, #tpu.memory_space<semaphore_mem>>)
    %dma_start3A_109 = arith.constant 7 : i32
    %dma_start3A_110 = arith.constant 7 : i32
    %dma_start3A_111 = arith.constant 7 : i32
    %dma_start3A_112 = arith.constant 0 : i32
    %dma_start3A_113 = arith.constant 0 : i32
    %dma_start3A_114 = tpu.memref_slice %arg9[%dma_start3A_110, %dma_start3A_112, %dma_start3A_113] : memref<8x125x16xf32, #tpu.memory_space<vmem>> -> memref<1x125x16xf32, #tpu.memory_space<vmem>>
    %dma_start3A_115 = tpu.memref_squeeze %dma_start3A_114 : memref<1x125x16xf32, #tpu.memory_space<vmem>> -> memref<125x16xf32, #tpu.memory_space<vmem>>
    %dma_start3A_116 = arith.constant 0 : i32
    %dma_start3A_117 = tpu.memref_slice %arg7[%dma_start3A_109, %dma_start3A_116] : memref<80x125xi32, #tpu.memory_space<vmem>> -> memref<1x125xi32, #tpu.memory_space<vmem>>
    %dma_start3A_118 = tpu.memref_squeeze %dma_start3A_117 : memref<1x125xi32, #tpu.memory_space<vmem>> -> memref<125xi32, #tpu.memory_space<vmem>>
    %dma_start3A_119 = arith.constant 0 : i32
    %dma_start3A_120 = arith.constant 0 : i32
    %dma_start3A_121 = tpu.memref_slice %arg2[%dma_start3A_119, %dma_start3A_120] : memref<10000x16xf32, #tpu.memory_space<hbm>> -> memref<10000x16xf32, #tpu.memory_space<hbm>>
    %dma_start3A_122 = tpu.memref_slice %arg11[%dma_start3A_111] : memref<8x!tpu.dma_semaphore, #tpu.memory_space<semaphore_mem>> -> memref<1x!tpu.dma_semaphore, #tpu.memory_space<semaphore_mem>>
    %dma_start3A_123 = tpu.memref_squeeze %dma_start3A_122 : memref<1x!tpu.dma_semaphore, #tpu.memory_space<semaphore_mem>> -> memref<!tpu.dma_semaphore, #tpu.memory_space<semaphore_mem>>
    tpu.enqueue_indirect_dma source(%dma_start3A_121 : memref<10000x16xf32, #tpu.memory_space<hbm>>) target(%dma_start3A_115 : memref<125x16xf32, #tpu.memory_space<vmem>>) offsets(%dma_start3A_118 : memref<125xi32, #tpu.memory_space<vmem>>) semaphore(%dma_start3A_123 : memref<!tpu.dma_semaphore, #tpu.memory_space<semaphore_mem>>)
    %scan3A = arith.constant 0 : i32
    %scan3A_124 = arith.constant 0 : i32
    %scan3A_125 = arith.constant 10 : i32
    %scan3A_126 = arith.addi %scan3A_124, %scan3A_125 : i32
    %scan3A_127 = arith.constant 1 : i32
    scf.for %scan3A_134 = %scan3A_124 to %scan3A_126 step %scan3A_127  : i32 {
      %mul3A_135 = arith.constant 8 : i32
      %mul3A_136 = arith.muli %scan3A_134, %mul3A_135 : i32
      %add3A_137 = arith.constant 0 : i32
      %add3A_138 = arith.addi %mul3A_136, %add3A_137 : i32
      %dma_wait3A = arith.constant 0 : i32
      %dma_wait3A_139 = arith.constant 0 : i32
      %dma_wait3A_140 = arith.constant 0 : i32
      %dma_wait3A_141 = arith.constant 0 : i32
      %dma_wait3A_142 = tpu.memref_slice %arg9[%dma_wait3A, %dma_wait3A_140, %dma_wait3A_141] : memref<8x125x16xf32, #tpu.memory_space<vmem>> -> memref<1x125x16xf32, #tpu.memory_space<vmem>>
      %dma_wait3A_143 = tpu.memref_squeeze %dma_wait3A_142 : memref<1x125x16xf32, #tpu.memory_space<vmem>> -> memref<125x16xf32, #tpu.memory_space<vmem>>
      %dma_wait3A_144 = arith.constant 0 : i32
      %dma_wait3A_145 = tpu.memref_slice %arg7[%add3A_138, %dma_wait3A_144] : memref<80x125xi32, #tpu.memory_space<vmem>> -> memref<1x125xi32, #tpu.memory_space<vmem>>
      %dma_wait3A_146 = tpu.memref_squeeze %dma_wait3A_145 : memref<1x125xi32, #tpu.memory_space<vmem>> -> memref<125xi32, #tpu.memory_space<vmem>>
      %dma_wait3A_147 = arith.constant 0 : i32
      %dma_wait3A_148 = arith.constant 0 : i32
      %dma_wait3A_149 = tpu.memref_slice %arg2[%dma_wait3A_147, %dma_wait3A_148] : memref<10000x16xf32, #tpu.memory_space<hbm>> -> memref<10000x16xf32, #tpu.memory_space<hbm>>
      %dma_wait3A_150 = tpu.memref_slice %arg11[%dma_wait3A_139] : memref<8x!tpu.dma_semaphore, #tpu.memory_space<semaphore_mem>> -> memref<1x!tpu.dma_semaphore, #tpu.memory_space<semaphore_mem>>
      %dma_wait3A_151 = tpu.memref_squeeze %dma_wait3A_150 : memref<1x!tpu.dma_semaphore, #tpu.memory_space<semaphore_mem>> -> memref<!tpu.dma_semaphore, #tpu.memory_space<semaphore_mem>>
      tpu.wait_indirect_dma semaphore(%dma_wait3A_151 : memref<!tpu.dma_semaphore, #tpu.memory_space<semaphore_mem>>) src(%dma_wait3A_149 : memref<10000x16xf32, #tpu.memory_space<hbm>>) dst(%dma_wait3A_143 : memref<125x16xf32, #tpu.memory_space<vmem>>)
      %dma_start3A_152 = arith.constant 0 : i32
      %dma_start3A_153 = arith.constant 0 : i32
      %dma_start3A_154 = arith.constant 0 : i32
      %dma_start3A_155 = arith.constant 0 : i32
      %dma_start3A_156 = tpu.memref_slice %arg9[%dma_start3A_152, %dma_start3A_154, %dma_start3A_155] : memref<8x125x16xf32, #tpu.memory_space<vmem>> -> memref<1x125x16xf32, #tpu.memory_space<vmem>>
      %dma_start3A_157 = tpu.memref_squeeze %dma_start3A_156 : memref<1x125x16xf32, #tpu.memory_space<vmem>> -> memref<125x16xf32, #tpu.memory_space<vmem>>
      %dma_start3A_158 = arith.constant 0 : i32
      %dma_start3A_159 = tpu.memref_slice %arg8[%add3A_138, %dma_start3A_158] : memref<80x125xi32, #tpu.memory_space<vmem>> -> memref<1x125xi32, #tpu.memory_space<vmem>>
      %dma_start3A_160 = tpu.memref_squeeze %dma_start3A_159 : memref<1x125xi32, #tpu.memory_space<vmem>> -> memref<125xi32, #tpu.memory_space<vmem>>
      %dma_start3A_161 = arith.constant 0 : i32
      %dma_start3A_162 = arith.constant 0 : i32
      %dma_start3A_163 = tpu.memref_slice %arg10[%dma_start3A_161, %dma_start3A_162] : memref<10240x16xf32, #tpu.memory_space<vmem_shared>> -> memref<10240x16xf32, #tpu.memory_space<vmem_shared>>
      %dma_start3A_164 = tpu.memref_slice %arg12[%dma_start3A_153] : memref<8x!tpu.dma_semaphore, #tpu.memory_space<semaphore_mem>> -> memref<1x!tpu.dma_semaphore, #tpu.memory_space<semaphore_mem>>
      %dma_start3A_165 = tpu.memref_squeeze %dma_start3A_164 : memref<1x!tpu.dma_semaphore, #tpu.memory_space<semaphore_mem>> -> memref<!tpu.dma_semaphore, #tpu.memory_space<semaphore_mem>>
      tpu.enqueue_indirect_dma source(%dma_start3A_157 : memref<125x16xf32, #tpu.memory_space<vmem>>) target(%dma_start3A_163 : memref<10240x16xf32, #tpu.memory_space<vmem_shared>>) offsets(%dma_start3A_160 : memref<125xi32, #tpu.memory_space<vmem>>) semaphore(%dma_start3A_165 : memref<!tpu.dma_semaphore, #tpu.memory_space<semaphore_mem>>) {add = true}
      %add3A_166 = arith.constant 1 : i32
      %add3A_167 = arith.addi %mul3A_136, %add3A_166 : i32
      %dma_wait3A_168 = arith.constant 1 : i32
      %dma_wait3A_169 = arith.constant 1 : i32
      %dma_wait3A_170 = arith.constant 0 : i32
      %dma_wait3A_171 = arith.constant 0 : i32
      %dma_wait3A_172 = tpu.memref_slice %arg9[%dma_wait3A_168, %dma_wait3A_170, %dma_wait3A_171] : memref<8x125x16xf32, #tpu.memory_space<vmem>> -> memref<1x125x16xf32, #tpu.memory_space<vmem>>
      %dma_wait3A_173 = tpu.memref_squeeze %dma_wait3A_172 : memref<1x125x16xf32, #tpu.memory_space<vmem>> -> memref<125x16xf32, #tpu.memory_space<vmem>>
      %dma_wait3A_174 = arith.constant 0 : i32
      %dma_wait3A_175 = tpu.memref_slice %arg7[%add3A_167, %dma_wait3A_174] : memref<80x125xi32, #tpu.memory_space<vmem>> -> memref<1x125xi32, #tpu.memory_space<vmem>>
      %dma_wait3A_176 = tpu.memref_squeeze %dma_wait3A_175 : memref<1x125xi32, #tpu.memory_space<vmem>> -> memref<125xi32, #tpu.memory_space<vmem>>
      %dma_wait3A_177 = arith.constant 0 : i32
      %dma_wait3A_178 = arith.constant 0 : i32
      %dma_wait3A_179 = tpu.memref_slice %arg2[%dma_wait3A_177, %dma_wait3A_178] : memref<10000x16xf32, #tpu.memory_space<hbm>> -> memref<10000x16xf32, #tpu.memory_space<hbm>>
      %dma_wait3A_180 = tpu.memref_slice %arg11[%dma_wait3A_169] : memref<8x!tpu.dma_semaphore, #tpu.memory_space<semaphore_mem>> -> memref<1x!tpu.dma_semaphore, #tpu.memory_space<semaphore_mem>>
      %dma_wait3A_181 = tpu.memref_squeeze %dma_wait3A_180 : memref<1x!tpu.dma_semaphore, #tpu.memory_space<semaphore_mem>> -> memref<!tpu.dma_semaphore, #tpu.memory_space<semaphore_mem>>
      tpu.wait_indirect_dma semaphore(%dma_wait3A_181 : memref<!tpu.dma_semaphore, #tpu.memory_space<semaphore_mem>>) src(%dma_wait3A_179 : memref<10000x16xf32, #tpu.memory_space<hbm>>) dst(%dma_wait3A_173 : memref<125x16xf32, #tpu.memory_space<vmem>>)
      %dma_start3A_182 = arith.constant 1 : i32
      %dma_start3A_183 = arith.constant 1 : i32
      %dma_start3A_184 = arith.constant 0 : i32
      %dma_start3A_185 = arith.constant 0 : i32
      %dma_start3A_186 = tpu.memref_slice %arg9[%dma_start3A_182, %dma_start3A_184, %dma_start3A_185] : memref<8x125x16xf32, #tpu.memory_space<vmem>> -> memref<1x125x16xf32, #tpu.memory_space<vmem>>
      %dma_start3A_187 = tpu.memref_squeeze %dma_start3A_186 : memref<1x125x16xf32, #tpu.memory_space<vmem>> -> memref<125x16xf32, #tpu.memory_space<vmem>>
      %dma_start3A_188 = arith.constant 0 : i32
      %dma_start3A_189 = tpu.memref_slice %arg8[%add3A_167, %dma_start3A_188] : memref<80x125xi32, #tpu.memory_space<vmem>> -> memref<1x125xi32, #tpu.memory_space<vmem>>
      %dma_start3A_190 = tpu.memref_squeeze %dma_start3A_189 : memref<1x125xi32, #tpu.memory_space<vmem>> -> memref<125xi32, #tpu.memory_space<vmem>>
      %dma_start3A_191 = arith.constant 0 : i32
      %dma_start3A_192 = arith.constant 0 : i32
      %dma_start3A_193 = tpu.memref_slice %arg10[%dma_start3A_191, %dma_start3A_192] : memref<10240x16xf32, #tpu.memory_space<vmem_shared>> -> memref<10240x16xf32, #tpu.memory_space<vmem_shared>>
      %dma_start3A_194 = tpu.memref_slice %arg12[%dma_start3A_183] : memref<8x!tpu.dma_semaphore, #tpu.memory_space<semaphore_mem>> -> memref<1x!tpu.dma_semaphore, #tpu.memory_space<semaphore_mem>>
      %dma_start3A_195 = tpu.memref_squeeze %dma_start3A_194 : memref<1x!tpu.dma_semaphore, #tpu.memory_space<semaphore_mem>> -> memref<!tpu.dma_semaphore, #tpu.memory_space<semaphore_mem>>
      tpu.enqueue_indirect_dma source(%dma_start3A_187 : memref<125x16xf32, #tpu.memory_space<vmem>>) target(%dma_start3A_193 : memref<10240x16xf32, #tpu.memory_space<vmem_shared>>) offsets(%dma_start3A_190 : memref<125xi32, #tpu.memory_space<vmem>>) semaphore(%dma_start3A_195 : memref<!tpu.dma_semaphore, #tpu.memory_space<semaphore_mem>>) {add = true}
      %add3A_196 = arith.constant 2 : i32
      %add3A_197 = arith.addi %mul3A_136, %add3A_196 : i32
      %dma_wait3A_198 = arith.constant 2 : i32
      %dma_wait3A_199 = arith.constant 2 : i32
      %dma_wait3A_200 = arith.constant 0 : i32
      %dma_wait3A_201 = arith.constant 0 : i32
      %dma_wait3A_202 = tpu.memref_slice %arg9[%dma_wait3A_198, %dma_wait3A_200, %dma_wait3A_201] : memref<8x125x16xf32, #tpu.memory_space<vmem>> -> memref<1x125x16xf32, #tpu.memory_space<vmem>>
      %dma_wait3A_203 = tpu.memref_squeeze %dma_wait3A_202 : memref<1x125x16xf32, #tpu.memory_space<vmem>> -> memref<125x16xf32, #tpu.memory_space<vmem>>
      %dma_wait3A_204 = arith.constant 0 : i32
      %dma_wait3A_205 = tpu.memref_slice %arg7[%add3A_197, %dma_wait3A_204] : memref<80x125xi32, #tpu.memory_space<vmem>> -> memref<1x125xi32, #tpu.memory_space<vmem>>
      %dma_wait3A_206 = tpu.memref_squeeze %dma_wait3A_205 : memref<1x125xi32, #tpu.memory_space<vmem>> -> memref<125xi32, #tpu.memory_space<vmem>>
      %dma_wait3A_207 = arith.constant 0 : i32
      %dma_wait3A_208 = arith.constant 0 : i32
      %dma_wait3A_209 = tpu.memref_slice %arg2[%dma_wait3A_207, %dma_wait3A_208] : memref<10000x16xf32, #tpu.memory_space<hbm>> -> memref<10000x16xf32, #tpu.memory_space<hbm>>
      %dma_wait3A_210 = tpu.memref_slice %arg11[%dma_wait3A_199] : memref<8x!tpu.dma_semaphore, #tpu.memory_space<semaphore_mem>> -> memref<1x!tpu.dma_semaphore, #tpu.memory_space<semaphore_mem>>
      %dma_wait3A_211 = tpu.memref_squeeze %dma_wait3A_210 : memref<1x!tpu.dma_semaphore, #tpu.memory_space<semaphore_mem>> -> memref<!tpu.dma_semaphore, #tpu.memory_space<semaphore_mem>>
      tpu.wait_indirect_dma semaphore(%dma_wait3A_211 : memref<!tpu.dma_semaphore, #tpu.memory_space<semaphore_mem>>) src(%dma_wait3A_209 : memref<10000x16xf32, #tpu.memory_space<hbm>>) dst(%dma_wait3A_203 : memref<125x16xf32, #tpu.memory_space<vmem>>)
      %dma_start3A_212 = arith.constant 2 : i32
      %dma_start3A_213 = arith.constant 2 : i32
      %dma_start3A_214 = arith.constant 0 : i32
      %dma_start3A_215 = arith.constant 0 : i32
      %dma_start3A_216 = tpu.memref_slice %arg9[%dma_start3A_212, %dma_start3A_214, %dma_start3A_215] : memref<8x125x16xf32, #tpu.memory_space<vmem>> -> memref<1x125x16xf32, #tpu.memory_space<vmem>>
      %dma_start3A_217 = tpu.memref_squeeze %dma_start3A_216 : memref<1x125x16xf32, #tpu.memory_space<vmem>> -> memref<125x16xf32, #tpu.memory_space<vmem>>
      %dma_start3A_218 = arith.constant 0 : i32
      %dma_start3A_219 = tpu.memref_slice %arg8[%add3A_197, %dma_start3A_218] : memref<80x125xi32, #tpu.memory_space<vmem>> -> memref<1x125xi32, #tpu.memory_space<vmem>>
      %dma_start3A_220 = tpu.memref_squeeze %dma_start3A_219 : memref<1x125xi32, #tpu.memory_space<vmem>> -> memref<125xi32, #tpu.memory_space<vmem>>
      %dma_start3A_221 = arith.constant 0 : i32
      %dma_start3A_222 = arith.constant 0 : i32
      %dma_start3A_223 = tpu.memref_slice %arg10[%dma_start3A_221, %dma_start3A_222] : memref<10240x16xf32, #tpu.memory_space<vmem_shared>> -> memref<10240x16xf32, #tpu.memory_space<vmem_shared>>
      %dma_start3A_224 = tpu.memref_slice %arg12[%dma_start3A_213] : memref<8x!tpu.dma_semaphore, #tpu.memory_space<semaphore_mem>> -> memref<1x!tpu.dma_semaphore, #tpu.memory_space<semaphore_mem>>
      %dma_start3A_225 = tpu.memref_squeeze %dma_start3A_224 : memref<1x!tpu.dma_semaphore, #tpu.memory_space<semaphore_mem>> -> memref<!tpu.dma_semaphore, #tpu.memory_space<semaphore_mem>>
      tpu.enqueue_indirect_dma source(%dma_start3A_217 : memref<125x16xf32, #tpu.memory_space<vmem>>) target(%dma_start3A_223 : memref<10240x16xf32, #tpu.memory_space<vmem_shared>>) offsets(%dma_start3A_220 : memref<125xi32, #tpu.memory_space<vmem>>) semaphore(%dma_start3A_225 : memref<!tpu.dma_semaphore, #tpu.memory_space<semaphore_mem>>) {add = true}
      %add3A_226 = arith.constant 3 : i32
      %add3A_227 = arith.addi %mul3A_136, %add3A_226 : i32
      %dma_wait3A_228 = arith.constant 3 : i32
      %dma_wait3A_229 = arith.constant 3 : i32
      %dma_wait3A_230 = arith.constant 0 : i32
      %dma_wait3A_231 = arith.constant 0 : i32
      %dma_wait3A_232 = tpu.memref_slice %arg9[%dma_wait3A_228, %dma_wait3A_230, %dma_wait3A_231] : memref<8x125x16xf32, #tpu.memory_space<vmem>> -> memref<1x125x16xf32, #tpu.memory_space<vmem>>
      %dma_wait3A_233 = tpu.memref_squeeze %dma_wait3A_232 : memref<1x125x16xf32, #tpu.memory_space<vmem>> -> memref<125x16xf32, #tpu.memory_space<vmem>>
      %dma_wait3A_234 = arith.constant 0 : i32
      %dma_wait3A_235 = tpu.memref_slice %arg7[%add3A_227, %dma_wait3A_234] : memref<80x125xi32, #tpu.memory_space<vmem>> -> memref<1x125xi32, #tpu.memory_space<vmem>>
      %dma_wait3A_236 = tpu.memref_squeeze %dma_wait3A_235 : memref<1x125xi32, #tpu.memory_space<vmem>> -> memref<125xi32, #tpu.memory_space<vmem>>
      %dma_wait3A_237 = arith.constant 0 : i32
      %dma_wait3A_238 = arith.constant 0 : i32
      %dma_wait3A_239 = tpu.memref_slice %arg2[%dma_wait3A_237, %dma_wait3A_238] : memref<10000x16xf32, #tpu.memory_space<hbm>> -> memref<10000x16xf32, #tpu.memory_space<hbm>>
      %dma_wait3A_240 = tpu.memref_slice %arg11[%dma_wait3A_229] : memref<8x!tpu.dma_semaphore, #tpu.memory_space<semaphore_mem>> -> memref<1x!tpu.dma_semaphore, #tpu.memory_space<semaphore_mem>>
      %dma_wait3A_241 = tpu.memref_squeeze %dma_wait3A_240 : memref<1x!tpu.dma_semaphore, #tpu.memory_space<semaphore_mem>> -> memref<!tpu.dma_semaphore, #tpu.memory_space<semaphore_mem>>
      tpu.wait_indirect_dma semaphore(%dma_wait3A_241 : memref<!tpu.dma_semaphore, #tpu.memory_space<semaphore_mem>>) src(%dma_wait3A_239 : memref<10000x16xf32, #tpu.memory_space<hbm>>) dst(%dma_wait3A_233 : memref<125x16xf32, #tpu.memory_space<vmem>>)
      %dma_start3A_242 = arith.constant 3 : i32
      %dma_start3A_243 = arith.constant 3 : i32
      %dma_start3A_244 = arith.constant 0 : i32
      %dma_start3A_245 = arith.constant 0 : i32
      %dma_start3A_246 = tpu.memref_slice %arg9[%dma_start3A_242, %dma_start3A_244, %dma_start3A_245] : memref<8x125x16xf32, #tpu.memory_space<vmem>> -> memref<1x125x16xf32, #tpu.memory_space<vmem>>
      %dma_start3A_247 = tpu.memref_squeeze %dma_start3A_246 : memref<1x125x16xf32, #tpu.memory_space<vmem>> -> memref<125x16xf32, #tpu.memory_space<vmem>>
      %dma_start3A_248 = arith.constant 0 : i32
      %dma_start3A_249 = tpu.memref_slice %arg8[%add3A_227, %dma_start3A_248] : memref<80x125xi32, #tpu.memory_space<vmem>> -> memref<1x125xi32, #tpu.memory_space<vmem>>
      %dma_start3A_250 = tpu.memref_squeeze %dma_start3A_249 : memref<1x125xi32, #tpu.memory_space<vmem>> -> memref<125xi32, #tpu.memory_space<vmem>>
      %dma_start3A_251 = arith.constant 0 : i32
      %dma_start3A_252 = arith.constant 0 : i32
      %dma_start3A_253 = tpu.memref_slice %arg10[%dma_start3A_251, %dma_start3A_252] : memref<10240x16xf32, #tpu.memory_space<vmem_shared>> -> memref<10240x16xf32, #tpu.memory_space<vmem_shared>>
      %dma_start3A_254 = tpu.memref_slice %arg12[%dma_start3A_243] : memref<8x!tpu.dma_semaphore, #tpu.memory_space<semaphore_mem>> -> memref<1x!tpu.dma_semaphore, #tpu.memory_space<semaphore_mem>>
      %dma_start3A_255 = tpu.memref_squeeze %dma_start3A_254 : memref<1x!tpu.dma_semaphore, #tpu.memory_space<semaphore_mem>> -> memref<!tpu.dma_semaphore, #tpu.memory_space<semaphore_mem>>
      tpu.enqueue_indirect_dma source(%dma_start3A_247 : memref<125x16xf32, #tpu.memory_space<vmem>>) target(%dma_start3A_253 : memref<10240x16xf32, #tpu.memory_space<vmem_shared>>) offsets(%dma_start3A_250 : memref<125xi32, #tpu.memory_space<vmem>>) semaphore(%dma_start3A_255 : memref<!tpu.dma_semaphore, #tpu.memory_space<semaphore_mem>>) {add = true}
      %add3A_256 = arith.constant 4 : i32
      %add3A_257 = arith.addi %mul3A_136, %add3A_256 : i32
      %dma_wait3A_258 = arith.constant 4 : i32
      %dma_wait3A_259 = arith.constant 4 : i32
      %dma_wait3A_260 = arith.constant 0 : i32
      %dma_wait3A_261 = arith.constant 0 : i32
      %dma_wait3A_262 = tpu.memref_slice %arg9[%dma_wait3A_258, %dma_wait3A_260, %dma_wait3A_261] : memref<8x125x16xf32, #tpu.memory_space<vmem>> -> memref<1x125x16xf32, #tpu.memory_space<vmem>>
      %dma_wait3A_263 = tpu.memref_squeeze %dma_wait3A_262 : memref<1x125x16xf32, #tpu.memory_space<vmem>> -> memref<125x16xf32, #tpu.memory_space<vmem>>
      %dma_wait3A_264 = arith.constant 0 : i32
      %dma_wait3A_265 = tpu.memref_slice %arg7[%add3A_257, %dma_wait3A_264] : memref<80x125xi32, #tpu.memory_space<vmem>> -> memref<1x125xi32, #tpu.memory_space<vmem>>
      %dma_wait3A_266 = tpu.memref_squeeze %dma_wait3A_265 : memref<1x125xi32, #tpu.memory_space<vmem>> -> memref<125xi32, #tpu.memory_space<vmem>>
      %dma_wait3A_267 = arith.constant 0 : i32
      %dma_wait3A_268 = arith.constant 0 : i32
      %dma_wait3A_269 = tpu.memref_slice %arg2[%dma_wait3A_267, %dma_wait3A_268] : memref<10000x16xf32, #tpu.memory_space<hbm>> -> memref<10000x16xf32, #tpu.memory_space<hbm>>
      %dma_wait3A_270 = tpu.memref_slice %arg11[%dma_wait3A_259] : memref<8x!tpu.dma_semaphore, #tpu.memory_space<semaphore_mem>> -> memref<1x!tpu.dma_semaphore, #tpu.memory_space<semaphore_mem>>
      %dma_wait3A_271 = tpu.memref_squeeze %dma_wait3A_270 : memref<1x!tpu.dma_semaphore, #tpu.memory_space<semaphore_mem>> -> memref<!tpu.dma_semaphore, #tpu.memory_space<semaphore_mem>>
      tpu.wait_indirect_dma semaphore(%dma_wait3A_271 : memref<!tpu.dma_semaphore, #tpu.memory_space<semaphore_mem>>) src(%dma_wait3A_269 : memref<10000x16xf32, #tpu.memory_space<hbm>>) dst(%dma_wait3A_263 : memref<125x16xf32, #tpu.memory_space<vmem>>)
      %dma_start3A_272 = arith.constant 4 : i32
      %dma_start3A_273 = arith.constant 4 : i32
      %dma_start3A_274 = arith.constant 0 : i32
      %dma_start3A_275 = arith.constant 0 : i32
      %dma_start3A_276 = tpu.memref_slice %arg9[%dma_start3A_272, %dma_start3A_274, %dma_start3A_275] : memref<8x125x16xf32, #tpu.memory_space<vmem>> -> memref<1x125x16xf32, #tpu.memory_space<vmem>>
      %dma_start3A_277 = tpu.memref_squeeze %dma_start3A_276 : memref<1x125x16xf32, #tpu.memory_space<vmem>> -> memref<125x16xf32, #tpu.memory_space<vmem>>
      %dma_start3A_278 = arith.constant 0 : i32
      %dma_start3A_279 = tpu.memref_slice %arg8[%add3A_257, %dma_start3A_278] : memref<80x125xi32, #tpu.memory_space<vmem>> -> memref<1x125xi32, #tpu.memory_space<vmem>>
      %dma_start3A_280 = tpu.memref_squeeze %dma_start3A_279 : memref<1x125xi32, #tpu.memory_space<vmem>> -> memref<125xi32, #tpu.memory_space<vmem>>
      %dma_start3A_281 = arith.constant 0 : i32
      %dma_start3A_282 = arith.constant 0 : i32
      %dma_start3A_283 = tpu.memref_slice %arg10[%dma_start3A_281, %dma_start3A_282] : memref<10240x16xf32, #tpu.memory_space<vmem_shared>> -> memref<10240x16xf32, #tpu.memory_space<vmem_shared>>
      %dma_start3A_284 = tpu.memref_slice %arg12[%dma_start3A_273] : memref<8x!tpu.dma_semaphore, #tpu.memory_space<semaphore_mem>> -> memref<1x!tpu.dma_semaphore, #tpu.memory_space<semaphore_mem>>
      %dma_start3A_285 = tpu.memref_squeeze %dma_start3A_284 : memref<1x!tpu.dma_semaphore, #tpu.memory_space<semaphore_mem>> -> memref<!tpu.dma_semaphore, #tpu.memory_space<semaphore_mem>>
      tpu.enqueue_indirect_dma source(%dma_start3A_277 : memref<125x16xf32, #tpu.memory_space<vmem>>) target(%dma_start3A_283 : memref<10240x16xf32, #tpu.memory_space<vmem_shared>>) offsets(%dma_start3A_280 : memref<125xi32, #tpu.memory_space<vmem>>) semaphore(%dma_start3A_285 : memref<!tpu.dma_semaphore, #tpu.memory_space<semaphore_mem>>) {add = true}
      %add3A_286 = arith.constant 5 : i32
      %add3A_287 = arith.addi %mul3A_136, %add3A_286 : i32
      %dma_wait3A_288 = arith.constant 5 : i32
      %dma_wait3A_289 = arith.constant 5 : i32
      %dma_wait3A_290 = arith.constant 0 : i32
      %dma_wait3A_291 = arith.constant 0 : i32
      %dma_wait3A_292 = tpu.memref_slice %arg9[%dma_wait3A_288, %dma_wait3A_290, %dma_wait3A_291] : memref<8x125x16xf32, #tpu.memory_space<vmem>> -> memref<1x125x16xf32, #tpu.memory_space<vmem>>
      %dma_wait3A_293 = tpu.memref_squeeze %dma_wait3A_292 : memref<1x125x16xf32, #tpu.memory_space<vmem>> -> memref<125x16xf32, #tpu.memory_space<vmem>>
      %dma_wait3A_294 = arith.constant 0 : i32
      %dma_wait3A_295 = tpu.memref_slice %arg7[%add3A_287, %dma_wait3A_294] : memref<80x125xi32, #tpu.memory_space<vmem>> -> memref<1x125xi32, #tpu.memory_space<vmem>>
      %dma_wait3A_296 = tpu.memref_squeeze %dma_wait3A_295 : memref<1x125xi32, #tpu.memory_space<vmem>> -> memref<125xi32, #tpu.memory_space<vmem>>
      %dma_wait3A_297 = arith.constant 0 : i32
      %dma_wait3A_298 = arith.constant 0 : i32
      %dma_wait3A_299 = tpu.memref_slice %arg2[%dma_wait3A_297, %dma_wait3A_298] : memref<10000x16xf32, #tpu.memory_space<hbm>> -> memref<10000x16xf32, #tpu.memory_space<hbm>>
      %dma_wait3A_300 = tpu.memref_slice %arg11[%dma_wait3A_289] : memref<8x!tpu.dma_semaphore, #tpu.memory_space<semaphore_mem>> -> memref<1x!tpu.dma_semaphore, #tpu.memory_space<semaphore_mem>>
      %dma_wait3A_301 = tpu.memref_squeeze %dma_wait3A_300 : memref<1x!tpu.dma_semaphore, #tpu.memory_space<semaphore_mem>> -> memref<!tpu.dma_semaphore, #tpu.memory_space<semaphore_mem>>
      tpu.wait_indirect_dma semaphore(%dma_wait3A_301 : memref<!tpu.dma_semaphore, #tpu.memory_space<semaphore_mem>>) src(%dma_wait3A_299 : memref<10000x16xf32, #tpu.memory_space<hbm>>) dst(%dma_wait3A_293 : memref<125x16xf32, #tpu.memory_space<vmem>>)
      %dma_start3A_302 = arith.constant 5 : i32
      %dma_start3A_303 = arith.constant 5 : i32
      %dma_start3A_304 = arith.constant 0 : i32
      %dma_start3A_305 = arith.constant 0 : i32
      %dma_start3A_306 = tpu.memref_slice %arg9[%dma_start3A_302, %dma_start3A_304, %dma_start3A_305] : memref<8x125x16xf32, #tpu.memory_space<vmem>> -> memref<1x125x16xf32, #tpu.memory_space<vmem>>
      %dma_start3A_307 = tpu.memref_squeeze %dma_start3A_306 : memref<1x125x16xf32, #tpu.memory_space<vmem>> -> memref<125x16xf32, #tpu.memory_space<vmem>>
      %dma_start3A_308 = arith.constant 0 : i32
      %dma_start3A_309 = tpu.memref_slice %arg8[%add3A_287, %dma_start3A_308] : memref<80x125xi32, #tpu.memory_space<vmem>> -> memref<1x125xi32, #tpu.memory_space<vmem>>
      %dma_start3A_310 = tpu.memref_squeeze %dma_start3A_309 : memref<1x125xi32, #tpu.memory_space<vmem>> -> memref<125xi32, #tpu.memory_space<vmem>>
      %dma_start3A_311 = arith.constant 0 : i32
      %dma_start3A_312 = arith.constant 0 : i32
      %dma_start3A_313 = tpu.memref_slice %arg10[%dma_start3A_311, %dma_start3A_312] : memref<10240x16xf32, #tpu.memory_space<vmem_shared>> -> memref<10240x16xf32, #tpu.memory_space<vmem_shared>>
      %dma_start3A_314 = tpu.memref_slice %arg12[%dma_start3A_303] : memref<8x!tpu.dma_semaphore, #tpu.memory_space<semaphore_mem>> -> memref<1x!tpu.dma_semaphore, #tpu.memory_space<semaphore_mem>>
      %dma_start3A_315 = tpu.memref_squeeze %dma_start3A_314 : memref<1x!tpu.dma_semaphore, #tpu.memory_space<semaphore_mem>> -> memref<!tpu.dma_semaphore, #tpu.memory_space<semaphore_mem>>
      tpu.enqueue_indirect_dma source(%dma_start3A_307 : memref<125x16xf32, #tpu.memory_space<vmem>>) target(%dma_start3A_313 : memref<10240x16xf32, #tpu.memory_space<vmem_shared>>) offsets(%dma_start3A_310 : memref<125xi32, #tpu.memory_space<vmem>>) semaphore(%dma_start3A_315 : memref<!tpu.dma_semaphore, #tpu.memory_space<semaphore_mem>>) {add = true}
      %add3A_316 = arith.constant 6 : i32
      %add3A_317 = arith.addi %mul3A_136, %add3A_316 : i32
      %dma_wait3A_318 = arith.constant 6 : i32
      %dma_wait3A_319 = arith.constant 6 : i32
      %dma_wait3A_320 = arith.constant 0 : i32
      %dma_wait3A_321 = arith.constant 0 : i32
      %dma_wait3A_322 = tpu.memref_slice %arg9[%dma_wait3A_318, %dma_wait3A_320, %dma_wait3A_321] : memref<8x125x16xf32, #tpu.memory_space<vmem>> -> memref<1x125x16xf32, #tpu.memory_space<vmem>>
      %dma_wait3A_323 = tpu.memref_squeeze %dma_wait3A_322 : memref<1x125x16xf32, #tpu.memory_space<vmem>> -> memref<125x16xf32, #tpu.memory_space<vmem>>
      %dma_wait3A_324 = arith.constant 0 : i32
      %dma_wait3A_325 = tpu.memref_slice %arg7[%add3A_317, %dma_wait3A_324] : memref<80x125xi32, #tpu.memory_space<vmem>> -> memref<1x125xi32, #tpu.memory_space<vmem>>
      %dma_wait3A_326 = tpu.memref_squeeze %dma_wait3A_325 : memref<1x125xi32, #tpu.memory_space<vmem>> -> memref<125xi32, #tpu.memory_space<vmem>>
      %dma_wait3A_327 = arith.constant 0 : i32
      %dma_wait3A_328 = arith.constant 0 : i32
      %dma_wait3A_329 = tpu.memref_slice %arg2[%dma_wait3A_327, %dma_wait3A_328] : memref<10000x16xf32, #tpu.memory_space<hbm>> -> memref<10000x16xf32, #tpu.memory_space<hbm>>
      %dma_wait3A_330 = tpu.memref_slice %arg11[%dma_wait3A_319] : memref<8x!tpu.dma_semaphore, #tpu.memory_space<semaphore_mem>> -> memref<1x!tpu.dma_semaphore, #tpu.memory_space<semaphore_mem>>
      %dma_wait3A_331 = tpu.memref_squeeze %dma_wait3A_330 : memref<1x!tpu.dma_semaphore, #tpu.memory_space<semaphore_mem>> -> memref<!tpu.dma_semaphore, #tpu.memory_space<semaphore_mem>>
      tpu.wait_indirect_dma semaphore(%dma_wait3A_331 : memref<!tpu.dma_semaphore, #tpu.memory_space<semaphore_mem>>) src(%dma_wait3A_329 : memref<10000x16xf32, #tpu.memory_space<hbm>>) dst(%dma_wait3A_323 : memref<125x16xf32, #tpu.memory_space<vmem>>)
      %dma_start3A_332 = arith.constant 6 : i32
      %dma_start3A_333 = arith.constant 6 : i32
      %dma_start3A_334 = arith.constant 0 : i32
      %dma_start3A_335 = arith.constant 0 : i32
      %dma_start3A_336 = tpu.memref_slice %arg9[%dma_start3A_332, %dma_start3A_334, %dma_start3A_335] : memref<8x125x16xf32, #tpu.memory_space<vmem>> -> memref<1x125x16xf32, #tpu.memory_space<vmem>>
      %dma_start3A_337 = tpu.memref_squeeze %dma_start3A_336 : memref<1x125x16xf32, #tpu.memory_space<vmem>> -> memref<125x16xf32, #tpu.memory_space<vmem>>
      %dma_start3A_338 = arith.constant 0 : i32
      %dma_start3A_339 = tpu.memref_slice %arg8[%add3A_317, %dma_start3A_338] : memref<80x125xi32, #tpu.memory_space<vmem>> -> memref<1x125xi32, #tpu.memory_space<vmem>>
      %dma_start3A_340 = tpu.memref_squeeze %dma_start3A_339 : memref<1x125xi32, #tpu.memory_space<vmem>> -> memref<125xi32, #tpu.memory_space<vmem>>
      %dma_start3A_341 = arith.constant 0 : i32
      %dma_start3A_342 = arith.constant 0 : i32
      %dma_start3A_343 = tpu.memref_slice %arg10[%dma_start3A_341, %dma_start3A_342] : memref<10240x16xf32, #tpu.memory_space<vmem_shared>> -> memref<10240x16xf32, #tpu.memory_space<vmem_shared>>
      %dma_start3A_344 = tpu.memref_slice %arg12[%dma_start3A_333] : memref<8x!tpu.dma_semaphore, #tpu.memory_space<semaphore_mem>> -> memref<1x!tpu.dma_semaphore, #tpu.memory_space<semaphore_mem>>
      %dma_start3A_345 = tpu.memref_squeeze %dma_start3A_344 : memref<1x!tpu.dma_semaphore, #tpu.memory_space<semaphore_mem>> -> memref<!tpu.dma_semaphore, #tpu.memory_space<semaphore_mem>>
      tpu.enqueue_indirect_dma source(%dma_start3A_337 : memref<125x16xf32, #tpu.memory_space<vmem>>) target(%dma_start3A_343 : memref<10240x16xf32, #tpu.memory_space<vmem_shared>>) offsets(%dma_start3A_340 : memref<125xi32, #tpu.memory_space<vmem>>) semaphore(%dma_start3A_345 : memref<!tpu.dma_semaphore, #tpu.memory_space<semaphore_mem>>) {add = true}
      %add3A_346 = arith.constant 7 : i32
      %add3A_347 = arith.addi %mul3A_136, %add3A_346 : i32
      %dma_wait3A_348 = arith.constant 7 : i32
      %dma_wait3A_349 = arith.constant 7 : i32
      %dma_wait3A_350 = arith.constant 0 : i32
      %dma_wait3A_351 = arith.constant 0 : i32
      %dma_wait3A_352 = tpu.memref_slice %arg9[%dma_wait3A_348, %dma_wait3A_350, %dma_wait3A_351] : memref<8x125x16xf32, #tpu.memory_space<vmem>> -> memref<1x125x16xf32, #tpu.memory_space<vmem>>
      %dma_wait3A_353 = tpu.memref_squeeze %dma_wait3A_352 : memref<1x125x16xf32, #tpu.memory_space<vmem>> -> memref<125x16xf32, #tpu.memory_space<vmem>>
      %dma_wait3A_354 = arith.constant 0 : i32
      %dma_wait3A_355 = tpu.memref_slice %arg7[%add3A_347, %dma_wait3A_354] : memref<80x125xi32, #tpu.memory_space<vmem>> -> memref<1x125xi32, #tpu.memory_space<vmem>>
      %dma_wait3A_356 = tpu.memref_squeeze %dma_wait3A_355 : memref<1x125xi32, #tpu.memory_space<vmem>> -> memref<125xi32, #tpu.memory_space<vmem>>
      %dma_wait3A_357 = arith.constant 0 : i32
      %dma_wait3A_358 = arith.constant 0 : i32
      %dma_wait3A_359 = tpu.memref_slice %arg2[%dma_wait3A_357, %dma_wait3A_358] : memref<10000x16xf32, #tpu.memory_space<hbm>> -> memref<10000x16xf32, #tpu.memory_space<hbm>>
      %dma_wait3A_360 = tpu.memref_slice %arg11[%dma_wait3A_349] : memref<8x!tpu.dma_semaphore, #tpu.memory_space<semaphore_mem>> -> memref<1x!tpu.dma_semaphore, #tpu.memory_space<semaphore_mem>>
      %dma_wait3A_361 = tpu.memref_squeeze %dma_wait3A_360 : memref<1x!tpu.dma_semaphore, #tpu.memory_space<semaphore_mem>> -> memref<!tpu.dma_semaphore, #tpu.memory_space<semaphore_mem>>
      tpu.wait_indirect_dma semaphore(%dma_wait3A_361 : memref<!tpu.dma_semaphore, #tpu.memory_space<semaphore_mem>>) src(%dma_wait3A_359 : memref<10000x16xf32, #tpu.memory_space<hbm>>) dst(%dma_wait3A_353 : memref<125x16xf32, #tpu.memory_space<vmem>>)
      %dma_start3A_362 = arith.constant 7 : i32
      %dma_start3A_363 = arith.constant 7 : i32
      %dma_start3A_364 = arith.constant 0 : i32
      %dma_start3A_365 = arith.constant 0 : i32
      %dma_start3A_366 = tpu.memref_slice %arg9[%dma_start3A_362, %dma_start3A_364, %dma_start3A_365] : memref<8x125x16xf32, #tpu.memory_space<vmem>> -> memref<1x125x16xf32, #tpu.memory_space<vmem>>
      %dma_start3A_367 = tpu.memref_squeeze %dma_start3A_366 : memref<1x125x16xf32, #tpu.memory_space<vmem>> -> memref<125x16xf32, #tpu.memory_space<vmem>>
      %dma_start3A_368 = arith.constant 0 : i32
      %dma_start3A_369 = tpu.memref_slice %arg8[%add3A_347, %dma_start3A_368] : memref<80x125xi32, #tpu.memory_space<vmem>> -> memref<1x125xi32, #tpu.memory_space<vmem>>
      %dma_start3A_370 = tpu.memref_squeeze %dma_start3A_369 : memref<1x125xi32, #tpu.memory_space<vmem>> -> memref<125xi32, #tpu.memory_space<vmem>>
      %dma_start3A_371 = arith.constant 0 : i32
      %dma_start3A_372 = arith.constant 0 : i32
      %dma_start3A_373 = tpu.memref_slice %arg10[%dma_start3A_371, %dma_start3A_372] : memref<10240x16xf32, #tpu.memory_space<vmem_shared>> -> memref<10240x16xf32, #tpu.memory_space<vmem_shared>>
      %dma_start3A_374 = tpu.memref_slice %arg12[%dma_start3A_363] : memref<8x!tpu.dma_semaphore, #tpu.memory_space<semaphore_mem>> -> memref<1x!tpu.dma_semaphore, #tpu.memory_space<semaphore_mem>>
      %dma_start3A_375 = tpu.memref_squeeze %dma_start3A_374 : memref<1x!tpu.dma_semaphore, #tpu.memory_space<semaphore_mem>> -> memref<!tpu.dma_semaphore, #tpu.memory_space<semaphore_mem>>
      tpu.enqueue_indirect_dma source(%dma_start3A_367 : memref<125x16xf32, #tpu.memory_space<vmem>>) target(%dma_start3A_373 : memref<10240x16xf32, #tpu.memory_space<vmem_shared>>) offsets(%dma_start3A_370 : memref<125xi32, #tpu.memory_space<vmem>>) semaphore(%dma_start3A_375 : memref<!tpu.dma_semaphore, #tpu.memory_space<semaphore_mem>>) {add = true}
      %add3A_376 = arith.constant 0 : i32
      %add3A_377 = arith.addi %mul3A_136, %add3A_376 : i32
      %dma_wait3A_378 = arith.constant 0 : i32
      %dma_wait3A_379 = arith.constant 0 : i32
      %dma_wait3A_380 = arith.constant 0 : i32
      %dma_wait3A_381 = arith.constant 0 : i32
      %dma_wait3A_382 = tpu.memref_slice %arg9[%dma_wait3A_378, %dma_wait3A_380, %dma_wait3A_381] : memref<8x125x16xf32, #tpu.memory_space<vmem>> -> memref<1x125x16xf32, #tpu.memory_space<vmem>>
      %dma_wait3A_383 = tpu.memref_squeeze %dma_wait3A_382 : memref<1x125x16xf32, #tpu.memory_space<vmem>> -> memref<125x16xf32, #tpu.memory_space<vmem>>
      %dma_wait3A_384 = arith.constant 0 : i32
      %dma_wait3A_385 = tpu.memref_slice %arg8[%add3A_377, %dma_wait3A_384] : memref<80x125xi32, #tpu.memory_space<vmem>> -> memref<1x125xi32, #tpu.memory_space<vmem>>
      %dma_wait3A_386 = tpu.memref_squeeze %dma_wait3A_385 : memref<1x125xi32, #tpu.memory_space<vmem>> -> memref<125xi32, #tpu.memory_space<vmem>>
      %dma_wait3A_387 = arith.constant 0 : i32
      %dma_wait3A_388 = arith.constant 0 : i32
      %dma_wait3A_389 = tpu.memref_slice %arg10[%dma_wait3A_387, %dma_wait3A_388] : memref<10240x16xf32, #tpu.memory_space<vmem_shared>> -> memref<10240x16xf32, #tpu.memory_space<vmem_shared>>
      %dma_wait3A_390 = tpu.memref_slice %arg12[%dma_wait3A_379] : memref<8x!tpu.dma_semaphore, #tpu.memory_space<semaphore_mem>> -> memref<1x!tpu.dma_semaphore, #tpu.memory_space<semaphore_mem>>
      %dma_wait3A_391 = tpu.memref_squeeze %dma_wait3A_390 : memref<1x!tpu.dma_semaphore, #tpu.memory_space<semaphore_mem>> -> memref<!tpu.dma_semaphore, #tpu.memory_space<semaphore_mem>>
      tpu.wait_indirect_dma semaphore(%dma_wait3A_391 : memref<!tpu.dma_semaphore, #tpu.memory_space<semaphore_mem>>) src(%dma_wait3A_383 : memref<125x16xf32, #tpu.memory_space<vmem>>) dst(%dma_wait3A_389 : memref<10240x16xf32, #tpu.memory_space<vmem_shared>>)
      %lt3A = arith.constant 9 : i32
      %lt3A_392 = arith.cmpi slt, %scan3A_134, %lt3A : i32
      %convert_element_type3A = arith.extui %lt3A_392 : i1 to i32
      %cond3A = arith.constant 0 : i32
      %cond3A_393 = arith.cmpi ne, %convert_element_type3A, %cond3A : i32
      scf.if %cond3A_393 {
        %add3A_541 = arith.constant 8 : i32
        %add3A_542 = arith.addi %add3A_377, %add3A_541 : i32
        %dma_start3A_543 = arith.constant 0 : i32
        %dma_start3A_544 = arith.constant 0 : i32
        %dma_start3A_545 = arith.constant 0 : i32
        %dma_start3A_546 = arith.constant 0 : i32
        %dma_start3A_547 = tpu.memref_slice %arg9[%dma_start3A_543, %dma_start3A_545, %dma_start3A_546] : memref<8x125x16xf32, #tpu.memory_space<vmem>> -> memref<1x125x16xf32, #tpu.memory_space<vmem>>
        %dma_start3A_548 = tpu.memref_squeeze %dma_start3A_547 : memref<1x125x16xf32, #tpu.memory_space<vmem>> -> memref<125x16xf32, #tpu.memory_space<vmem>>
        %dma_start3A_549 = arith.constant 0 : i32
        %dma_start3A_550 = tpu.memref_slice %arg7[%add3A_542, %dma_start3A_549] : memref<80x125xi32, #tpu.memory_space<vmem>> -> memref<1x125xi32, #tpu.memory_space<vmem>>
        %dma_start3A_551 = tpu.memref_squeeze %dma_start3A_550 : memref<1x125xi32, #tpu.memory_space<vmem>> -> memref<125xi32, #tpu.memory_space<vmem>>
        %dma_start3A_552 = arith.constant 0 : i32
        %dma_start3A_553 = arith.constant 0 : i32
        %dma_start3A_554 = tpu.memref_slice %arg2[%dma_start3A_552, %dma_start3A_553] : memref<10000x16xf32, #tpu.memory_space<hbm>> -> memref<10000x16xf32, #tpu.memory_space<hbm>>
        %dma_start3A_555 = tpu.memref_slice %arg11[%dma_start3A_544] : memref<8x!tpu.dma_semaphore, #tpu.memory_space<semaphore_mem>> -> memref<1x!tpu.dma_semaphore, #tpu.memory_space<semaphore_mem>>
        %dma_start3A_556 = tpu.memref_squeeze %dma_start3A_555 : memref<1x!tpu.dma_semaphore, #tpu.memory_space<semaphore_mem>> -> memref<!tpu.dma_semaphore, #tpu.memory_space<semaphore_mem>>
        tpu.enqueue_indirect_dma source(%dma_start3A_554 : memref<10000x16xf32, #tpu.memory_space<hbm>>) target(%dma_start3A_548 : memref<125x16xf32, #tpu.memory_space<vmem>>) offsets(%dma_start3A_551 : memref<125xi32, #tpu.memory_space<vmem>>) semaphore(%dma_start3A_556 : memref<!tpu.dma_semaphore, #tpu.memory_space<semaphore_mem>>)
      } else {
      }
      %add3A_394 = arith.constant 1 : i32
      %add3A_395 = arith.addi %mul3A_136, %add3A_394 : i32
      %dma_wait3A_396 = arith.constant 1 : i32
      %dma_wait3A_397 = arith.constant 1 : i32
      %dma_wait3A_398 = arith.constant 0 : i32
      %dma_wait3A_399 = arith.constant 0 : i32
      %dma_wait3A_400 = tpu.memref_slice %arg9[%dma_wait3A_396, %dma_wait3A_398, %dma_wait3A_399] : memref<8x125x16xf32, #tpu.memory_space<vmem>> -> memref<1x125x16xf32, #tpu.memory_space<vmem>>
      %dma_wait3A_401 = tpu.memref_squeeze %dma_wait3A_400 : memref<1x125x16xf32, #tpu.memory_space<vmem>> -> memref<125x16xf32, #tpu.memory_space<vmem>>
      %dma_wait3A_402 = arith.constant 0 : i32
      %dma_wait3A_403 = tpu.memref_slice %arg8[%add3A_395, %dma_wait3A_402] : memref<80x125xi32, #tpu.memory_space<vmem>> -> memref<1x125xi32, #tpu.memory_space<vmem>>
      %dma_wait3A_404 = tpu.memref_squeeze %dma_wait3A_403 : memref<1x125xi32, #tpu.memory_space<vmem>> -> memref<125xi32, #tpu.memory_space<vmem>>
      %dma_wait3A_405 = arith.constant 0 : i32
      %dma_wait3A_406 = arith.constant 0 : i32
      %dma_wait3A_407 = tpu.memref_slice %arg10[%dma_wait3A_405, %dma_wait3A_406] : memref<10240x16xf32, #tpu.memory_space<vmem_shared>> -> memref<10240x16xf32, #tpu.memory_space<vmem_shared>>
      %dma_wait3A_408 = tpu.memref_slice %arg12[%dma_wait3A_397] : memref<8x!tpu.dma_semaphore, #tpu.memory_space<semaphore_mem>> -> memref<1x!tpu.dma_semaphore, #tpu.memory_space<semaphore_mem>>
      %dma_wait3A_409 = tpu.memref_squeeze %dma_wait3A_408 : memref<1x!tpu.dma_semaphore, #tpu.memory_space<semaphore_mem>> -> memref<!tpu.dma_semaphore, #tpu.memory_space<semaphore_mem>>
      tpu.wait_indirect_dma semaphore(%dma_wait3A_409 : memref<!tpu.dma_semaphore, #tpu.memory_space<semaphore_mem>>) src(%dma_wait3A_401 : memref<125x16xf32, #tpu.memory_space<vmem>>) dst(%dma_wait3A_407 : memref<10240x16xf32, #tpu.memory_space<vmem_shared>>)
      %lt3A_410 = arith.constant 9 : i32
      %lt3A_411 = arith.cmpi slt, %scan3A_134, %lt3A_410 : i32
      %convert_element_type3A_412 = arith.extui %lt3A_411 : i1 to i32
      %cond3A_413 = arith.constant 0 : i32
      %cond3A_414 = arith.cmpi ne, %convert_element_type3A_412, %cond3A_413 : i32
      scf.if %cond3A_414 {
        %add3A_541 = arith.constant 8 : i32
        %add3A_542 = arith.addi %add3A_395, %add3A_541 : i32
        %dma_start3A_543 = arith.constant 1 : i32
        %dma_start3A_544 = arith.constant 1 : i32
        %dma_start3A_545 = arith.constant 0 : i32
        %dma_start3A_546 = arith.constant 0 : i32
        %dma_start3A_547 = tpu.memref_slice %arg9[%dma_start3A_543, %dma_start3A_545, %dma_start3A_546] : memref<8x125x16xf32, #tpu.memory_space<vmem>> -> memref<1x125x16xf32, #tpu.memory_space<vmem>>
        %dma_start3A_548 = tpu.memref_squeeze %dma_start3A_547 : memref<1x125x16xf32, #tpu.memory_space<vmem>> -> memref<125x16xf32, #tpu.memory_space<vmem>>
        %dma_start3A_549 = arith.constant 0 : i32
        %dma_start3A_550 = tpu.memref_slice %arg7[%add3A_542, %dma_start3A_549] : memref<80x125xi32, #tpu.memory_space<vmem>> -> memref<1x125xi32, #tpu.memory_space<vmem>>
        %dma_start3A_551 = tpu.memref_squeeze %dma_start3A_550 : memref<1x125xi32, #tpu.memory_space<vmem>> -> memref<125xi32, #tpu.memory_space<vmem>>
        %dma_start3A_552 = arith.constant 0 : i32
        %dma_start3A_553 = arith.constant 0 : i32
        %dma_start3A_554 = tpu.memref_slice %arg2[%dma_start3A_552, %dma_start3A_553] : memref<10000x16xf32, #tpu.memory_space<hbm>> -> memref<10000x16xf32, #tpu.memory_space<hbm>>
        %dma_start3A_555 = tpu.memref_slice %arg11[%dma_start3A_544] : memref<8x!tpu.dma_semaphore, #tpu.memory_space<semaphore_mem>> -> memref<1x!tpu.dma_semaphore, #tpu.memory_space<semaphore_mem>>
        %dma_start3A_556 = tpu.memref_squeeze %dma_start3A_555 : memref<1x!tpu.dma_semaphore, #tpu.memory_space<semaphore_mem>> -> memref<!tpu.dma_semaphore, #tpu.memory_space<semaphore_mem>>
        tpu.enqueue_indirect_dma source(%dma_start3A_554 : memref<10000x16xf32, #tpu.memory_space<hbm>>) target(%dma_start3A_548 : memref<125x16xf32, #tpu.memory_space<vmem>>) offsets(%dma_start3A_551 : memref<125xi32, #tpu.memory_space<vmem>>) semaphore(%dma_start3A_556 : memref<!tpu.dma_semaphore, #tpu.memory_space<semaphore_mem>>)
      } else {
      }
      %add3A_415 = arith.constant 2 : i32
      %add3A_416 = arith.addi %mul3A_136, %add3A_415 : i32
      %dma_wait3A_417 = arith.constant 2 : i32
      %dma_wait3A_418 = arith.constant 2 : i32
      %dma_wait3A_419 = arith.constant 0 : i32
      %dma_wait3A_420 = arith.constant 0 : i32
      %dma_wait3A_421 = tpu.memref_slice %arg9[%dma_wait3A_417, %dma_wait3A_419, %dma_wait3A_420] : memref<8x125x16xf32, #tpu.memory_space<vmem>> -> memref<1x125x16xf32, #tpu.memory_space<vmem>>
      %dma_wait3A_422 = tpu.memref_squeeze %dma_wait3A_421 : memref<1x125x16xf32, #tpu.memory_space<vmem>> -> memref<125x16xf32, #tpu.memory_space<vmem>>
      %dma_wait3A_423 = arith.constant 0 : i32
      %dma_wait3A_424 = tpu.memref_slice %arg8[%add3A_416, %dma_wait3A_423] : memref<80x125xi32, #tpu.memory_space<vmem>> -> memref<1x125xi32, #tpu.memory_space<vmem>>
      %dma_wait3A_425 = tpu.memref_squeeze %dma_wait3A_424 : memref<1x125xi32, #tpu.memory_space<vmem>> -> memref<125xi32, #tpu.memory_space<vmem>>
      %dma_wait3A_426 = arith.constant 0 : i32
      %dma_wait3A_427 = arith.constant 0 : i32
      %dma_wait3A_428 = tpu.memref_slice %arg10[%dma_wait3A_426, %dma_wait3A_427] : memref<10240x16xf32, #tpu.memory_space<vmem_shared>> -> memref<10240x16xf32, #tpu.memory_space<vmem_shared>>
      %dma_wait3A_429 = tpu.memref_slice %arg12[%dma_wait3A_418] : memref<8x!tpu.dma_semaphore, #tpu.memory_space<semaphore_mem>> -> memref<1x!tpu.dma_semaphore, #tpu.memory_space<semaphore_mem>>
      %dma_wait3A_430 = tpu.memref_squeeze %dma_wait3A_429 : memref<1x!tpu.dma_semaphore, #tpu.memory_space<semaphore_mem>> -> memref<!tpu.dma_semaphore, #tpu.memory_space<semaphore_mem>>
      tpu.wait_indirect_dma semaphore(%dma_wait3A_430 : memref<!tpu.dma_semaphore, #tpu.memory_space<semaphore_mem>>) src(%dma_wait3A_422 : memref<125x16xf32, #tpu.memory_space<vmem>>) dst(%dma_wait3A_428 : memref<10240x16xf32, #tpu.memory_space<vmem_shared>>)
      %lt3A_431 = arith.constant 9 : i32
      %lt3A_432 = arith.cmpi slt, %scan3A_134, %lt3A_431 : i32
      %convert_element_type3A_433 = arith.extui %lt3A_432 : i1 to i32
      %cond3A_434 = arith.constant 0 : i32
      %cond3A_435 = arith.cmpi ne, %convert_element_type3A_433, %cond3A_434 : i32
      scf.if %cond3A_435 {
        %add3A_541 = arith.constant 8 : i32
        %add3A_542 = arith.addi %add3A_416, %add3A_541 : i32
        %dma_start3A_543 = arith.constant 2 : i32
        %dma_start3A_544 = arith.constant 2 : i32
        %dma_start3A_545 = arith.constant 0 : i32
        %dma_start3A_546 = arith.constant 0 : i32
        %dma_start3A_547 = tpu.memref_slice %arg9[%dma_start3A_543, %dma_start3A_545, %dma_start3A_546] : memref<8x125x16xf32, #tpu.memory_space<vmem>> -> memref<1x125x16xf32, #tpu.memory_space<vmem>>
        %dma_start3A_548 = tpu.memref_squeeze %dma_start3A_547 : memref<1x125x16xf32, #tpu.memory_space<vmem>> -> memref<125x16xf32, #tpu.memory_space<vmem>>
        %dma_start3A_549 = arith.constant 0 : i32
        %dma_start3A_550 = tpu.memref_slice %arg7[%add3A_542, %dma_start3A_549] : memref<80x125xi32, #tpu.memory_space<vmem>> -> memref<1x125xi32, #tpu.memory_space<vmem>>
        %dma_start3A_551 = tpu.memref_squeeze %dma_start3A_550 : memref<1x125xi32, #tpu.memory_space<vmem>> -> memref<125xi32, #tpu.memory_space<vmem>>
        %dma_start3A_552 = arith.constant 0 : i32
        %dma_start3A_553 = arith.constant 0 : i32
        %dma_start3A_554 = tpu.memref_slice %arg2[%dma_start3A_552, %dma_start3A_553] : memref<10000x16xf32, #tpu.memory_space<hbm>> -> memref<10000x16xf32, #tpu.memory_space<hbm>>
        %dma_start3A_555 = tpu.memref_slice %arg11[%dma_start3A_544] : memref<8x!tpu.dma_semaphore, #tpu.memory_space<semaphore_mem>> -> memref<1x!tpu.dma_semaphore, #tpu.memory_space<semaphore_mem>>
        %dma_start3A_556 = tpu.memref_squeeze %dma_start3A_555 : memref<1x!tpu.dma_semaphore, #tpu.memory_space<semaphore_mem>> -> memref<!tpu.dma_semaphore, #tpu.memory_space<semaphore_mem>>
        tpu.enqueue_indirect_dma source(%dma_start3A_554 : memref<10000x16xf32, #tpu.memory_space<hbm>>) target(%dma_start3A_548 : memref<125x16xf32, #tpu.memory_space<vmem>>) offsets(%dma_start3A_551 : memref<125xi32, #tpu.memory_space<vmem>>) semaphore(%dma_start3A_556 : memref<!tpu.dma_semaphore, #tpu.memory_space<semaphore_mem>>)
      } else {
      }
      %add3A_436 = arith.constant 3 : i32
      %add3A_437 = arith.addi %mul3A_136, %add3A_436 : i32
      %dma_wait3A_438 = arith.constant 3 : i32
      %dma_wait3A_439 = arith.constant 3 : i32
      %dma_wait3A_440 = arith.constant 0 : i32
      %dma_wait3A_441 = arith.constant 0 : i32
      %dma_wait3A_442 = tpu.memref_slice %arg9[%dma_wait3A_438, %dma_wait3A_440, %dma_wait3A_441] : memref<8x125x16xf32, #tpu.memory_space<vmem>> -> memref<1x125x16xf32, #tpu.memory_space<vmem>>
      %dma_wait3A_443 = tpu.memref_squeeze %dma_wait3A_442 : memref<1x125x16xf32, #tpu.memory_space<vmem>> -> memref<125x16xf32, #tpu.memory_space<vmem>>
      %dma_wait3A_444 = arith.constant 0 : i32
      %dma_wait3A_445 = tpu.memref_slice %arg8[%add3A_437, %dma_wait3A_444] : memref<80x125xi32, #tpu.memory_space<vmem>> -> memref<1x125xi32, #tpu.memory_space<vmem>>
      %dma_wait3A_446 = tpu.memref_squeeze %dma_wait3A_445 : memref<1x125xi32, #tpu.memory_space<vmem>> -> memref<125xi32, #tpu.memory_space<vmem>>
      %dma_wait3A_447 = arith.constant 0 : i32
      %dma_wait3A_448 = arith.constant 0 : i32
      %dma_wait3A_449 = tpu.memref_slice %arg10[%dma_wait3A_447, %dma_wait3A_448] : memref<10240x16xf32, #tpu.memory_space<vmem_shared>> -> memref<10240x16xf32, #tpu.memory_space<vmem_shared>>
      %dma_wait3A_450 = tpu.memref_slice %arg12[%dma_wait3A_439] : memref<8x!tpu.dma_semaphore, #tpu.memory_space<semaphore_mem>> -> memref<1x!tpu.dma_semaphore, #tpu.memory_space<semaphore_mem>>
      %dma_wait3A_451 = tpu.memref_squeeze %dma_wait3A_450 : memref<1x!tpu.dma_semaphore, #tpu.memory_space<semaphore_mem>> -> memref<!tpu.dma_semaphore, #tpu.memory_space<semaphore_mem>>
      tpu.wait_indirect_dma semaphore(%dma_wait3A_451 : memref<!tpu.dma_semaphore, #tpu.memory_space<semaphore_mem>>) src(%dma_wait3A_443 : memref<125x16xf32, #tpu.memory_space<vmem>>) dst(%dma_wait3A_449 : memref<10240x16xf32, #tpu.memory_space<vmem_shared>>)
      %lt3A_452 = arith.constant 9 : i32
      %lt3A_453 = arith.cmpi slt, %scan3A_134, %lt3A_452 : i32
      %convert_element_type3A_454 = arith.extui %lt3A_453 : i1 to i32
      %cond3A_455 = arith.constant 0 : i32
      %cond3A_456 = arith.cmpi ne, %convert_element_type3A_454, %cond3A_455 : i32
      scf.if %cond3A_456 {
        %add3A_541 = arith.constant 8 : i32
        %add3A_542 = arith.addi %add3A_437, %add3A_541 : i32
        %dma_start3A_543 = arith.constant 3 : i32
        %dma_start3A_544 = arith.constant 3 : i32
        %dma_start3A_545 = arith.constant 0 : i32
        %dma_start3A_546 = arith.constant 0 : i32
        %dma_start3A_547 = tpu.memref_slice %arg9[%dma_start3A_543, %dma_start3A_545, %dma_start3A_546] : memref<8x125x16xf32, #tpu.memory_space<vmem>> -> memref<1x125x16xf32, #tpu.memory_space<vmem>>
        %dma_start3A_548 = tpu.memref_squeeze %dma_start3A_547 : memref<1x125x16xf32, #tpu.memory_space<vmem>> -> memref<125x16xf32, #tpu.memory_space<vmem>>
        %dma_start3A_549 = arith.constant 0 : i32
        %dma_start3A_550 = tpu.memref_slice %arg7[%add3A_542, %dma_start3A_549] : memref<80x125xi32, #tpu.memory_space<vmem>> -> memref<1x125xi32, #tpu.memory_space<vmem>>
        %dma_start3A_551 = tpu.memref_squeeze %dma_start3A_550 : memref<1x125xi32, #tpu.memory_space<vmem>> -> memref<125xi32, #tpu.memory_space<vmem>>
        %dma_start3A_552 = arith.constant 0 : i32
        %dma_start3A_553 = arith.constant 0 : i32
        %dma_start3A_554 = tpu.memref_slice %arg2[%dma_start3A_552, %dma_start3A_553] : memref<10000x16xf32, #tpu.memory_space<hbm>> -> memref<10000x16xf32, #tpu.memory_space<hbm>>
        %dma_start3A_555 = tpu.memref_slice %arg11[%dma_start3A_544] : memref<8x!tpu.dma_semaphore, #tpu.memory_space<semaphore_mem>> -> memref<1x!tpu.dma_semaphore, #tpu.memory_space<semaphore_mem>>
        %dma_start3A_556 = tpu.memref_squeeze %dma_start3A_555 : memref<1x!tpu.dma_semaphore, #tpu.memory_space<semaphore_mem>> -> memref<!tpu.dma_semaphore, #tpu.memory_space<semaphore_mem>>
        tpu.enqueue_indirect_dma source(%dma_start3A_554 : memref<10000x16xf32, #tpu.memory_space<hbm>>) target(%dma_start3A_548 : memref<125x16xf32, #tpu.memory_space<vmem>>) offsets(%dma_start3A_551 : memref<125xi32, #tpu.memory_space<vmem>>) semaphore(%dma_start3A_556 : memref<!tpu.dma_semaphore, #tpu.memory_space<semaphore_mem>>)
      } else {
      }
      %add3A_457 = arith.constant 4 : i32
      %add3A_458 = arith.addi %mul3A_136, %add3A_457 : i32
      %dma_wait3A_459 = arith.constant 4 : i32
      %dma_wait3A_460 = arith.constant 4 : i32
      %dma_wait3A_461 = arith.constant 0 : i32
      %dma_wait3A_462 = arith.constant 0 : i32
      %dma_wait3A_463 = tpu.memref_slice %arg9[%dma_wait3A_459, %dma_wait3A_461, %dma_wait3A_462] : memref<8x125x16xf32, #tpu.memory_space<vmem>> -> memref<1x125x16xf32, #tpu.memory_space<vmem>>
      %dma_wait3A_464 = tpu.memref_squeeze %dma_wait3A_463 : memref<1x125x16xf32, #tpu.memory_space<vmem>> -> memref<125x16xf32, #tpu.memory_space<vmem>>
      %dma_wait3A_465 = arith.constant 0 : i32
      %dma_wait3A_466 = tpu.memref_slice %arg8[%add3A_458, %dma_wait3A_465] : memref<80x125xi32, #tpu.memory_space<vmem>> -> memref<1x125xi32, #tpu.memory_space<vmem>>
      %dma_wait3A_467 = tpu.memref_squeeze %dma_wait3A_466 : memref<1x125xi32, #tpu.memory_space<vmem>> -> memref<125xi32, #tpu.memory_space<vmem>>
      %dma_wait3A_468 = arith.constant 0 : i32
      %dma_wait3A_469 = arith.constant 0 : i32
      %dma_wait3A_470 = tpu.memref_slice %arg10[%dma_wait3A_468, %dma_wait3A_469] : memref<10240x16xf32, #tpu.memory_space<vmem_shared>> -> memref<10240x16xf32, #tpu.memory_space<vmem_shared>>
      %dma_wait3A_471 = tpu.memref_slice %arg12[%dma_wait3A_460] : memref<8x!tpu.dma_semaphore, #tpu.memory_space<semaphore_mem>> -> memref<1x!tpu.dma_semaphore, #tpu.memory_space<semaphore_mem>>
      %dma_wait3A_472 = tpu.memref_squeeze %dma_wait3A_471 : memref<1x!tpu.dma_semaphore, #tpu.memory_space<semaphore_mem>> -> memref<!tpu.dma_semaphore, #tpu.memory_space<semaphore_mem>>
      tpu.wait_indirect_dma semaphore(%dma_wait3A_472 : memref<!tpu.dma_semaphore, #tpu.memory_space<semaphore_mem>>) src(%dma_wait3A_464 : memref<125x16xf32, #tpu.memory_space<vmem>>) dst(%dma_wait3A_470 : memref<10240x16xf32, #tpu.memory_space<vmem_shared>>)
      %lt3A_473 = arith.constant 9 : i32
      %lt3A_474 = arith.cmpi slt, %scan3A_134, %lt3A_473 : i32
      %convert_element_type3A_475 = arith.extui %lt3A_474 : i1 to i32
      %cond3A_476 = arith.constant 0 : i32
      %cond3A_477 = arith.cmpi ne, %convert_element_type3A_475, %cond3A_476 : i32
      scf.if %cond3A_477 {
        %add3A_541 = arith.constant 8 : i32
        %add3A_542 = arith.addi %add3A_458, %add3A_541 : i32
        %dma_start3A_543 = arith.constant 4 : i32
        %dma_start3A_544 = arith.constant 4 : i32
        %dma_start3A_545 = arith.constant 0 : i32
        %dma_start3A_546 = arith.constant 0 : i32
        %dma_start3A_547 = tpu.memref_slice %arg9[%dma_start3A_543, %dma_start3A_545, %dma_start3A_546] : memref<8x125x16xf32, #tpu.memory_space<vmem>> -> memref<1x125x16xf32, #tpu.memory_space<vmem>>
        %dma_start3A_548 = tpu.memref_squeeze %dma_start3A_547 : memref<1x125x16xf32, #tpu.memory_space<vmem>> -> memref<125x16xf32, #tpu.memory_space<vmem>>
        %dma_start3A_549 = arith.constant 0 : i32
        %dma_start3A_550 = tpu.memref_slice %arg7[%add3A_542, %dma_start3A_549] : memref<80x125xi32, #tpu.memory_space<vmem>> -> memref<1x125xi32, #tpu.memory_space<vmem>>
        %dma_start3A_551 = tpu.memref_squeeze %dma_start3A_550 : memref<1x125xi32, #tpu.memory_space<vmem>> -> memref<125xi32, #tpu.memory_space<vmem>>
        %dma_start3A_552 = arith.constant 0 : i32
        %dma_start3A_553 = arith.constant 0 : i32
        %dma_start3A_554 = tpu.memref_slice %arg2[%dma_start3A_552, %dma_start3A_553] : memref<10000x16xf32, #tpu.memory_space<hbm>> -> memref<10000x16xf32, #tpu.memory_space<hbm>>
        %dma_start3A_555 = tpu.memref_slice %arg11[%dma_start3A_544] : memref<8x!tpu.dma_semaphore, #tpu.memory_space<semaphore_mem>> -> memref<1x!tpu.dma_semaphore, #tpu.memory_space<semaphore_mem>>
        %dma_start3A_556 = tpu.memref_squeeze %dma_start3A_555 : memref<1x!tpu.dma_semaphore, #tpu.memory_space<semaphore_mem>> -> memref<!tpu.dma_semaphore, #tpu.memory_space<semaphore_mem>>
        tpu.enqueue_indirect_dma source(%dma_start3A_554 : memref<10000x16xf32, #tpu.memory_space<hbm>>) target(%dma_start3A_548 : memref<125x16xf32, #tpu.memory_space<vmem>>) offsets(%dma_start3A_551 : memref<125xi32, #tpu.memory_space<vmem>>) semaphore(%dma_start3A_556 : memref<!tpu.dma_semaphore, #tpu.memory_space<semaphore_mem>>)
      } else {
      }
      %add3A_478 = arith.constant 5 : i32
      %add3A_479 = arith.addi %mul3A_136, %add3A_478 : i32
      %dma_wait3A_480 = arith.constant 5 : i32
      %dma_wait3A_481 = arith.constant 5 : i32
      %dma_wait3A_482 = arith.constant 0 : i32
      %dma_wait3A_483 = arith.constant 0 : i32
      %dma_wait3A_484 = tpu.memref_slice %arg9[%dma_wait3A_480, %dma_wait3A_482, %dma_wait3A_483] : memref<8x125x16xf32, #tpu.memory_space<vmem>> -> memref<1x125x16xf32, #tpu.memory_space<vmem>>
      %dma_wait3A_485 = tpu.memref_squeeze %dma_wait3A_484 : memref<1x125x16xf32, #tpu.memory_space<vmem>> -> memref<125x16xf32, #tpu.memory_space<vmem>>
      %dma_wait3A_486 = arith.constant 0 : i32
      %dma_wait3A_487 = tpu.memref_slice %arg8[%add3A_479, %dma_wait3A_486] : memref<80x125xi32, #tpu.memory_space<vmem>> -> memref<1x125xi32, #tpu.memory_space<vmem>>
      %dma_wait3A_488 = tpu.memref_squeeze %dma_wait3A_487 : memref<1x125xi32, #tpu.memory_space<vmem>> -> memref<125xi32, #tpu.memory_space<vmem>>
      %dma_wait3A_489 = arith.constant 0 : i32
      %dma_wait3A_490 = arith.constant 0 : i32
      %dma_wait3A_491 = tpu.memref_slice %arg10[%dma_wait3A_489, %dma_wait3A_490] : memref<10240x16xf32, #tpu.memory_space<vmem_shared>> -> memref<10240x16xf32, #tpu.memory_space<vmem_shared>>
      %dma_wait3A_492 = tpu.memref_slice %arg12[%dma_wait3A_481] : memref<8x!tpu.dma_semaphore, #tpu.memory_space<semaphore_mem>> -> memref<1x!tpu.dma_semaphore, #tpu.memory_space<semaphore_mem>>
      %dma_wait3A_493 = tpu.memref_squeeze %dma_wait3A_492 : memref<1x!tpu.dma_semaphore, #tpu.memory_space<semaphore_mem>> -> memref<!tpu.dma_semaphore, #tpu.memory_space<semaphore_mem>>
      tpu.wait_indirect_dma semaphore(%dma_wait3A_493 : memref<!tpu.dma_semaphore, #tpu.memory_space<semaphore_mem>>) src(%dma_wait3A_485 : memref<125x16xf32, #tpu.memory_space<vmem>>) dst(%dma_wait3A_491 : memref<10240x16xf32, #tpu.memory_space<vmem_shared>>)
      %lt3A_494 = arith.constant 9 : i32
      %lt3A_495 = arith.cmpi slt, %scan3A_134, %lt3A_494 : i32
      %convert_element_type3A_496 = arith.extui %lt3A_495 : i1 to i32
      %cond3A_497 = arith.constant 0 : i32
      %cond3A_498 = arith.cmpi ne, %convert_element_type3A_496, %cond3A_497 : i32
      scf.if %cond3A_498 {
        %add3A_541 = arith.constant 8 : i32
        %add3A_542 = arith.addi %add3A_479, %add3A_541 : i32
        %dma_start3A_543 = arith.constant 5 : i32
        %dma_start3A_544 = arith.constant 5 : i32
        %dma_start3A_545 = arith.constant 0 : i32
        %dma_start3A_546 = arith.constant 0 : i32
        %dma_start3A_547 = tpu.memref_slice %arg9[%dma_start3A_543, %dma_start3A_545, %dma_start3A_546] : memref<8x125x16xf32, #tpu.memory_space<vmem>> -> memref<1x125x16xf32, #tpu.memory_space<vmem>>
        %dma_start3A_548 = tpu.memref_squeeze %dma_start3A_547 : memref<1x125x16xf32, #tpu.memory_space<vmem>> -> memref<125x16xf32, #tpu.memory_space<vmem>>
        %dma_start3A_549 = arith.constant 0 : i32
        %dma_start3A_550 = tpu.memref_slice %arg7[%add3A_542, %dma_start3A_549] : memref<80x125xi32, #tpu.memory_space<vmem>> -> memref<1x125xi32, #tpu.memory_space<vmem>>
        %dma_start3A_551 = tpu.memref_squeeze %dma_start3A_550 : memref<1x125xi32, #tpu.memory_space<vmem>> -> memref<125xi32, #tpu.memory_space<vmem>>
        %dma_start3A_552 = arith.constant 0 : i32
        %dma_start3A_553 = arith.constant 0 : i32
        %dma_start3A_554 = tpu.memref_slice %arg2[%dma_start3A_552, %dma_start3A_553] : memref<10000x16xf32, #tpu.memory_space<hbm>> -> memref<10000x16xf32, #tpu.memory_space<hbm>>
        %dma_start3A_555 = tpu.memref_slice %arg11[%dma_start3A_544] : memref<8x!tpu.dma_semaphore, #tpu.memory_space<semaphore_mem>> -> memref<1x!tpu.dma_semaphore, #tpu.memory_space<semaphore_mem>>
        %dma_start3A_556 = tpu.memref_squeeze %dma_start3A_555 : memref<1x!tpu.dma_semaphore, #tpu.memory_space<semaphore_mem>> -> memref<!tpu.dma_semaphore, #tpu.memory_space<semaphore_mem>>
        tpu.enqueue_indirect_dma source(%dma_start3A_554 : memref<10000x16xf32, #tpu.memory_space<hbm>>) target(%dma_start3A_548 : memref<125x16xf32, #tpu.memory_space<vmem>>) offsets(%dma_start3A_551 : memref<125xi32, #tpu.memory_space<vmem>>) semaphore(%dma_start3A_556 : memref<!tpu.dma_semaphore, #tpu.memory_space<semaphore_mem>>)
      } else {
      }
      %add3A_499 = arith.constant 6 : i32
      %add3A_500 = arith.addi %mul3A_136, %add3A_499 : i32
      %dma_wait3A_501 = arith.constant 6 : i32
      %dma_wait3A_502 = arith.constant 6 : i32
      %dma_wait3A_503 = arith.constant 0 : i32
      %dma_wait3A_504 = arith.constant 0 : i32
      %dma_wait3A_505 = tpu.memref_slice %arg9[%dma_wait3A_501, %dma_wait3A_503, %dma_wait3A_504] : memref<8x125x16xf32, #tpu.memory_space<vmem>> -> memref<1x125x16xf32, #tpu.memory_space<vmem>>
      %dma_wait3A_506 = tpu.memref_squeeze %dma_wait3A_505 : memref<1x125x16xf32, #tpu.memory_space<vmem>> -> memref<125x16xf32, #tpu.memory_space<vmem>>
      %dma_wait3A_507 = arith.constant 0 : i32
      %dma_wait3A_508 = tpu.memref_slice %arg8[%add3A_500, %dma_wait3A_507] : memref<80x125xi32, #tpu.memory_space<vmem>> -> memref<1x125xi32, #tpu.memory_space<vmem>>
      %dma_wait3A_509 = tpu.memref_squeeze %dma_wait3A_508 : memref<1x125xi32, #tpu.memory_space<vmem>> -> memref<125xi32, #tpu.memory_space<vmem>>
      %dma_wait3A_510 = arith.constant 0 : i32
      %dma_wait3A_511 = arith.constant 0 : i32
      %dma_wait3A_512 = tpu.memref_slice %arg10[%dma_wait3A_510, %dma_wait3A_511] : memref<10240x16xf32, #tpu.memory_space<vmem_shared>> -> memref<10240x16xf32, #tpu.memory_space<vmem_shared>>
      %dma_wait3A_513 = tpu.memref_slice %arg12[%dma_wait3A_502] : memref<8x!tpu.dma_semaphore, #tpu.memory_space<semaphore_mem>> -> memref<1x!tpu.dma_semaphore, #tpu.memory_space<semaphore_mem>>
      %dma_wait3A_514 = tpu.memref_squeeze %dma_wait3A_513 : memref<1x!tpu.dma_semaphore, #tpu.memory_space<semaphore_mem>> -> memref<!tpu.dma_semaphore, #tpu.memory_space<semaphore_mem>>
      tpu.wait_indirect_dma semaphore(%dma_wait3A_514 : memref<!tpu.dma_semaphore, #tpu.memory_space<semaphore_mem>>) src(%dma_wait3A_506 : memref<125x16xf32, #tpu.memory_space<vmem>>) dst(%dma_wait3A_512 : memref<10240x16xf32, #tpu.memory_space<vmem_shared>>)
      %lt3A_515 = arith.constant 9 : i32
      %lt3A_516 = arith.cmpi slt, %scan3A_134, %lt3A_515 : i32
      %convert_element_type3A_517 = arith.extui %lt3A_516 : i1 to i32
      %cond3A_518 = arith.constant 0 : i32
      %cond3A_519 = arith.cmpi ne, %convert_element_type3A_517, %cond3A_518 : i32
      scf.if %cond3A_519 {
        %add3A_541 = arith.constant 8 : i32
        %add3A_542 = arith.addi %add3A_500, %add3A_541 : i32
        %dma_start3A_543 = arith.constant 6 : i32
        %dma_start3A_544 = arith.constant 6 : i32
        %dma_start3A_545 = arith.constant 0 : i32
        %dma_start3A_546 = arith.constant 0 : i32
        %dma_start3A_547 = tpu.memref_slice %arg9[%dma_start3A_543, %dma_start3A_545, %dma_start3A_546] : memref<8x125x16xf32, #tpu.memory_space<vmem>> -> memref<1x125x16xf32, #tpu.memory_space<vmem>>
        %dma_start3A_548 = tpu.memref_squeeze %dma_start3A_547 : memref<1x125x16xf32, #tpu.memory_space<vmem>> -> memref<125x16xf32, #tpu.memory_space<vmem>>
        %dma_start3A_549 = arith.constant 0 : i32
        %dma_start3A_550 = tpu.memref_slice %arg7[%add3A_542, %dma_start3A_549] : memref<80x125xi32, #tpu.memory_space<vmem>> -> memref<1x125xi32, #tpu.memory_space<vmem>>
        %dma_start3A_551 = tpu.memref_squeeze %dma_start3A_550 : memref<1x125xi32, #tpu.memory_space<vmem>> -> memref<125xi32, #tpu.memory_space<vmem>>
        %dma_start3A_552 = arith.constant 0 : i32
        %dma_start3A_553 = arith.constant 0 : i32
        %dma_start3A_554 = tpu.memref_slice %arg2[%dma_start3A_552, %dma_start3A_553] : memref<10000x16xf32, #tpu.memory_space<hbm>> -> memref<10000x16xf32, #tpu.memory_space<hbm>>
        %dma_start3A_555 = tpu.memref_slice %arg11[%dma_start3A_544] : memref<8x!tpu.dma_semaphore, #tpu.memory_space<semaphore_mem>> -> memref<1x!tpu.dma_semaphore, #tpu.memory_space<semaphore_mem>>
        %dma_start3A_556 = tpu.memref_squeeze %dma_start3A_555 : memref<1x!tpu.dma_semaphore, #tpu.memory_space<semaphore_mem>> -> memref<!tpu.dma_semaphore, #tpu.memory_space<semaphore_mem>>
        tpu.enqueue_indirect_dma source(%dma_start3A_554 : memref<10000x16xf32, #tpu.memory_space<hbm>>) target(%dma_start3A_548 : memref<125x16xf32, #tpu.memory_space<vmem>>) offsets(%dma_start3A_551 : memref<125xi32, #tpu.memory_space<vmem>>) semaphore(%dma_start3A_556 : memref<!tpu.dma_semaphore, #tpu.memory_space<semaphore_mem>>)
      } else {
      }
      %add3A_520 = arith.constant 7 : i32
      %add3A_521 = arith.addi %mul3A_136, %add3A_520 : i32
      %dma_wait3A_522 = arith.constant 7 : i32
      %dma_wait3A_523 = arith.constant 7 : i32
      %dma_wait3A_524 = arith.constant 0 : i32
      %dma_wait3A_525 = arith.constant 0 : i32
      %dma_wait3A_526 = tpu.memref_slice %arg9[%dma_wait3A_522, %dma_wait3A_524, %dma_wait3A_525] : memref<8x125x16xf32, #tpu.memory_space<vmem>> -> memref<1x125x16xf32, #tpu.memory_space<vmem>>
      %dma_wait3A_527 = tpu.memref_squeeze %dma_wait3A_526 : memref<1x125x16xf32, #tpu.memory_space<vmem>> -> memref<125x16xf32, #tpu.memory_space<vmem>>
      %dma_wait3A_528 = arith.constant 0 : i32
      %dma_wait3A_529 = tpu.memref_slice %arg8[%add3A_521, %dma_wait3A_528] : memref<80x125xi32, #tpu.memory_space<vmem>> -> memref<1x125xi32, #tpu.memory_space<vmem>>
      %dma_wait3A_530 = tpu.memref_squeeze %dma_wait3A_529 : memref<1x125xi32, #tpu.memory_space<vmem>> -> memref<125xi32, #tpu.memory_space<vmem>>
      %dma_wait3A_531 = arith.constant 0 : i32
      %dma_wait3A_532 = arith.constant 0 : i32
      %dma_wait3A_533 = tpu.memref_slice %arg10[%dma_wait3A_531, %dma_wait3A_532] : memref<10240x16xf32, #tpu.memory_space<vmem_shared>> -> memref<10240x16xf32, #tpu.memory_space<vmem_shared>>
      %dma_wait3A_534 = tpu.memref_slice %arg12[%dma_wait3A_523] : memref<8x!tpu.dma_semaphore, #tpu.memory_space<semaphore_mem>> -> memref<1x!tpu.dma_semaphore, #tpu.memory_space<semaphore_mem>>
      %dma_wait3A_535 = tpu.memref_squeeze %dma_wait3A_534 : memref<1x!tpu.dma_semaphore, #tpu.memory_space<semaphore_mem>> -> memref<!tpu.dma_semaphore, #tpu.memory_space<semaphore_mem>>
      tpu.wait_indirect_dma semaphore(%dma_wait3A_535 : memref<!tpu.dma_semaphore, #tpu.memory_space<semaphore_mem>>) src(%dma_wait3A_527 : memref<125x16xf32, #tpu.memory_space<vmem>>) dst(%dma_wait3A_533 : memref<10240x16xf32, #tpu.memory_space<vmem_shared>>)
      %lt3A_536 = arith.constant 9 : i32
      %lt3A_537 = arith.cmpi slt, %scan3A_134, %lt3A_536 : i32
      %convert_element_type3A_538 = arith.extui %lt3A_537 : i1 to i32
      %cond3A_539 = arith.constant 0 : i32
      %cond3A_540 = arith.cmpi ne, %convert_element_type3A_538, %cond3A_539 : i32
      scf.if %cond3A_540 {
        %add3A_541 = arith.constant 8 : i32
        %add3A_542 = arith.addi %add3A_521, %add3A_541 : i32
        %dma_start3A_543 = arith.constant 7 : i32
        %dma_start3A_544 = arith.constant 7 : i32
        %dma_start3A_545 = arith.constant 0 : i32
        %dma_start3A_546 = arith.constant 0 : i32
        %dma_start3A_547 = tpu.memref_slice %arg9[%dma_start3A_543, %dma_start3A_545, %dma_start3A_546] : memref<8x125x16xf32, #tpu.memory_space<vmem>> -> memref<1x125x16xf32, #tpu.memory_space<vmem>>
        %dma_start3A_548 = tpu.memref_squeeze %dma_start3A_547 : memref<1x125x16xf32, #tpu.memory_space<vmem>> -> memref<125x16xf32, #tpu.memory_space<vmem>>
        %dma_start3A_549 = arith.constant 0 : i32
        %dma_start3A_550 = tpu.memref_slice %arg7[%add3A_542, %dma_start3A_549] : memref<80x125xi32, #tpu.memory_space<vmem>> -> memref<1x125xi32, #tpu.memory_space<vmem>>
        %dma_start3A_551 = tpu.memref_squeeze %dma_start3A_550 : memref<1x125xi32, #tpu.memory_space<vmem>> -> memref<125xi32, #tpu.memory_space<vmem>>
        %dma_start3A_552 = arith.constant 0 : i32
        %dma_start3A_553 = arith.constant 0 : i32
        %dma_start3A_554 = tpu.memref_slice %arg2[%dma_start3A_552, %dma_start3A_553] : memref<10000x16xf32, #tpu.memory_space<hbm>> -> memref<10000x16xf32, #tpu.memory_space<hbm>>
        %dma_start3A_555 = tpu.memref_slice %arg11[%dma_start3A_544] : memref<8x!tpu.dma_semaphore, #tpu.memory_space<semaphore_mem>> -> memref<1x!tpu.dma_semaphore, #tpu.memory_space<semaphore_mem>>
        %dma_start3A_556 = tpu.memref_squeeze %dma_start3A_555 : memref<1x!tpu.dma_semaphore, #tpu.memory_space<semaphore_mem>> -> memref<!tpu.dma_semaphore, #tpu.memory_space<semaphore_mem>>
        tpu.enqueue_indirect_dma source(%dma_start3A_554 : memref<10000x16xf32, #tpu.memory_space<hbm>>) target(%dma_start3A_548 : memref<125x16xf32, #tpu.memory_space<vmem>>) offsets(%dma_start3A_551 : memref<125xi32, #tpu.memory_space<vmem>>) semaphore(%dma_start3A_556 : memref<!tpu.dma_semaphore, #tpu.memory_space<semaphore_mem>>)
      } else {
      }
    }
    %scan3A_128 = arith.constant 10 : i32
    %barrier3A_129 = arith.constant 0 : index
    tpu.barrier barrier_id(%barrier3A_129)
    %mul3A_130 = arith.constant 640 : i32
    %mul3A_131 = arith.muli %arg1, %mul3A_130 : i32
    %mul3A_132 = arith.constant 640 : i32
    %mul3A_133 = arith.muli %arg1, %mul3A_132 : i32
    "tpu.region"() ({
      %run_scoped3A = tpu.sem_alloc : memref<!tpu.dma_semaphore, #tpu.memory_space<semaphore_mem>>
      %dma_start3A_134 = arith.constant 0 : i32
      %dma_start3A_135 = tpu.memref_slice %arg6[%arg0, %mul3A_133, %dma_start3A_134] : memref<2x10240x128xf32, #tpu.memory_space<hbm>> -> memref<1x640x16xf32, #tpu.memory_space<hbm>>
      %dma_start3A_136 = tpu.memref_squeeze %dma_start3A_135 : memref<1x640x16xf32, #tpu.memory_space<hbm>> -> memref<640x16xf32, #tpu.memory_space<hbm>>
      %dma_start3A_137 = arith.constant 0 : i32
      %dma_start3A_138 = tpu.memref_slice %arg10[%mul3A_131, %dma_start3A_137] : memref<10240x16xf32, #tpu.memory_space<vmem_shared>> -> memref<640x16xf32, #tpu.memory_space<vmem_shared>>
      tpu.enqueue_dma source(%dma_start3A_138 : memref<640x16xf32, #tpu.memory_space<vmem_shared>>) target(%dma_start3A_136 : memref<640x16xf32, #tpu.memory_space<hbm>>) target_semaphore(%run_scoped3A : memref<!tpu.dma_semaphore, #tpu.memory_space<semaphore_mem>>)
      %dma_wait3A = arith.constant 0 : i32
      %dma_wait3A_139 = tpu.memref_slice %arg6[%arg0, %mul3A_133, %dma_wait3A] : memref<2x10240x128xf32, #tpu.memory_space<hbm>> -> memref<1x640x16xf32, #tpu.memory_space<hbm>>
      %dma_wait3A_140 = tpu.memref_squeeze %dma_wait3A_139 : memref<1x640x16xf32, #tpu.memory_space<hbm>> -> memref<640x16xf32, #tpu.memory_space<hbm>>
      %dma_wait3A_141 = arith.constant 0 : i32
      %dma_wait3A_142 = tpu.memref_slice %arg10[%mul3A_131, %dma_wait3A_141] : memref<10240x16xf32, #tpu.memory_space<vmem_shared>> -> memref<640x16xf32, #tpu.memory_space<vmem_shared>>
      tpu.wait_dma2 semaphore(%run_scoped3A : memref<!tpu.dma_semaphore, #tpu.memory_space<semaphore_mem>>) src(%dma_wait3A_142 : memref<640x16xf32, #tpu.memory_space<vmem_shared>>) dst(%dma_wait3A_140 : memref<640x16xf32, #tpu.memory_space<hbm>>)
      tpu.yield
    }) : () -> ()
    return
  }
}

#map = affine_map<(d0, d1) -> (0, 0)>
#map1 = affine_map<(d0, d1) -> (0, 0, 0)>
module attributes {stable_mosaic.version = 14 : i64} {
  func.func @_scatter_kernel(%arg0: i32, %arg1: i32, %arg2: memref<10000x16xf32, #tpu.memory_space<hbm>>, %arg3: memref<32x80x125xi32, #tpu.memory_space<hbm>>, %arg4: memref<32x80x125xi32, #tpu.memory_space<hbm>>, %arg5: memref<10240x16xf32, #tpu.memory_space<hbm>>, %arg6: memref<2x10240x128xf32, #tpu.memory_space<hbm>>, %arg7: memref<80x125xi32, #tpu.memory_space<vmem>>, %arg8: memref<80x125xi32, #tpu.memory_space<vmem>>, %arg9: memref<8x125x16xf32, #tpu.memory_space<vmem>>, %arg10: memref<10240x16xf32, #tpu.memory_space<vmem_shared>>, %arg11: memref<8x!tpu.dma_semaphore, #tpu.memory_space<semaphore_mem>>, %arg12: memref<8x!tpu.dma_semaphore, #tpu.memory_space<semaphore_mem>>) attributes {dimension_semantics = [#tpu.dimension_semantics<core_parallel>, #tpu.dimension_semantics<subcore_parallel>], iteration_bounds = array<i64: 2, 16>, scalar_prefetch = 0 : i64, scratch_operands = 6 : i64, tpu.core_type = #tpu.core_type<sc_vector_subcore>, window_params = [{transform_indices = #map}, {transform_indices = #map1}, {transform_indices = #map1}, {transform_indices = #map}, {transform_indices = #map1}]} {
    %mul3A = arith.constant 2 : i32
    %mul3A_0 = arith.muli %arg1, %mul3A : i32
    %add3A = arith.addi %mul3A_0, %arg0 : i32
    "tpu.region"() ({
      %run_scoped3A = tpu.sem_alloc : memref<!tpu.dma_semaphore, #tpu.memory_space<semaphore_mem>>
      %dma_start3A_134 = arith.constant 0 : i32
      %dma_start3A_135 = arith.constant 0 : i32
      %dma_start3A_136 = tpu.memref_slice %arg3[%add3A, %dma_start3A_134, %dma_start3A_135] : memref<32x80x125xi32, #tpu.memory_space<hbm>> -> memref<1x80x125xi32, #tpu.memory_space<hbm>>
      %dma_start3A_137 = tpu.memref_squeeze %dma_start3A_136 : memref<1x80x125xi32, #tpu.memory_space<hbm>> -> memref<80x125xi32, #tpu.memory_space<hbm>>
      %dma_start3A_138 = arith.constant 0 : i32
      %dma_start3A_139 = arith.constant 0 : i32
      %dma_start3A_140 = tpu.memref_slice %arg3[%add3A, %dma_start3A_138, %dma_start3A_139] : memref<32x80x125xi32, #tpu.memory_space<hbm>> -> memref<1x80x125xi32, #tpu.memory_space<hbm>>
      %dma_start3A_141 = tpu.memref_squeeze %dma_start3A_140 : memref<1x80x125xi32, #tpu.memory_space<hbm>> -> memref<80x125xi32, #tpu.memory_space<hbm>>
      tpu.enqueue_dma source(%dma_start3A_141 : memref<80x125xi32, #tpu.memory_space<hbm>>) target(%arg7 : memref<80x125xi32, #tpu.memory_space<vmem>>) target_semaphore(%run_scoped3A : memref<!tpu.dma_semaphore, #tpu.memory_space<semaphore_mem>>)
      %dma_wait3A = arith.constant 0 : i32
      %dma_wait3A_142 = arith.constant 0 : i32
      %dma_wait3A_143 = tpu.memref_slice %arg3[%add3A, %dma_wait3A, %dma_wait3A_142] : memref<32x80x125xi32, #tpu.memory_space<hbm>> -> memref<1x80x125xi32, #tpu.memory_space<hbm>>
      %dma_wait3A_144 = tpu.memref_squeeze %dma_wait3A_143 : memref<1x80x125xi32, #tpu.memory_space<hbm>> -> memref<80x125xi32, #tpu.memory_space<hbm>>
      %dma_wait3A_145 = arith.constant 0 : i32
      %dma_wait3A_146 = arith.constant 0 : i32
      %dma_wait3A_147 = tpu.memref_slice %arg3[%add3A, %dma_wait3A_145, %dma_wait3A_146] : memref<32x80x125xi32, #tpu.memory_space<hbm>> -> memref<1x80x125xi32, #tpu.memory_space<hbm>>
      %dma_wait3A_148 = tpu.memref_squeeze %dma_wait3A_147 : memref<1x80x125xi32, #tpu.memory_space<hbm>> -> memref<80x125xi32, #tpu.memory_space<hbm>>
      tpu.wait_dma2 semaphore(%run_scoped3A : memref<!tpu.dma_semaphore, #tpu.memory_space<semaphore_mem>>) src(%dma_wait3A_148 : memref<80x125xi32, #tpu.memory_space<hbm>>) dst(%arg7 : memref<80x125xi32, #tpu.memory_space<vmem>>)
      tpu.yield
    }) : () -> ()
    "tpu.region"() ({
      %run_scoped3A = tpu.sem_alloc : memref<!tpu.dma_semaphore, #tpu.memory_space<semaphore_mem>>
      %dma_start3A_134 = arith.constant 0 : i32
      %dma_start3A_135 = arith.constant 0 : i32
      %dma_start3A_136 = tpu.memref_slice %arg4[%add3A, %dma_start3A_134, %dma_start3A_135] : memref<32x80x125xi32, #tpu.memory_space<hbm>> -> memref<1x80x125xi32, #tpu.memory_space<hbm>>
      %dma_start3A_137 = tpu.memref_squeeze %dma_start3A_136 : memref<1x80x125xi32, #tpu.memory_space<hbm>> -> memref<80x125xi32, #tpu.memory_space<hbm>>
      %dma_start3A_138 = arith.constant 0 : i32
      %dma_start3A_139 = arith.constant 0 : i32
      %dma_start3A_140 = tpu.memref_slice %arg4[%add3A, %dma_start3A_138, %dma_start3A_139] : memref<32x80x125xi32, #tpu.memory_space<hbm>> -> memref<1x80x125xi32, #tpu.memory_space<hbm>>
      %dma_start3A_141 = tpu.memref_squeeze %dma_start3A_140 : memref<1x80x125xi32, #tpu.memory_space<hbm>> -> memref<80x125xi32, #tpu.memory_space<hbm>>
      tpu.enqueue_dma source(%dma_start3A_141 : memref<80x125xi32, #tpu.memory_space<hbm>>) target(%arg8 : memref<80x125xi32, #tpu.memory_space<vmem>>) target_semaphore(%run_scoped3A : memref<!tpu.dma_semaphore, #tpu.memory_space<semaphore_mem>>)
      %dma_wait3A = arith.constant 0 : i32
      %dma_wait3A_142 = arith.constant 0 : i32
      %dma_wait3A_143 = tpu.memref_slice %arg4[%add3A, %dma_wait3A, %dma_wait3A_142] : memref<32x80x125xi32, #tpu.memory_space<hbm>> -> memref<1x80x125xi32, #tpu.memory_space<hbm>>
      %dma_wait3A_144 = tpu.memref_squeeze %dma_wait3A_143 : memref<1x80x125xi32, #tpu.memory_space<hbm>> -> memref<80x125xi32, #tpu.memory_space<hbm>>
      %dma_wait3A_145 = arith.constant 0 : i32
      %dma_wait3A_146 = arith.constant 0 : i32
      %dma_wait3A_147 = tpu.memref_slice %arg4[%add3A, %dma_wait3A_145, %dma_wait3A_146] : memref<32x80x125xi32, #tpu.memory_space<hbm>> -> memref<1x80x125xi32, #tpu.memory_space<hbm>>
      %dma_wait3A_148 = tpu.memref_squeeze %dma_wait3A_147 : memref<1x80x125xi32, #tpu.memory_space<hbm>> -> memref<80x125xi32, #tpu.memory_space<hbm>>
      tpu.wait_dma2 semaphore(%run_scoped3A : memref<!tpu.dma_semaphore, #tpu.memory_space<semaphore_mem>>) src(%dma_wait3A_148 : memref<80x125xi32, #tpu.memory_space<hbm>>) dst(%arg8 : memref<80x125xi32, #tpu.memory_space<vmem>>)
      tpu.yield
    }) : () -> ()
    %mul3A_1 = arith.constant 640 : i32
    %mul3A_2 = arith.muli %arg1, %mul3A_1 : i32
    %mul3A_3 = arith.constant 640 : i32
    %mul3A_4 = arith.muli %arg1, %mul3A_3 : i32
    "tpu.region"() ({
      %run_scoped3A = tpu.sem_alloc : memref<!tpu.dma_semaphore, #tpu.memory_space<semaphore_mem>>
      %dma_start3A_134 = arith.constant 0 : i32
      %dma_start3A_135 = tpu.memref_slice %arg10[%mul3A_4, %dma_start3A_134] : memref<10240x16xf32, #tpu.memory_space<vmem_shared>> -> memref<640x16xf32, #tpu.memory_space<vmem_shared>>
      %dma_start3A_136 = arith.constant 0 : i32
      %dma_start3A_137 = tpu.memref_slice %arg5[%mul3A_2, %dma_start3A_136] : memref<10240x16xf32, #tpu.memory_space<hbm>> -> memref<640x16xf32, #tpu.memory_space<hbm>>
      tpu.enqueue_dma source(%dma_start3A_137 : memref<640x16xf32, #tpu.memory_space<hbm>>) target(%dma_start3A_135 : memref<640x16xf32, #tpu.memory_space<vmem_shared>>) target_semaphore(%run_scoped3A : memref<!tpu.dma_semaphore, #tpu.memory_space<semaphore_mem>>)
      %dma_wait3A = arith.constant 0 : i32
      %dma_wait3A_138 = tpu.memref_slice %arg10[%mul3A_4, %dma_wait3A] : memref<10240x16xf32, #tpu.memory_space<vmem_shared>> -> memref<640x16xf32, #tpu.memory_space<vmem_shared>>
      %dma_wait3A_139 = arith.constant 0 : i32
      %dma_wait3A_140 = tpu.memref_slice %arg5[%mul3A_2, %dma_wait3A_139] : memref<10240x16xf32, #tpu.memory_space<hbm>> -> memref<640x16xf32, #tpu.memory_space<hbm>>
      tpu.wait_dma2 semaphore(%run_scoped3A : memref<!tpu.dma_semaphore, #tpu.memory_space<semaphore_mem>>) src(%dma_wait3A_140 : memref<640x16xf32, #tpu.memory_space<hbm>>) dst(%dma_wait3A_138 : memref<640x16xf32, #tpu.memory_space<vmem_shared>>)
      tpu.yield
    }) : () -> ()
    %barrier3A = arith.constant 0 : index
    tpu.barrier barrier_id(%barrier3A)
    %dma_start3A = arith.constant 0 : i32
    %dma_start3A_5 = arith.constant 0 : i32
    %dma_start3A_6 = arith.constant 0 : i32
    %dma_start3A_7 = arith.constant 0 : i32
    %dma_start3A_8 = arith.constant 0 : i32
    %dma_start3A_9 = tpu.memref_slice %arg9[%dma_start3A_5, %dma_start3A_7, %dma_start3A_8] : memref<8x125x16xf32, #tpu.memory_space<vmem>> -> memref<1x125x16xf32, #tpu.memory_space<vmem>>
    %dma_start3A_10 = tpu.memref_squeeze %dma_start3A_9 : memref<1x125x16xf32, #tpu.memory_space<vmem>> -> memref<125x16xf32, #tpu.memory_space<vmem>>
    %dma_start3A_11 = arith.constant 0 : i32
    %dma_start3A_12 = tpu.memref_slice %arg7[%dma_start3A, %dma_start3A_11] : memref<80x125xi32, #tpu.memory_space<vmem>> -> memref<1x125xi32, #tpu.memory_space<vmem>>
    %dma_start3A_13 = tpu.memref_squeeze %dma_start3A_12 : memref<1x125xi32, #tpu.memory_space<vmem>> -> memref<125xi32, #tpu.memory_space<vmem>>
    %dma_start3A_14 = arith.constant 0 : i32
    %dma_start3A_15 = arith.constant 0 : i32
    %dma_start3A_16 = tpu.memref_slice %arg2[%dma_start3A_14, %dma_start3A_15] : memref<10000x16xf32, #tpu.memory_space<hbm>> -> memref<10000x16xf32, #tpu.memory_space<hbm>>
    %dma_start3A_17 = tpu.memref_slice %arg11[%dma_start3A_6] : memref<8x!tpu.dma_semaphore, #tpu.memory_space<semaphore_mem>> -> memref<1x!tpu.dma_semaphore, #tpu.memory_space<semaphore_mem>>
    %dma_start3A_18 = tpu.memref_squeeze %dma_start3A_17 : memref<1x!tpu.dma_semaphore, #tpu.memory_space<semaphore_mem>> -> memref<!tpu.dma_semaphore, #tpu.memory_space<semaphore_mem>>
    tpu.enqueue_indirect_dma source(%dma_start3A_16 : memref<10000x16xf32, #tpu.memory_space<hbm>>) target(%dma_start3A_10 : memref<125x16xf32, #tpu.memory_space<vmem>>) offsets(%dma_start3A_13 : memref<125xi32, #tpu.memory_space<vmem>>) semaphore(%dma_start3A_18 : memref<!tpu.dma_semaphore, #tpu.memory_space<semaphore_mem>>)
    %dma_start3A_19 = arith.constant 1 : i32
    %dma_start3A_20 = arith.constant 1 : i32
    %dma_start3A_21 = arith.constant 1 : i32
    %dma_start3A_22 = arith.constant 0 : i32
    %dma_start3A_23 = arith.constant 0 : i32
    %dma_start3A_24 = tpu.memref_slice %arg9[%dma_start3A_20, %dma_start3A_22, %dma_start3A_23] : memref<8x125x16xf32, #tpu.memory_space<vmem>> -> memref<1x125x16xf32, #tpu.memory_space<vmem>>
    %dma_start3A_25 = tpu.memref_squeeze %dma_start3A_24 : memref<1x125x16xf32, #tpu.memory_space<vmem>> -> memref<125x16xf32, #tpu.memory_space<vmem>>
    %dma_start3A_26 = arith.constant 0 : i32
    %dma_start3A_27 = tpu.memref_slice %arg7[%dma_start3A_19, %dma_start3A_26] : memref<80x125xi32, #tpu.memory_space<vmem>> -> memref<1x125xi32, #tpu.memory_space<vmem>>
    %dma_start3A_28 = tpu.memref_squeeze %dma_start3A_27 : memref<1x125xi32, #tpu.memory_space<vmem>> -> memref<125xi32, #tpu.memory_space<vmem>>
    %dma_start3A_29 = arith.constant 0 : i32
    %dma_start3A_30 = arith.constant 0 : i32
    %dma_start3A_31 = tpu.memref_slice %arg2[%dma_start3A_29, %dma_start3A_30] : memref<10000x16xf32, #tpu.memory_space<hbm>> -> memref<10000x16xf32, #tpu.memory_space<hbm>>
    %dma_start3A_32 = tpu.memref_slice %arg11[%dma_start3A_21] : memref<8x!tpu.dma_semaphore, #tpu.memory_space<semaphore_mem>> -> memref<1x!tpu.dma_semaphore, #tpu.memory_space<semaphore_mem>>
    %dma_start3A_33 = tpu.memref_squeeze %dma_start3A_32 : memref<1x!tpu.dma_semaphore, #tpu.memory_space<semaphore_mem>> -> memref<!tpu.dma_semaphore, #tpu.memory_space<semaphore_mem>>
    tpu.enqueue_indirect_dma source(%dma_start3A_31 : memref<10000x16xf32, #tpu.memory_space<hbm>>) target(%dma_start3A_25 : memref<125x16xf32, #tpu.memory_space<vmem>>) offsets(%dma_start3A_28 : memref<125xi32, #tpu.memory_space<vmem>>) semaphore(%dma_start3A_33 : memref<!tpu.dma_semaphore, #tpu.memory_space<semaphore_mem>>)
    %dma_start3A_34 = arith.constant 2 : i32
    %dma_start3A_35 = arith.constant 2 : i32
    %dma_start3A_36 = arith.constant 2 : i32
    %dma_start3A_37 = arith.constant 0 : i32
    %dma_start3A_38 = arith.constant 0 : i32
    %dma_start3A_39 = tpu.memref_slice %arg9[%dma_start3A_35, %dma_start3A_37, %dma_start3A_38] : memref<8x125x16xf32, #tpu.memory_space<vmem>> -> memref<1x125x16xf32, #tpu.memory_space<vmem>>
    %dma_start3A_40 = tpu.memref_squeeze %dma_start3A_39 : memref<1x125x16xf32, #tpu.memory_space<vmem>> -> memref<125x16xf32, #tpu.memory_space<vmem>>
    %dma_start3A_41 = arith.constant 0 : i32
    %dma_start3A_42 = tpu.memref_slice %arg7[%dma_start3A_34, %dma_start3A_41] : memref<80x125xi32, #tpu.memory_space<vmem>> -> memref<1x125xi32, #tpu.memory_space<vmem>>
    %dma_start3A_43 = tpu.memref_squeeze %dma_start3A_42 : memref<1x125xi32, #tpu.memory_space<vmem>> -> memref<125xi32, #tpu.memory_space<vmem>>
    %dma_start3A_44 = arith.constant 0 : i32
    %dma_start3A_45 = arith.constant 0 : i32
    %dma_start3A_46 = tpu.memref_slice %arg2[%dma_start3A_44, %dma_start3A_45] : memref<10000x16xf32, #tpu.memory_space<hbm>> -> memref<10000x16xf32, #tpu.memory_space<hbm>>
    %dma_start3A_47 = tpu.memref_slice %arg11[%dma_start3A_36] : memref<8x!tpu.dma_semaphore, #tpu.memory_space<semaphore_mem>> -> memref<1x!tpu.dma_semaphore, #tpu.memory_space<semaphore_mem>>
    %dma_start3A_48 = tpu.memref_squeeze %dma_start3A_47 : memref<1x!tpu.dma_semaphore, #tpu.memory_space<semaphore_mem>> -> memref<!tpu.dma_semaphore, #tpu.memory_space<semaphore_mem>>
    tpu.enqueue_indirect_dma source(%dma_start3A_46 : memref<10000x16xf32, #tpu.memory_space<hbm>>) target(%dma_start3A_40 : memref<125x16xf32, #tpu.memory_space<vmem>>) offsets(%dma_start3A_43 : memref<125xi32, #tpu.memory_space<vmem>>) semaphore(%dma_start3A_48 : memref<!tpu.dma_semaphore, #tpu.memory_space<semaphore_mem>>)
    %dma_start3A_49 = arith.constant 3 : i32
    %dma_start3A_50 = arith.constant 3 : i32
    %dma_start3A_51 = arith.constant 3 : i32
    %dma_start3A_52 = arith.constant 0 : i32
    %dma_start3A_53 = arith.constant 0 : i32
    %dma_start3A_54 = tpu.memref_slice %arg9[%dma_start3A_50, %dma_start3A_52, %dma_start3A_53] : memref<8x125x16xf32, #tpu.memory_space<vmem>> -> memref<1x125x16xf32, #tpu.memory_space<vmem>>
    %dma_start3A_55 = tpu.memref_squeeze %dma_start3A_54 : memref<1x125x16xf32, #tpu.memory_space<vmem>> -> memref<125x16xf32, #tpu.memory_space<vmem>>
    %dma_start3A_56 = arith.constant 0 : i32
    %dma_start3A_57 = tpu.memref_slice %arg7[%dma_start3A_49, %dma_start3A_56] : memref<80x125xi32, #tpu.memory_space<vmem>> -> memref<1x125xi32, #tpu.memory_space<vmem>>
    %dma_start3A_58 = tpu.memref_squeeze %dma_start3A_57 : memref<1x125xi32, #tpu.memory_space<vmem>> -> memref<125xi32, #tpu.memory_space<vmem>>
    %dma_start3A_59 = arith.constant 0 : i32
    %dma_start3A_60 = arith.constant 0 : i32
    %dma_start3A_61 = tpu.memref_slice %arg2[%dma_start3A_59, %dma_start3A_60] : memref<10000x16xf32, #tpu.memory_space<hbm>> -> memref<10000x16xf32, #tpu.memory_space<hbm>>
    %dma_start3A_62 = tpu.memref_slice %arg11[%dma_start3A_51] : memref<8x!tpu.dma_semaphore, #tpu.memory_space<semaphore_mem>> -> memref<1x!tpu.dma_semaphore, #tpu.memory_space<semaphore_mem>>
    %dma_start3A_63 = tpu.memref_squeeze %dma_start3A_62 : memref<1x!tpu.dma_semaphore, #tpu.memory_space<semaphore_mem>> -> memref<!tpu.dma_semaphore, #tpu.memory_space<semaphore_mem>>
    tpu.enqueue_indirect_dma source(%dma_start3A_61 : memref<10000x16xf32, #tpu.memory_space<hbm>>) target(%dma_start3A_55 : memref<125x16xf32, #tpu.memory_space<vmem>>) offsets(%dma_start3A_58 : memref<125xi32, #tpu.memory_space<vmem>>) semaphore(%dma_start3A_63 : memref<!tpu.dma_semaphore, #tpu.memory_space<semaphore_mem>>)
    %dma_start3A_64 = arith.constant 4 : i32
    %dma_start3A_65 = arith.constant 4 : i32
    %dma_start3A_66 = arith.constant 4 : i32
    %dma_start3A_67 = arith.constant 0 : i32
    %dma_start3A_68 = arith.constant 0 : i32
    %dma_start3A_69 = tpu.memref_slice %arg9[%dma_start3A_65, %dma_start3A_67, %dma_start3A_68] : memref<8x125x16xf32, #tpu.memory_space<vmem>> -> memref<1x125x16xf32, #tpu.memory_space<vmem>>
    %dma_start3A_70 = tpu.memref_squeeze %dma_start3A_69 : memref<1x125x16xf32, #tpu.memory_space<vmem>> -> memref<125x16xf32, #tpu.memory_space<vmem>>
    %dma_start3A_71 = arith.constant 0 : i32
    %dma_start3A_72 = tpu.memref_slice %arg7[%dma_start3A_64, %dma_start3A_71] : memref<80x125xi32, #tpu.memory_space<vmem>> -> memref<1x125xi32, #tpu.memory_space<vmem>>
    %dma_start3A_73 = tpu.memref_squeeze %dma_start3A_72 : memref<1x125xi32, #tpu.memory_space<vmem>> -> memref<125xi32, #tpu.memory_space<vmem>>
    %dma_start3A_74 = arith.constant 0 : i32
    %dma_start3A_75 = arith.constant 0 : i32
    %dma_start3A_76 = tpu.memref_slice %arg2[%dma_start3A_74, %dma_start3A_75] : memref<10000x16xf32, #tpu.memory_space<hbm>> -> memref<10000x16xf32, #tpu.memory_space<hbm>>
    %dma_start3A_77 = tpu.memref_slice %arg11[%dma_start3A_66] : memref<8x!tpu.dma_semaphore, #tpu.memory_space<semaphore_mem>> -> memref<1x!tpu.dma_semaphore, #tpu.memory_space<semaphore_mem>>
    %dma_start3A_78 = tpu.memref_squeeze %dma_start3A_77 : memref<1x!tpu.dma_semaphore, #tpu.memory_space<semaphore_mem>> -> memref<!tpu.dma_semaphore, #tpu.memory_space<semaphore_mem>>
    tpu.enqueue_indirect_dma source(%dma_start3A_76 : memref<10000x16xf32, #tpu.memory_space<hbm>>) target(%dma_start3A_70 : memref<125x16xf32, #tpu.memory_space<vmem>>) offsets(%dma_start3A_73 : memref<125xi32, #tpu.memory_space<vmem>>) semaphore(%dma_start3A_78 : memref<!tpu.dma_semaphore, #tpu.memory_space<semaphore_mem>>)
    %dma_start3A_79 = arith.constant 5 : i32
    %dma_start3A_80 = arith.constant 5 : i32
    %dma_start3A_81 = arith.constant 5 : i32
    %dma_start3A_82 = arith.constant 0 : i32
    %dma_start3A_83 = arith.constant 0 : i32
    %dma_start3A_84 = tpu.memref_slice %arg9[%dma_start3A_80, %dma_start3A_82, %dma_start3A_83] : memref<8x125x16xf32, #tpu.memory_space<vmem>> -> memref<1x125x16xf32, #tpu.memory_space<vmem>>
    %dma_start3A_85 = tpu.memref_squeeze %dma_start3A_84 : memref<1x125x16xf32, #tpu.memory_space<vmem>> -> memref<125x16xf32, #tpu.memory_space<vmem>>
    %dma_start3A_86 = arith.constant 0 : i32
    %dma_start3A_87 = tpu.memref_slice %arg7[%dma_start3A_79, %dma_start3A_86] : memref<80x125xi32, #tpu.memory_space<vmem>> -> memref<1x125xi32, #tpu.memory_space<vmem>>
    %dma_start3A_88 = tpu.memref_squeeze %dma_start3A_87 : memref<1x125xi32, #tpu.memory_space<vmem>> -> memref<125xi32, #tpu.memory_space<vmem>>
    %dma_start3A_89 = arith.constant 0 : i32
    %dma_start3A_90 = arith.constant 0 : i32
    %dma_start3A_91 = tpu.memref_slice %arg2[%dma_start3A_89, %dma_start3A_90] : memref<10000x16xf32, #tpu.memory_space<hbm>> -> memref<10000x16xf32, #tpu.memory_space<hbm>>
    %dma_start3A_92 = tpu.memref_slice %arg11[%dma_start3A_81] : memref<8x!tpu.dma_semaphore, #tpu.memory_space<semaphore_mem>> -> memref<1x!tpu.dma_semaphore, #tpu.memory_space<semaphore_mem>>
    %dma_start3A_93 = tpu.memref_squeeze %dma_start3A_92 : memref<1x!tpu.dma_semaphore, #tpu.memory_space<semaphore_mem>> -> memref<!tpu.dma_semaphore, #tpu.memory_space<semaphore_mem>>
    tpu.enqueue_indirect_dma source(%dma_start3A_91 : memref<10000x16xf32, #tpu.memory_space<hbm>>) target(%dma_start3A_85 : memref<125x16xf32, #tpu.memory_space<vmem>>) offsets(%dma_start3A_88 : memref<125xi32, #tpu.memory_space<vmem>>) semaphore(%dma_start3A_93 : memref<!tpu.dma_semaphore, #tpu.memory_space<semaphore_mem>>)
    %dma_start3A_94 = arith.constant 6 : i32
    %dma_start3A_95 = arith.constant 6 : i32
    %dma_start3A_96 = arith.constant 6 : i32
    %dma_start3A_97 = arith.constant 0 : i32
    %dma_start3A_98 = arith.constant 0 : i32
    %dma_start3A_99 = tpu.memref_slice %arg9[%dma_start3A_95, %dma_start3A_97, %dma_start3A_98] : memref<8x125x16xf32, #tpu.memory_space<vmem>> -> memref<1x125x16xf32, #tpu.memory_space<vmem>>
    %dma_start3A_100 = tpu.memref_squeeze %dma_start3A_99 : memref<1x125x16xf32, #tpu.memory_space<vmem>> -> memref<125x16xf32, #tpu.memory_space<vmem>>
    %dma_start3A_101 = arith.constant 0 : i32
    %dma_start3A_102 = tpu.memref_slice %arg7[%dma_start3A_94, %dma_start3A_101] : memref<80x125xi32, #tpu.memory_space<vmem>> -> memref<1x125xi32, #tpu.memory_space<vmem>>
    %dma_start3A_103 = tpu.memref_squeeze %dma_start3A_102 : memref<1x125xi32, #tpu.memory_space<vmem>> -> memref<125xi32, #tpu.memory_space<vmem>>
    %dma_start3A_104 = arith.constant 0 : i32
    %dma_start3A_105 = arith.constant 0 : i32
    %dma_start3A_106 = tpu.memref_slice %arg2[%dma_start3A_104, %dma_start3A_105] : memref<10000x16xf32, #tpu.memory_space<hbm>> -> memref<10000x16xf32, #tpu.memory_space<hbm>>
    %dma_start3A_107 = tpu.memref_slice %arg11[%dma_start3A_96] : memref<8x!tpu.dma_semaphore, #tpu.memory_space<semaphore_mem>> -> memref<1x!tpu.dma_semaphore, #tpu.memory_space<semaphore_mem>>
    %dma_start3A_108 = tpu.memref_squeeze %dma_start3A_107 : memref<1x!tpu.dma_semaphore, #tpu.memory_space<semaphore_mem>> -> memref<!tpu.dma_semaphore, #tpu.memory_space<semaphore_mem>>
    tpu.enqueue_indirect_dma source(%dma_start3A_106 : memref<10000x16xf32, #tpu.memory_space<hbm>>) target(%dma_start3A_100 : memref<125x16xf32, #tpu.memory_space<vmem>>) offsets(%dma_start3A_103 : memref<125xi32, #tpu.memory_space<vmem>>) semaphore(%dma_start3A_108 : memref<!tpu.dma_semaphore, #tpu.memory_space<semaphore_mem>>)
    %dma_start3A_109 = arith.constant 7 : i32
    %dma_start3A_110 = arith.constant 7 : i32
    %dma_start3A_111 = arith.constant 7 : i32
    %dma_start3A_112 = arith.constant 0 : i32
    %dma_start3A_113 = arith.constant 0 : i32
    %dma_start3A_114 = tpu.memref_slice %arg9[%dma_start3A_110, %dma_start3A_112, %dma_start3A_113] : memref<8x125x16xf32, #tpu.memory_space<vmem>> -> memref<1x125x16xf32, #tpu.memory_space<vmem>>
    %dma_start3A_115 = tpu.memref_squeeze %dma_start3A_114 : memref<1x125x16xf32, #tpu.memory_space<vmem>> -> memref<125x16xf32, #tpu.memory_space<vmem>>
    %dma_start3A_116 = arith.constant 0 : i32
    %dma_start3A_117 = tpu.memref_slice %arg7[%dma_start3A_109, %dma_start3A_116] : memref<80x125xi32, #tpu.memory_space<vmem>> -> memref<1x125xi32, #tpu.memory_space<vmem>>
    %dma_start3A_118 = tpu.memref_squeeze %dma_start3A_117 : memref<1x125xi32, #tpu.memory_space<vmem>> -> memref<125xi32, #tpu.memory_space<vmem>>
    %dma_start3A_119 = arith.constant 0 : i32
    %dma_start3A_120 = arith.constant 0 : i32
    %dma_start3A_121 = tpu.memref_slice %arg2[%dma_start3A_119, %dma_start3A_120] : memref<10000x16xf32, #tpu.memory_space<hbm>> -> memref<10000x16xf32, #tpu.memory_space<hbm>>
    %dma_start3A_122 = tpu.memref_slice %arg11[%dma_start3A_111] : memref<8x!tpu.dma_semaphore, #tpu.memory_space<semaphore_mem>> -> memref<1x!tpu.dma_semaphore, #tpu.memory_space<semaphore_mem>>
    %dma_start3A_123 = tpu.memref_squeeze %dma_start3A_122 : memref<1x!tpu.dma_semaphore, #tpu.memory_space<semaphore_mem>> -> memref<!tpu.dma_semaphore, #tpu.memory_space<semaphore_mem>>
    tpu.enqueue_indirect_dma source(%dma_start3A_121 : memref<10000x16xf32, #tpu.memory_space<hbm>>) target(%dma_start3A_115 : memref<125x16xf32, #tpu.memory_space<vmem>>) offsets(%dma_start3A_118 : memref<125xi32, #tpu.memory_space<vmem>>) semaphore(%dma_start3A_123 : memref<!tpu.dma_semaphore, #tpu.memory_space<semaphore_mem>>)
    %scan3A = arith.constant 0 : i32
    %scan3A_124 = arith.constant 0 : i32
    %scan3A_125 = arith.constant 10 : i32
    %scan3A_126 = arith.addi %scan3A_124, %scan3A_125 : i32
    %scan3A_127 = arith.constant 1 : i32
    scf.for %scan3A_134 = %scan3A_124 to %scan3A_126 step %scan3A_127  : i32 {
      %mul3A_135 = arith.constant 8 : i32
      %mul3A_136 = arith.muli %scan3A_134, %mul3A_135 : i32
      %add3A_137 = arith.constant 0 : i32
      %add3A_138 = arith.addi %mul3A_136, %add3A_137 : i32
      %dma_wait3A = arith.constant 0 : i32
      %dma_wait3A_139 = arith.constant 0 : i32
      %dma_wait3A_140 = arith.constant 0 : i32
      %dma_wait3A_141 = arith.constant 0 : i32
      %dma_wait3A_142 = tpu.memref_slice %arg9[%dma_wait3A, %dma_wait3A_140, %dma_wait3A_141] : memref<8x125x16xf32, #tpu.memory_space<vmem>> -> memref<1x125x16xf32, #tpu.memory_space<vmem>>
      %dma_wait3A_143 = tpu.memref_squeeze %dma_wait3A_142 : memref<1x125x16xf32, #tpu.memory_space<vmem>> -> memref<125x16xf32, #tpu.memory_space<vmem>>
      %dma_wait3A_144 = arith.constant 0 : i32
      %dma_wait3A_145 = tpu.memref_slice %arg7[%add3A_138, %dma_wait3A_144] : memref<80x125xi32, #tpu.memory_space<vmem>> -> memref<1x125xi32, #tpu.memory_space<vmem>>
      %dma_wait3A_146 = tpu.memref_squeeze %dma_wait3A_145 : memref<1x125xi32, #tpu.memory_space<vmem>> -> memref<125xi32, #tpu.memory_space<vmem>>
      %dma_wait3A_147 = arith.constant 0 : i32
      %dma_wait3A_148 = arith.constant 0 : i32
      %dma_wait3A_149 = tpu.memref_slice %arg2[%dma_wait3A_147, %dma_wait3A_148] : memref<10000x16xf32, #tpu.memory_space<hbm>> -> memref<10000x16xf32, #tpu.memory_space<hbm>>
      %dma_wait3A_150 = tpu.memref_slice %arg11[%dma_wait3A_139] : memref<8x!tpu.dma_semaphore, #tpu.memory_space<semaphore_mem>> -> memref<1x!tpu.dma_semaphore, #tpu.memory_space<semaphore_mem>>
      %dma_wait3A_151 = tpu.memref_squeeze %dma_wait3A_150 : memref<1x!tpu.dma_semaphore, #tpu.memory_space<semaphore_mem>> -> memref<!tpu.dma_semaphore, #tpu.memory_space<semaphore_mem>>
      tpu.wait_indirect_dma semaphore(%dma_wait3A_151 : memref<!tpu.dma_semaphore, #tpu.memory_space<semaphore_mem>>) src(%dma_wait3A_149 : memref<10000x16xf32, #tpu.memory_space<hbm>>) dst(%dma_wait3A_143 : memref<125x16xf32, #tpu.memory_space<vmem>>)
      %dma_start3A_152 = arith.constant 0 : i32
      %dma_start3A_153 = arith.constant 0 : i32
      %dma_start3A_154 = arith.constant 0 : i32
      %dma_start3A_155 = arith.constant 0 : i32
      %dma_start3A_156 = tpu.memref_slice %arg9[%dma_start3A_152, %dma_start3A_154, %dma_start3A_155] : memref<8x125x16xf32, #tpu.memory_space<vmem>> -> memref<1x125x16xf32, #tpu.memory_space<vmem>>
      %dma_start3A_157 = tpu.memref_squeeze %dma_start3A_156 : memref<1x125x16xf32, #tpu.memory_space<vmem>> -> memref<125x16xf32, #tpu.memory_space<vmem>>
      %dma_start3A_158 = arith.constant 0 : i32
      %dma_start3A_159 = tpu.memref_slice %arg8[%add3A_138, %dma_start3A_158] : memref<80x125xi32, #tpu.memory_space<vmem>> -> memref<1x125xi32, #tpu.memory_space<vmem>>
      %dma_start3A_160 = tpu.memref_squeeze %dma_start3A_159 : memref<1x125xi32, #tpu.memory_space<vmem>> -> memref<125xi32, #tpu.memory_space<vmem>>
      %dma_start3A_161 = arith.constant 0 : i32
      %dma_start3A_162 = arith.constant 0 : i32
      %dma_start3A_163 = tpu.memref_slice %arg10[%dma_start3A_161, %dma_start3A_162] : memref<10240x16xf32, #tpu.memory_space<vmem_shared>> -> memref<10240x16xf32, #tpu.memory_space<vmem_shared>>
      %dma_start3A_164 = tpu.memref_slice %arg12[%dma_start3A_153] : memref<8x!tpu.dma_semaphore, #tpu.memory_space<semaphore_mem>> -> memref<1x!tpu.dma_semaphore, #tpu.memory_space<semaphore_mem>>
      %dma_start3A_165 = tpu.memref_squeeze %dma_start3A_164 : memref<1x!tpu.dma_semaphore, #tpu.memory_space<semaphore_mem>> -> memref<!tpu.dma_semaphore, #tpu.memory_space<semaphore_mem>>
      tpu.enqueue_indirect_dma source(%dma_start3A_157 : memref<125x16xf32, #tpu.memory_space<vmem>>) target(%dma_start3A_163 : memref<10240x16xf32, #tpu.memory_space<vmem_shared>>) offsets(%dma_start3A_160 : memref<125xi32, #tpu.memory_space<vmem>>) semaphore(%dma_start3A_165 : memref<!tpu.dma_semaphore, #tpu.memory_space<semaphore_mem>>) {add = true}
      %add3A_166 = arith.constant 1 : i32
      %add3A_167 = arith.addi %mul3A_136, %add3A_166 : i32
      %dma_wait3A_168 = arith.constant 1 : i32
      %dma_wait3A_169 = arith.constant 1 : i32
      %dma_wait3A_170 = arith.constant 0 : i32
      %dma_wait3A_171 = arith.constant 0 : i32
      %dma_wait3A_172 = tpu.memref_slice %arg9[%dma_wait3A_168, %dma_wait3A_170, %dma_wait3A_171] : memref<8x125x16xf32, #tpu.memory_space<vmem>> -> memref<1x125x16xf32, #tpu.memory_space<vmem>>
      %dma_wait3A_173 = tpu.memref_squeeze %dma_wait3A_172 : memref<1x125x16xf32, #tpu.memory_space<vmem>> -> memref<125x16xf32, #tpu.memory_space<vmem>>
      %dma_wait3A_174 = arith.constant 0 : i32
      %dma_wait3A_175 = tpu.memref_slice %arg7[%add3A_167, %dma_wait3A_174] : memref<80x125xi32, #tpu.memory_space<vmem>> -> memref<1x125xi32, #tpu.memory_space<vmem>>
      %dma_wait3A_176 = tpu.memref_squeeze %dma_wait3A_175 : memref<1x125xi32, #tpu.memory_space<vmem>> -> memref<125xi32, #tpu.memory_space<vmem>>
      %dma_wait3A_177 = arith.constant 0 : i32
      %dma_wait3A_178 = arith.constant 0 : i32
      %dma_wait3A_179 = tpu.memref_slice %arg2[%dma_wait3A_177, %dma_wait3A_178] : memref<10000x16xf32, #tpu.memory_space<hbm>> -> memref<10000x16xf32, #tpu.memory_space<hbm>>
      %dma_wait3A_180 = tpu.memref_slice %arg11[%dma_wait3A_169] : memref<8x!tpu.dma_semaphore, #tpu.memory_space<semaphore_mem>> -> memref<1x!tpu.dma_semaphore, #tpu.memory_space<semaphore_mem>>
      %dma_wait3A_181 = tpu.memref_squeeze %dma_wait3A_180 : memref<1x!tpu.dma_semaphore, #tpu.memory_space<semaphore_mem>> -> memref<!tpu.dma_semaphore, #tpu.memory_space<semaphore_mem>>
      tpu.wait_indirect_dma semaphore(%dma_wait3A_181 : memref<!tpu.dma_semaphore, #tpu.memory_space<semaphore_mem>>) src(%dma_wait3A_179 : memref<10000x16xf32, #tpu.memory_space<hbm>>) dst(%dma_wait3A_173 : memref<125x16xf32, #tpu.memory_space<vmem>>)
      %dma_start3A_182 = arith.constant 1 : i32
      %dma_start3A_183 = arith.constant 1 : i32
      %dma_start3A_184 = arith.constant 0 : i32
      %dma_start3A_185 = arith.constant 0 : i32
      %dma_start3A_186 = tpu.memref_slice %arg9[%dma_start3A_182, %dma_start3A_184, %dma_start3A_185] : memref<8x125x16xf32, #tpu.memory_space<vmem>> -> memref<1x125x16xf32, #tpu.memory_space<vmem>>
      %dma_start3A_187 = tpu.memref_squeeze %dma_start3A_186 : memref<1x125x16xf32, #tpu.memory_space<vmem>> -> memref<125x16xf32, #tpu.memory_space<vmem>>
      %dma_start3A_188 = arith.constant 0 : i32
      %dma_start3A_189 = tpu.memref_slice %arg8[%add3A_167, %dma_start3A_188] : memref<80x125xi32, #tpu.memory_space<vmem>> -> memref<1x125xi32, #tpu.memory_space<vmem>>
      %dma_start3A_190 = tpu.memref_squeeze %dma_start3A_189 : memref<1x125xi32, #tpu.memory_space<vmem>> -> memref<125xi32, #tpu.memory_space<vmem>>
      %dma_start3A_191 = arith.constant 0 : i32
      %dma_start3A_192 = arith.constant 0 : i32
      %dma_start3A_193 = tpu.memref_slice %arg10[%dma_start3A_191, %dma_start3A_192] : memref<10240x16xf32, #tpu.memory_space<vmem_shared>> -> memref<10240x16xf32, #tpu.memory_space<vmem_shared>>
      %dma_start3A_194 = tpu.memref_slice %arg12[%dma_start3A_183] : memref<8x!tpu.dma_semaphore, #tpu.memory_space<semaphore_mem>> -> memref<1x!tpu.dma_semaphore, #tpu.memory_space<semaphore_mem>>
      %dma_start3A_195 = tpu.memref_squeeze %dma_start3A_194 : memref<1x!tpu.dma_semaphore, #tpu.memory_space<semaphore_mem>> -> memref<!tpu.dma_semaphore, #tpu.memory_space<semaphore_mem>>
      tpu.enqueue_indirect_dma source(%dma_start3A_187 : memref<125x16xf32, #tpu.memory_space<vmem>>) target(%dma_start3A_193 : memref<10240x16xf32, #tpu.memory_space<vmem_shared>>) offsets(%dma_start3A_190 : memref<125xi32, #tpu.memory_space<vmem>>) semaphore(%dma_start3A_195 : memref<!tpu.dma_semaphore, #tpu.memory_space<semaphore_mem>>) {add = true}
      %add3A_196 = arith.constant 2 : i32
      %add3A_197 = arith.addi %mul3A_136, %add3A_196 : i32
      %dma_wait3A_198 = arith.constant 2 : i32
      %dma_wait3A_199 = arith.constant 2 : i32
      %dma_wait3A_200 = arith.constant 0 : i32
      %dma_wait3A_201 = arith.constant 0 : i32
      %dma_wait3A_202 = tpu.memref_slice %arg9[%dma_wait3A_198, %dma_wait3A_200, %dma_wait3A_201] : memref<8x125x16xf32, #tpu.memory_space<vmem>> -> memref<1x125x16xf32, #tpu.memory_space<vmem>>
      %dma_wait3A_203 = tpu.memref_squeeze %dma_wait3A_202 : memref<1x125x16xf32, #tpu.memory_space<vmem>> -> memref<125x16xf32, #tpu.memory_space<vmem>>
      %dma_wait3A_204 = arith.constant 0 : i32
      %dma_wait3A_205 = tpu.memref_slice %arg7[%add3A_197, %dma_wait3A_204] : memref<80x125xi32, #tpu.memory_space<vmem>> -> memref<1x125xi32, #tpu.memory_space<vmem>>
      %dma_wait3A_206 = tpu.memref_squeeze %dma_wait3A_205 : memref<1x125xi32, #tpu.memory_space<vmem>> -> memref<125xi32, #tpu.memory_space<vmem>>
      %dma_wait3A_207 = arith.constant 0 : i32
      %dma_wait3A_208 = arith.constant 0 : i32
      %dma_wait3A_209 = tpu.memref_slice %arg2[%dma_wait3A_207, %dma_wait3A_208] : memref<10000x16xf32, #tpu.memory_space<hbm>> -> memref<10000x16xf32, #tpu.memory_space<hbm>>
      %dma_wait3A_210 = tpu.memref_slice %arg11[%dma_wait3A_199] : memref<8x!tpu.dma_semaphore, #tpu.memory_space<semaphore_mem>> -> memref<1x!tpu.dma_semaphore, #tpu.memory_space<semaphore_mem>>
      %dma_wait3A_211 = tpu.memref_squeeze %dma_wait3A_210 : memref<1x!tpu.dma_semaphore, #tpu.memory_space<semaphore_mem>> -> memref<!tpu.dma_semaphore, #tpu.memory_space<semaphore_mem>>
      tpu.wait_indirect_dma semaphore(%dma_wait3A_211 : memref<!tpu.dma_semaphore, #tpu.memory_space<semaphore_mem>>) src(%dma_wait3A_209 : memref<10000x16xf32, #tpu.memory_space<hbm>>) dst(%dma_wait3A_203 : memref<125x16xf32, #tpu.memory_space<vmem>>)
      %dma_start3A_212 = arith.constant 2 : i32
      %dma_start3A_213 = arith.constant 2 : i32
      %dma_start3A_214 = arith.constant 0 : i32
      %dma_start3A_215 = arith.constant 0 : i32
      %dma_start3A_216 = tpu.memref_slice %arg9[%dma_start3A_212, %dma_start3A_214, %dma_start3A_215] : memref<8x125x16xf32, #tpu.memory_space<vmem>> -> memref<1x125x16xf32, #tpu.memory_space<vmem>>
      %dma_start3A_217 = tpu.memref_squeeze %dma_start3A_216 : memref<1x125x16xf32, #tpu.memory_space<vmem>> -> memref<125x16xf32, #tpu.memory_space<vmem>>
      %dma_start3A_218 = arith.constant 0 : i32
      %dma_start3A_219 = tpu.memref_slice %arg8[%add3A_197, %dma_start3A_218] : memref<80x125xi32, #tpu.memory_space<vmem>> -> memref<1x125xi32, #tpu.memory_space<vmem>>
      %dma_start3A_220 = tpu.memref_squeeze %dma_start3A_219 : memref<1x125xi32, #tpu.memory_space<vmem>> -> memref<125xi32, #tpu.memory_space<vmem>>
      %dma_start3A_221 = arith.constant 0 : i32
      %dma_start3A_222 = arith.constant 0 : i32
      %dma_start3A_223 = tpu.memref_slice %arg10[%dma_start3A_221, %dma_start3A_222] : memref<10240x16xf32, #tpu.memory_space<vmem_shared>> -> memref<10240x16xf32, #tpu.memory_space<vmem_shared>>
      %dma_start3A_224 = tpu.memref_slice %arg12[%dma_start3A_213] : memref<8x!tpu.dma_semaphore, #tpu.memory_space<semaphore_mem>> -> memref<1x!tpu.dma_semaphore, #tpu.memory_space<semaphore_mem>>
      %dma_start3A_225 = tpu.memref_squeeze %dma_start3A_224 : memref<1x!tpu.dma_semaphore, #tpu.memory_space<semaphore_mem>> -> memref<!tpu.dma_semaphore, #tpu.memory_space<semaphore_mem>>
      tpu.enqueue_indirect_dma source(%dma_start3A_217 : memref<125x16xf32, #tpu.memory_space<vmem>>) target(%dma_start3A_223 : memref<10240x16xf32, #tpu.memory_space<vmem_shared>>) offsets(%dma_start3A_220 : memref<125xi32, #tpu.memory_space<vmem>>) semaphore(%dma_start3A_225 : memref<!tpu.dma_semaphore, #tpu.memory_space<semaphore_mem>>) {add = true}
      %add3A_226 = arith.constant 3 : i32
      %add3A_227 = arith.addi %mul3A_136, %add3A_226 : i32
      %dma_wait3A_228 = arith.constant 3 : i32
      %dma_wait3A_229 = arith.constant 3 : i32
      %dma_wait3A_230 = arith.constant 0 : i32
      %dma_wait3A_231 = arith.constant 0 : i32
      %dma_wait3A_232 = tpu.memref_slice %arg9[%dma_wait3A_228, %dma_wait3A_230, %dma_wait3A_231] : memref<8x125x16xf32, #tpu.memory_space<vmem>> -> memref<1x125x16xf32, #tpu.memory_space<vmem>>
      %dma_wait3A_233 = tpu.memref_squeeze %dma_wait3A_232 : memref<1x125x16xf32, #tpu.memory_space<vmem>> -> memref<125x16xf32, #tpu.memory_space<vmem>>
      %dma_wait3A_234 = arith.constant 0 : i32
      %dma_wait3A_235 = tpu.memref_slice %arg7[%add3A_227, %dma_wait3A_234] : memref<80x125xi32, #tpu.memory_space<vmem>> -> memref<1x125xi32, #tpu.memory_space<vmem>>
      %dma_wait3A_236 = tpu.memref_squeeze %dma_wait3A_235 : memref<1x125xi32, #tpu.memory_space<vmem>> -> memref<125xi32, #tpu.memory_space<vmem>>
      %dma_wait3A_237 = arith.constant 0 : i32
      %dma_wait3A_238 = arith.constant 0 : i32
      %dma_wait3A_239 = tpu.memref_slice %arg2[%dma_wait3A_237, %dma_wait3A_238] : memref<10000x16xf32, #tpu.memory_space<hbm>> -> memref<10000x16xf32, #tpu.memory_space<hbm>>
      %dma_wait3A_240 = tpu.memref_slice %arg11[%dma_wait3A_229] : memref<8x!tpu.dma_semaphore, #tpu.memory_space<semaphore_mem>> -> memref<1x!tpu.dma_semaphore, #tpu.memory_space<semaphore_mem>>
      %dma_wait3A_241 = tpu.memref_squeeze %dma_wait3A_240 : memref<1x!tpu.dma_semaphore, #tpu.memory_space<semaphore_mem>> -> memref<!tpu.dma_semaphore, #tpu.memory_space<semaphore_mem>>
      tpu.wait_indirect_dma semaphore(%dma_wait3A_241 : memref<!tpu.dma_semaphore, #tpu.memory_space<semaphore_mem>>) src(%dma_wait3A_239 : memref<10000x16xf32, #tpu.memory_space<hbm>>) dst(%dma_wait3A_233 : memref<125x16xf32, #tpu.memory_space<vmem>>)
      %dma_start3A_242 = arith.constant 3 : i32
      %dma_start3A_243 = arith.constant 3 : i32
      %dma_start3A_244 = arith.constant 0 : i32
      %dma_start3A_245 = arith.constant 0 : i32
      %dma_start3A_246 = tpu.memref_slice %arg9[%dma_start3A_242, %dma_start3A_244, %dma_start3A_245] : memref<8x125x16xf32, #tpu.memory_space<vmem>> -> memref<1x125x16xf32, #tpu.memory_space<vmem>>
      %dma_start3A_247 = tpu.memref_squeeze %dma_start3A_246 : memref<1x125x16xf32, #tpu.memory_space<vmem>> -> memref<125x16xf32, #tpu.memory_space<vmem>>
      %dma_start3A_248 = arith.constant 0 : i32
      %dma_start3A_249 = tpu.memref_slice %arg8[%add3A_227, %dma_start3A_248] : memref<80x125xi32, #tpu.memory_space<vmem>> -> memref<1x125xi32, #tpu.memory_space<vmem>>
      %dma_start3A_250 = tpu.memref_squeeze %dma_start3A_249 : memref<1x125xi32, #tpu.memory_space<vmem>> -> memref<125xi32, #tpu.memory_space<vmem>>
      %dma_start3A_251 = arith.constant 0 : i32
      %dma_start3A_252 = arith.constant 0 : i32
      %dma_start3A_253 = tpu.memref_slice %arg10[%dma_start3A_251, %dma_start3A_252] : memref<10240x16xf32, #tpu.memory_space<vmem_shared>> -> memref<10240x16xf32, #tpu.memory_space<vmem_shared>>
      %dma_start3A_254 = tpu.memref_slice %arg12[%dma_start3A_243] : memref<8x!tpu.dma_semaphore, #tpu.memory_space<semaphore_mem>> -> memref<1x!tpu.dma_semaphore, #tpu.memory_space<semaphore_mem>>
      %dma_start3A_255 = tpu.memref_squeeze %dma_start3A_254 : memref<1x!tpu.dma_semaphore, #tpu.memory_space<semaphore_mem>> -> memref<!tpu.dma_semaphore, #tpu.memory_space<semaphore_mem>>
      tpu.enqueue_indirect_dma source(%dma_start3A_247 : memref<125x16xf32, #tpu.memory_space<vmem>>) target(%dma_start3A_253 : memref<10240x16xf32, #tpu.memory_space<vmem_shared>>) offsets(%dma_start3A_250 : memref<125xi32, #tpu.memory_space<vmem>>) semaphore(%dma_start3A_255 : memref<!tpu.dma_semaphore, #tpu.memory_space<semaphore_mem>>) {add = true}
      %add3A_256 = arith.constant 4 : i32
      %add3A_257 = arith.addi %mul3A_136, %add3A_256 : i32
      %dma_wait3A_258 = arith.constant 4 : i32
      %dma_wait3A_259 = arith.constant 4 : i32
      %dma_wait3A_260 = arith.constant 0 : i32
      %dma_wait3A_261 = arith.constant 0 : i32
      %dma_wait3A_262 = tpu.memref_slice %arg9[%dma_wait3A_258, %dma_wait3A_260, %dma_wait3A_261] : memref<8x125x16xf32, #tpu.memory_space<vmem>> -> memref<1x125x16xf32, #tpu.memory_space<vmem>>
      %dma_wait3A_263 = tpu.memref_squeeze %dma_wait3A_262 : memref<1x125x16xf32, #tpu.memory_space<vmem>> -> memref<125x16xf32, #tpu.memory_space<vmem>>
      %dma_wait3A_264 = arith.constant 0 : i32
      %dma_wait3A_265 = tpu.memref_slice %arg7[%add3A_257, %dma_wait3A_264] : memref<80x125xi32, #tpu.memory_space<vmem>> -> memref<1x125xi32, #tpu.memory_space<vmem>>
      %dma_wait3A_266 = tpu.memref_squeeze %dma_wait3A_265 : memref<1x125xi32, #tpu.memory_space<vmem>> -> memref<125xi32, #tpu.memory_space<vmem>>
      %dma_wait3A_267 = arith.constant 0 : i32
      %dma_wait3A_268 = arith.constant 0 : i32
      %dma_wait3A_269 = tpu.memref_slice %arg2[%dma_wait3A_267, %dma_wait3A_268] : memref<10000x16xf32, #tpu.memory_space<hbm>> -> memref<10000x16xf32, #tpu.memory_space<hbm>>
      %dma_wait3A_270 = tpu.memref_slice %arg11[%dma_wait3A_259] : memref<8x!tpu.dma_semaphore, #tpu.memory_space<semaphore_mem>> -> memref<1x!tpu.dma_semaphore, #tpu.memory_space<semaphore_mem>>
      %dma_wait3A_271 = tpu.memref_squeeze %dma_wait3A_270 : memref<1x!tpu.dma_semaphore, #tpu.memory_space<semaphore_mem>> -> memref<!tpu.dma_semaphore, #tpu.memory_space<semaphore_mem>>
      tpu.wait_indirect_dma semaphore(%dma_wait3A_271 : memref<!tpu.dma_semaphore, #tpu.memory_space<semaphore_mem>>) src(%dma_wait3A_269 : memref<10000x16xf32, #tpu.memory_space<hbm>>) dst(%dma_wait3A_263 : memref<125x16xf32, #tpu.memory_space<vmem>>)
      %dma_start3A_272 = arith.constant 4 : i32
      %dma_start3A_273 = arith.constant 4 : i32
      %dma_start3A_274 = arith.constant 0 : i32
      %dma_start3A_275 = arith.constant 0 : i32
      %dma_start3A_276 = tpu.memref_slice %arg9[%dma_start3A_272, %dma_start3A_274, %dma_start3A_275] : memref<8x125x16xf32, #tpu.memory_space<vmem>> -> memref<1x125x16xf32, #tpu.memory_space<vmem>>
      %dma_start3A_277 = tpu.memref_squeeze %dma_start3A_276 : memref<1x125x16xf32, #tpu.memory_space<vmem>> -> memref<125x16xf32, #tpu.memory_space<vmem>>
      %dma_start3A_278 = arith.constant 0 : i32
      %dma_start3A_279 = tpu.memref_slice %arg8[%add3A_257, %dma_start3A_278] : memref<80x125xi32, #tpu.memory_space<vmem>> -> memref<1x125xi32, #tpu.memory_space<vmem>>
      %dma_start3A_280 = tpu.memref_squeeze %dma_start3A_279 : memref<1x125xi32, #tpu.memory_space<vmem>> -> memref<125xi32, #tpu.memory_space<vmem>>
      %dma_start3A_281 = arith.constant 0 : i32
      %dma_start3A_282 = arith.constant 0 : i32
      %dma_start3A_283 = tpu.memref_slice %arg10[%dma_start3A_281, %dma_start3A_282] : memref<10240x16xf32, #tpu.memory_space<vmem_shared>> -> memref<10240x16xf32, #tpu.memory_space<vmem_shared>>
      %dma_start3A_284 = tpu.memref_slice %arg12[%dma_start3A_273] : memref<8x!tpu.dma_semaphore, #tpu.memory_space<semaphore_mem>> -> memref<1x!tpu.dma_semaphore, #tpu.memory_space<semaphore_mem>>
      %dma_start3A_285 = tpu.memref_squeeze %dma_start3A_284 : memref<1x!tpu.dma_semaphore, #tpu.memory_space<semaphore_mem>> -> memref<!tpu.dma_semaphore, #tpu.memory_space<semaphore_mem>>
      tpu.enqueue_indirect_dma source(%dma_start3A_277 : memref<125x16xf32, #tpu.memory_space<vmem>>) target(%dma_start3A_283 : memref<10240x16xf32, #tpu.memory_space<vmem_shared>>) offsets(%dma_start3A_280 : memref<125xi32, #tpu.memory_space<vmem>>) semaphore(%dma_start3A_285 : memref<!tpu.dma_semaphore, #tpu.memory_space<semaphore_mem>>) {add = true}
      %add3A_286 = arith.constant 5 : i32
      %add3A_287 = arith.addi %mul3A_136, %add3A_286 : i32
      %dma_wait3A_288 = arith.constant 5 : i32
      %dma_wait3A_289 = arith.constant 5 : i32
      %dma_wait3A_290 = arith.constant 0 : i32
      %dma_wait3A_291 = arith.constant 0 : i32
      %dma_wait3A_292 = tpu.memref_slice %arg9[%dma_wait3A_288, %dma_wait3A_290, %dma_wait3A_291] : memref<8x125x16xf32, #tpu.memory_space<vmem>> -> memref<1x125x16xf32, #tpu.memory_space<vmem>>
      %dma_wait3A_293 = tpu.memref_squeeze %dma_wait3A_292 : memref<1x125x16xf32, #tpu.memory_space<vmem>> -> memref<125x16xf32, #tpu.memory_space<vmem>>
      %dma_wait3A_294 = arith.constant 0 : i32
      %dma_wait3A_295 = tpu.memref_slice %arg7[%add3A_287, %dma_wait3A_294] : memref<80x125xi32, #tpu.memory_space<vmem>> -> memref<1x125xi32, #tpu.memory_space<vmem>>
      %dma_wait3A_296 = tpu.memref_squeeze %dma_wait3A_295 : memref<1x125xi32, #tpu.memory_space<vmem>> -> memref<125xi32, #tpu.memory_space<vmem>>
      %dma_wait3A_297 = arith.constant 0 : i32
      %dma_wait3A_298 = arith.constant 0 : i32
      %dma_wait3A_299 = tpu.memref_slice %arg2[%dma_wait3A_297, %dma_wait3A_298] : memref<10000x16xf32, #tpu.memory_space<hbm>> -> memref<10000x16xf32, #tpu.memory_space<hbm>>
      %dma_wait3A_300 = tpu.memref_slice %arg11[%dma_wait3A_289] : memref<8x!tpu.dma_semaphore, #tpu.memory_space<semaphore_mem>> -> memref<1x!tpu.dma_semaphore, #tpu.memory_space<semaphore_mem>>
      %dma_wait3A_301 = tpu.memref_squeeze %dma_wait3A_300 : memref<1x!tpu.dma_semaphore, #tpu.memory_space<semaphore_mem>> -> memref<!tpu.dma_semaphore, #tpu.memory_space<semaphore_mem>>
      tpu.wait_indirect_dma semaphore(%dma_wait3A_301 : memref<!tpu.dma_semaphore, #tpu.memory_space<semaphore_mem>>) src(%dma_wait3A_299 : memref<10000x16xf32, #tpu.memory_space<hbm>>) dst(%dma_wait3A_293 : memref<125x16xf32, #tpu.memory_space<vmem>>)
      %dma_start3A_302 = arith.constant 5 : i32
      %dma_start3A_303 = arith.constant 5 : i32
      %dma_start3A_304 = arith.constant 0 : i32
      %dma_start3A_305 = arith.constant 0 : i32
      %dma_start3A_306 = tpu.memref_slice %arg9[%dma_start3A_302, %dma_start3A_304, %dma_start3A_305] : memref<8x125x16xf32, #tpu.memory_space<vmem>> -> memref<1x125x16xf32, #tpu.memory_space<vmem>>
      %dma_start3A_307 = tpu.memref_squeeze %dma_start3A_306 : memref<1x125x16xf32, #tpu.memory_space<vmem>> -> memref<125x16xf32, #tpu.memory_space<vmem>>
      %dma_start3A_308 = arith.constant 0 : i32
      %dma_start3A_309 = tpu.memref_slice %arg8[%add3A_287, %dma_start3A_308] : memref<80x125xi32, #tpu.memory_space<vmem>> -> memref<1x125xi32, #tpu.memory_space<vmem>>
      %dma_start3A_310 = tpu.memref_squeeze %dma_start3A_309 : memref<1x125xi32, #tpu.memory_space<vmem>> -> memref<125xi32, #tpu.memory_space<vmem>>
      %dma_start3A_311 = arith.constant 0 : i32
      %dma_start3A_312 = arith.constant 0 : i32
      %dma_start3A_313 = tpu.memref_slice %arg10[%dma_start3A_311, %dma_start3A_312] : memref<10240x16xf32, #tpu.memory_space<vmem_shared>> -> memref<10240x16xf32, #tpu.memory_space<vmem_shared>>
      %dma_start3A_314 = tpu.memref_slice %arg12[%dma_start3A_303] : memref<8x!tpu.dma_semaphore, #tpu.memory_space<semaphore_mem>> -> memref<1x!tpu.dma_semaphore, #tpu.memory_space<semaphore_mem>>
      %dma_start3A_315 = tpu.memref_squeeze %dma_start3A_314 : memref<1x!tpu.dma_semaphore, #tpu.memory_space<semaphore_mem>> -> memref<!tpu.dma_semaphore, #tpu.memory_space<semaphore_mem>>
      tpu.enqueue_indirect_dma source(%dma_start3A_307 : memref<125x16xf32, #tpu.memory_space<vmem>>) target(%dma_start3A_313 : memref<10240x16xf32, #tpu.memory_space<vmem_shared>>) offsets(%dma_start3A_310 : memref<125xi32, #tpu.memory_space<vmem>>) semaphore(%dma_start3A_315 : memref<!tpu.dma_semaphore, #tpu.memory_space<semaphore_mem>>) {add = true}
      %add3A_316 = arith.constant 6 : i32
      %add3A_317 = arith.addi %mul3A_136, %add3A_316 : i32
      %dma_wait3A_318 = arith.constant 6 : i32
      %dma_wait3A_319 = arith.constant 6 : i32
      %dma_wait3A_320 = arith.constant 0 : i32
      %dma_wait3A_321 = arith.constant 0 : i32
      %dma_wait3A_322 = tpu.memref_slice %arg9[%dma_wait3A_318, %dma_wait3A_320, %dma_wait3A_321] : memref<8x125x16xf32, #tpu.memory_space<vmem>> -> memref<1x125x16xf32, #tpu.memory_space<vmem>>
      %dma_wait3A_323 = tpu.memref_squeeze %dma_wait3A_322 : memref<1x125x16xf32, #tpu.memory_space<vmem>> -> memref<125x16xf32, #tpu.memory_space<vmem>>
      %dma_wait3A_324 = arith.constant 0 : i32
      %dma_wait3A_325 = tpu.memref_slice %arg7[%add3A_317, %dma_wait3A_324] : memref<80x125xi32, #tpu.memory_space<vmem>> -> memref<1x125xi32, #tpu.memory_space<vmem>>
      %dma_wait3A_326 = tpu.memref_squeeze %dma_wait3A_325 : memref<1x125xi32, #tpu.memory_space<vmem>> -> memref<125xi32, #tpu.memory_space<vmem>>
      %dma_wait3A_327 = arith.constant 0 : i32
      %dma_wait3A_328 = arith.constant 0 : i32
      %dma_wait3A_329 = tpu.memref_slice %arg2[%dma_wait3A_327, %dma_wait3A_328] : memref<10000x16xf32, #tpu.memory_space<hbm>> -> memref<10000x16xf32, #tpu.memory_space<hbm>>
      %dma_wait3A_330 = tpu.memref_slice %arg11[%dma_wait3A_319] : memref<8x!tpu.dma_semaphore, #tpu.memory_space<semaphore_mem>> -> memref<1x!tpu.dma_semaphore, #tpu.memory_space<semaphore_mem>>
      %dma_wait3A_331 = tpu.memref_squeeze %dma_wait3A_330 : memref<1x!tpu.dma_semaphore, #tpu.memory_space<semaphore_mem>> -> memref<!tpu.dma_semaphore, #tpu.memory_space<semaphore_mem>>
      tpu.wait_indirect_dma semaphore(%dma_wait3A_331 : memref<!tpu.dma_semaphore, #tpu.memory_space<semaphore_mem>>) src(%dma_wait3A_329 : memref<10000x16xf32, #tpu.memory_space<hbm>>) dst(%dma_wait3A_323 : memref<125x16xf32, #tpu.memory_space<vmem>>)
      %dma_start3A_332 = arith.constant 6 : i32
      %dma_start3A_333 = arith.constant 6 : i32
      %dma_start3A_334 = arith.constant 0 : i32
      %dma_start3A_335 = arith.constant 0 : i32
      %dma_start3A_336 = tpu.memref_slice %arg9[%dma_start3A_332, %dma_start3A_334, %dma_start3A_335] : memref<8x125x16xf32, #tpu.memory_space<vmem>> -> memref<1x125x16xf32, #tpu.memory_space<vmem>>
      %dma_start3A_337 = tpu.memref_squeeze %dma_start3A_336 : memref<1x125x16xf32, #tpu.memory_space<vmem>> -> memref<125x16xf32, #tpu.memory_space<vmem>>
      %dma_start3A_338 = arith.constant 0 : i32
      %dma_start3A_339 = tpu.memref_slice %arg8[%add3A_317, %dma_start3A_338] : memref<80x125xi32, #tpu.memory_space<vmem>> -> memref<1x125xi32, #tpu.memory_space<vmem>>
      %dma_start3A_340 = tpu.memref_squeeze %dma_start3A_339 : memref<1x125xi32, #tpu.memory_space<vmem>> -> memref<125xi32, #tpu.memory_space<vmem>>
      %dma_start3A_341 = arith.constant 0 : i32
      %dma_start3A_342 = arith.constant 0 : i32
      %dma_start3A_343 = tpu.memref_slice %arg10[%dma_start3A_341, %dma_start3A_342] : memref<10240x16xf32, #tpu.memory_space<vmem_shared>> -> memref<10240x16xf32, #tpu.memory_space<vmem_shared>>
      %dma_start3A_344 = tpu.memref_slice %arg12[%dma_start3A_333] : memref<8x!tpu.dma_semaphore, #tpu.memory_space<semaphore_mem>> -> memref<1x!tpu.dma_semaphore, #tpu.memory_space<semaphore_mem>>
      %dma_start3A_345 = tpu.memref_squeeze %dma_start3A_344 : memref<1x!tpu.dma_semaphore, #tpu.memory_space<semaphore_mem>> -> memref<!tpu.dma_semaphore, #tpu.memory_space<semaphore_mem>>
      tpu.enqueue_indirect_dma source(%dma_start3A_337 : memref<125x16xf32, #tpu.memory_space<vmem>>) target(%dma_start3A_343 : memref<10240x16xf32, #tpu.memory_space<vmem_shared>>) offsets(%dma_start3A_340 : memref<125xi32, #tpu.memory_space<vmem>>) semaphore(%dma_start3A_345 : memref<!tpu.dma_semaphore, #tpu.memory_space<semaphore_mem>>) {add = true}
      %add3A_346 = arith.constant 7 : i32
      %add3A_347 = arith.addi %mul3A_136, %add3A_346 : i32
      %dma_wait3A_348 = arith.constant 7 : i32
      %dma_wait3A_349 = arith.constant 7 : i32
      %dma_wait3A_350 = arith.constant 0 : i32
      %dma_wait3A_351 = arith.constant 0 : i32
      %dma_wait3A_352 = tpu.memref_slice %arg9[%dma_wait3A_348, %dma_wait3A_350, %dma_wait3A_351] : memref<8x125x16xf32, #tpu.memory_space<vmem>> -> memref<1x125x16xf32, #tpu.memory_space<vmem>>
      %dma_wait3A_353 = tpu.memref_squeeze %dma_wait3A_352 : memref<1x125x16xf32, #tpu.memory_space<vmem>> -> memref<125x16xf32, #tpu.memory_space<vmem>>
      %dma_wait3A_354 = arith.constant 0 : i32
      %dma_wait3A_355 = tpu.memref_slice %arg7[%add3A_347, %dma_wait3A_354] : memref<80x125xi32, #tpu.memory_space<vmem>> -> memref<1x125xi32, #tpu.memory_space<vmem>>
      %dma_wait3A_356 = tpu.memref_squeeze %dma_wait3A_355 : memref<1x125xi32, #tpu.memory_space<vmem>> -> memref<125xi32, #tpu.memory_space<vmem>>
      %dma_wait3A_357 = arith.constant 0 : i32
      %dma_wait3A_358 = arith.constant 0 : i32
      %dma_wait3A_359 = tpu.memref_slice %arg2[%dma_wait3A_357, %dma_wait3A_358] : memref<10000x16xf32, #tpu.memory_space<hbm>> -> memref<10000x16xf32, #tpu.memory_space<hbm>>
      %dma_wait3A_360 = tpu.memref_slice %arg11[%dma_wait3A_349] : memref<8x!tpu.dma_semaphore, #tpu.memory_space<semaphore_mem>> -> memref<1x!tpu.dma_semaphore, #tpu.memory_space<semaphore_mem>>
      %dma_wait3A_361 = tpu.memref_squeeze %dma_wait3A_360 : memref<1x!tpu.dma_semaphore, #tpu.memory_space<semaphore_mem>> -> memref<!tpu.dma_semaphore, #tpu.memory_space<semaphore_mem>>
      tpu.wait_indirect_dma semaphore(%dma_wait3A_361 : memref<!tpu.dma_semaphore, #tpu.memory_space<semaphore_mem>>) src(%dma_wait3A_359 : memref<10000x16xf32, #tpu.memory_space<hbm>>) dst(%dma_wait3A_353 : memref<125x16xf32, #tpu.memory_space<vmem>>)
      %dma_start3A_362 = arith.constant 7 : i32
      %dma_start3A_363 = arith.constant 7 : i32
      %dma_start3A_364 = arith.constant 0 : i32
      %dma_start3A_365 = arith.constant 0 : i32
      %dma_start3A_366 = tpu.memref_slice %arg9[%dma_start3A_362, %dma_start3A_364, %dma_start3A_365] : memref<8x125x16xf32, #tpu.memory_space<vmem>> -> memref<1x125x16xf32, #tpu.memory_space<vmem>>
      %dma_start3A_367 = tpu.memref_squeeze %dma_start3A_366 : memref<1x125x16xf32, #tpu.memory_space<vmem>> -> memref<125x16xf32, #tpu.memory_space<vmem>>
      %dma_start3A_368 = arith.constant 0 : i32
      %dma_start3A_369 = tpu.memref_slice %arg8[%add3A_347, %dma_start3A_368] : memref<80x125xi32, #tpu.memory_space<vmem>> -> memref<1x125xi32, #tpu.memory_space<vmem>>
      %dma_start3A_370 = tpu.memref_squeeze %dma_start3A_369 : memref<1x125xi32, #tpu.memory_space<vmem>> -> memref<125xi32, #tpu.memory_space<vmem>>
      %dma_start3A_371 = arith.constant 0 : i32
      %dma_start3A_372 = arith.constant 0 : i32
      %dma_start3A_373 = tpu.memref_slice %arg10[%dma_start3A_371, %dma_start3A_372] : memref<10240x16xf32, #tpu.memory_space<vmem_shared>> -> memref<10240x16xf32, #tpu.memory_space<vmem_shared>>
      %dma_start3A_374 = tpu.memref_slice %arg12[%dma_start3A_363] : memref<8x!tpu.dma_semaphore, #tpu.memory_space<semaphore_mem>> -> memref<1x!tpu.dma_semaphore, #tpu.memory_space<semaphore_mem>>
      %dma_start3A_375 = tpu.memref_squeeze %dma_start3A_374 : memref<1x!tpu.dma_semaphore, #tpu.memory_space<semaphore_mem>> -> memref<!tpu.dma_semaphore, #tpu.memory_space<semaphore_mem>>
      tpu.enqueue_indirect_dma source(%dma_start3A_367 : memref<125x16xf32, #tpu.memory_space<vmem>>) target(%dma_start3A_373 : memref<10240x16xf32, #tpu.memory_space<vmem_shared>>) offsets(%dma_start3A_370 : memref<125xi32, #tpu.memory_space<vmem>>) semaphore(%dma_start3A_375 : memref<!tpu.dma_semaphore, #tpu.memory_space<semaphore_mem>>) {add = true}
      %add3A_376 = arith.constant 0 : i32
      %add3A_377 = arith.addi %mul3A_136, %add3A_376 : i32
      %dma_wait3A_378 = arith.constant 0 : i32
      %dma_wait3A_379 = arith.constant 0 : i32
      %dma_wait3A_380 = arith.constant 0 : i32
      %dma_wait3A_381 = arith.constant 0 : i32
      %dma_wait3A_382 = tpu.memref_slice %arg9[%dma_wait3A_378, %dma_wait3A_380, %dma_wait3A_381] : memref<8x125x16xf32, #tpu.memory_space<vmem>> -> memref<1x125x16xf32, #tpu.memory_space<vmem>>
      %dma_wait3A_383 = tpu.memref_squeeze %dma_wait3A_382 : memref<1x125x16xf32, #tpu.memory_space<vmem>> -> memref<125x16xf32, #tpu.memory_space<vmem>>
      %dma_wait3A_384 = arith.constant 0 : i32
      %dma_wait3A_385 = tpu.memref_slice %arg8[%add3A_377, %dma_wait3A_384] : memref<80x125xi32, #tpu.memory_space<vmem>> -> memref<1x125xi32, #tpu.memory_space<vmem>>
      %dma_wait3A_386 = tpu.memref_squeeze %dma_wait3A_385 : memref<1x125xi32, #tpu.memory_space<vmem>> -> memref<125xi32, #tpu.memory_space<vmem>>
      %dma_wait3A_387 = arith.constant 0 : i32
      %dma_wait3A_388 = arith.constant 0 : i32
      %dma_wait3A_389 = tpu.memref_slice %arg10[%dma_wait3A_387, %dma_wait3A_388] : memref<10240x16xf32, #tpu.memory_space<vmem_shared>> -> memref<10240x16xf32, #tpu.memory_space<vmem_shared>>
      %dma_wait3A_390 = tpu.memref_slice %arg12[%dma_wait3A_379] : memref<8x!tpu.dma_semaphore, #tpu.memory_space<semaphore_mem>> -> memref<1x!tpu.dma_semaphore, #tpu.memory_space<semaphore_mem>>
      %dma_wait3A_391 = tpu.memref_squeeze %dma_wait3A_390 : memref<1x!tpu.dma_semaphore, #tpu.memory_space<semaphore_mem>> -> memref<!tpu.dma_semaphore, #tpu.memory_space<semaphore_mem>>
      tpu.wait_indirect_dma semaphore(%dma_wait3A_391 : memref<!tpu.dma_semaphore, #tpu.memory_space<semaphore_mem>>) src(%dma_wait3A_383 : memref<125x16xf32, #tpu.memory_space<vmem>>) dst(%dma_wait3A_389 : memref<10240x16xf32, #tpu.memory_space<vmem_shared>>)
      %lt3A = arith.constant 9 : i32
      %lt3A_392 = arith.cmpi slt, %scan3A_134, %lt3A : i32
      %convert_element_type3A = arith.extui %lt3A_392 : i1 to i32
      %cond3A = arith.constant 0 : i32
      %cond3A_393 = arith.cmpi ne, %convert_element_type3A, %cond3A : i32
      scf.if %cond3A_393 {
        %add3A_541 = arith.constant 8 : i32
        %add3A_542 = arith.addi %add3A_377, %add3A_541 : i32
        %dma_start3A_543 = arith.constant 0 : i32
        %dma_start3A_544 = arith.constant 0 : i32
        %dma_start3A_545 = arith.constant 0 : i32
        %dma_start3A_546 = arith.constant 0 : i32
        %dma_start3A_547 = tpu.memref_slice %arg9[%dma_start3A_543, %dma_start3A_545, %dma_start3A_546] : memref<8x125x16xf32, #tpu.memory_space<vmem>> -> memref<1x125x16xf32, #tpu.memory_space<vmem>>
        %dma_start3A_548 = tpu.memref_squeeze %dma_start3A_547 : memref<1x125x16xf32, #tpu.memory_space<vmem>> -> memref<125x16xf32, #tpu.memory_space<vmem>>
        %dma_start3A_549 = arith.constant 0 : i32
        %dma_start3A_550 = tpu.memref_slice %arg7[%add3A_542, %dma_start3A_549] : memref<80x125xi32, #tpu.memory_space<vmem>> -> memref<1x125xi32, #tpu.memory_space<vmem>>
        %dma_start3A_551 = tpu.memref_squeeze %dma_start3A_550 : memref<1x125xi32, #tpu.memory_space<vmem>> -> memref<125xi32, #tpu.memory_space<vmem>>
        %dma_start3A_552 = arith.constant 0 : i32
        %dma_start3A_553 = arith.constant 0 : i32
        %dma_start3A_554 = tpu.memref_slice %arg2[%dma_start3A_552, %dma_start3A_553] : memref<10000x16xf32, #tpu.memory_space<hbm>> -> memref<10000x16xf32, #tpu.memory_space<hbm>>
        %dma_start3A_555 = tpu.memref_slice %arg11[%dma_start3A_544] : memref<8x!tpu.dma_semaphore, #tpu.memory_space<semaphore_mem>> -> memref<1x!tpu.dma_semaphore, #tpu.memory_space<semaphore_mem>>
        %dma_start3A_556 = tpu.memref_squeeze %dma_start3A_555 : memref<1x!tpu.dma_semaphore, #tpu.memory_space<semaphore_mem>> -> memref<!tpu.dma_semaphore, #tpu.memory_space<semaphore_mem>>
        tpu.enqueue_indirect_dma source(%dma_start3A_554 : memref<10000x16xf32, #tpu.memory_space<hbm>>) target(%dma_start3A_548 : memref<125x16xf32, #tpu.memory_space<vmem>>) offsets(%dma_start3A_551 : memref<125xi32, #tpu.memory_space<vmem>>) semaphore(%dma_start3A_556 : memref<!tpu.dma_semaphore, #tpu.memory_space<semaphore_mem>>)
      } else {
      }
      %add3A_394 = arith.constant 1 : i32
      %add3A_395 = arith.addi %mul3A_136, %add3A_394 : i32
      %dma_wait3A_396 = arith.constant 1 : i32
      %dma_wait3A_397 = arith.constant 1 : i32
      %dma_wait3A_398 = arith.constant 0 : i32
      %dma_wait3A_399 = arith.constant 0 : i32
      %dma_wait3A_400 = tpu.memref_slice %arg9[%dma_wait3A_396, %dma_wait3A_398, %dma_wait3A_399] : memref<8x125x16xf32, #tpu.memory_space<vmem>> -> memref<1x125x16xf32, #tpu.memory_space<vmem>>
      %dma_wait3A_401 = tpu.memref_squeeze %dma_wait3A_400 : memref<1x125x16xf32, #tpu.memory_space<vmem>> -> memref<125x16xf32, #tpu.memory_space<vmem>>
      %dma_wait3A_402 = arith.constant 0 : i32
      %dma_wait3A_403 = tpu.memref_slice %arg8[%add3A_395, %dma_wait3A_402] : memref<80x125xi32, #tpu.memory_space<vmem>> -> memref<1x125xi32, #tpu.memory_space<vmem>>
      %dma_wait3A_404 = tpu.memref_squeeze %dma_wait3A_403 : memref<1x125xi32, #tpu.memory_space<vmem>> -> memref<125xi32, #tpu.memory_space<vmem>>
      %dma_wait3A_405 = arith.constant 0 : i32
      %dma_wait3A_406 = arith.constant 0 : i32
      %dma_wait3A_407 = tpu.memref_slice %arg10[%dma_wait3A_405, %dma_wait3A_406] : memref<10240x16xf32, #tpu.memory_space<vmem_shared>> -> memref<10240x16xf32, #tpu.memory_space<vmem_shared>>
      %dma_wait3A_408 = tpu.memref_slice %arg12[%dma_wait3A_397] : memref<8x!tpu.dma_semaphore, #tpu.memory_space<semaphore_mem>> -> memref<1x!tpu.dma_semaphore, #tpu.memory_space<semaphore_mem>>
      %dma_wait3A_409 = tpu.memref_squeeze %dma_wait3A_408 : memref<1x!tpu.dma_semaphore, #tpu.memory_space<semaphore_mem>> -> memref<!tpu.dma_semaphore, #tpu.memory_space<semaphore_mem>>
      tpu.wait_indirect_dma semaphore(%dma_wait3A_409 : memref<!tpu.dma_semaphore, #tpu.memory_space<semaphore_mem>>) src(%dma_wait3A_401 : memref<125x16xf32, #tpu.memory_space<vmem>>) dst(%dma_wait3A_407 : memref<10240x16xf32, #tpu.memory_space<vmem_shared>>)
      %lt3A_410 = arith.constant 9 : i32
      %lt3A_411 = arith.cmpi slt, %scan3A_134, %lt3A_410 : i32
      %convert_element_type3A_412 = arith.extui %lt3A_411 : i1 to i32
      %cond3A_413 = arith.constant 0 : i32
      %cond3A_414 = arith.cmpi ne, %convert_element_type3A_412, %cond3A_413 : i32
      scf.if %cond3A_414 {
        %add3A_541 = arith.constant 8 : i32
        %add3A_542 = arith.addi %add3A_395, %add3A_541 : i32
        %dma_start3A_543 = arith.constant 1 : i32
        %dma_start3A_544 = arith.constant 1 : i32
        %dma_start3A_545 = arith.constant 0 : i32
        %dma_start3A_546 = arith.constant 0 : i32
        %dma_start3A_547 = tpu.memref_slice %arg9[%dma_start3A_543, %dma_start3A_545, %dma_start3A_546] : memref<8x125x16xf32, #tpu.memory_space<vmem>> -> memref<1x125x16xf32, #tpu.memory_space<vmem>>
        %dma_start3A_548 = tpu.memref_squeeze %dma_start3A_547 : memref<1x125x16xf32, #tpu.memory_space<vmem>> -> memref<125x16xf32, #tpu.memory_space<vmem>>
        %dma_start3A_549 = arith.constant 0 : i32
        %dma_start3A_550 = tpu.memref_slice %arg7[%add3A_542, %dma_start3A_549] : memref<80x125xi32, #tpu.memory_space<vmem>> -> memref<1x125xi32, #tpu.memory_space<vmem>>
        %dma_start3A_551 = tpu.memref_squeeze %dma_start3A_550 : memref<1x125xi32, #tpu.memory_space<vmem>> -> memref<125xi32, #tpu.memory_space<vmem>>
        %dma_start3A_552 = arith.constant 0 : i32
        %dma_start3A_553 = arith.constant 0 : i32
        %dma_start3A_554 = tpu.memref_slice %arg2[%dma_start3A_552, %dma_start3A_553] : memref<10000x16xf32, #tpu.memory_space<hbm>> -> memref<10000x16xf32, #tpu.memory_space<hbm>>
        %dma_start3A_555 = tpu.memref_slice %arg11[%dma_start3A_544] : memref<8x!tpu.dma_semaphore, #tpu.memory_space<semaphore_mem>> -> memref<1x!tpu.dma_semaphore, #tpu.memory_space<semaphore_mem>>
        %dma_start3A_556 = tpu.memref_squeeze %dma_start3A_555 : memref<1x!tpu.dma_semaphore, #tpu.memory_space<semaphore_mem>> -> memref<!tpu.dma_semaphore, #tpu.memory_space<semaphore_mem>>
        tpu.enqueue_indirect_dma source(%dma_start3A_554 : memref<10000x16xf32, #tpu.memory_space<hbm>>) target(%dma_start3A_548 : memref<125x16xf32, #tpu.memory_space<vmem>>) offsets(%dma_start3A_551 : memref<125xi32, #tpu.memory_space<vmem>>) semaphore(%dma_start3A_556 : memref<!tpu.dma_semaphore, #tpu.memory_space<semaphore_mem>>)
      } else {
      }
      %add3A_415 = arith.constant 2 : i32
      %add3A_416 = arith.addi %mul3A_136, %add3A_415 : i32
      %dma_wait3A_417 = arith.constant 2 : i32
      %dma_wait3A_418 = arith.constant 2 : i32
      %dma_wait3A_419 = arith.constant 0 : i32
      %dma_wait3A_420 = arith.constant 0 : i32
      %dma_wait3A_421 = tpu.memref_slice %arg9[%dma_wait3A_417, %dma_wait3A_419, %dma_wait3A_420] : memref<8x125x16xf32, #tpu.memory_space<vmem>> -> memref<1x125x16xf32, #tpu.memory_space<vmem>>
      %dma_wait3A_422 = tpu.memref_squeeze %dma_wait3A_421 : memref<1x125x16xf32, #tpu.memory_space<vmem>> -> memref<125x16xf32, #tpu.memory_space<vmem>>
      %dma_wait3A_423 = arith.constant 0 : i32
      %dma_wait3A_424 = tpu.memref_slice %arg8[%add3A_416, %dma_wait3A_423] : memref<80x125xi32, #tpu.memory_space<vmem>> -> memref<1x125xi32, #tpu.memory_space<vmem>>
      %dma_wait3A_425 = tpu.memref_squeeze %dma_wait3A_424 : memref<1x125xi32, #tpu.memory_space<vmem>> -> memref<125xi32, #tpu.memory_space<vmem>>
      %dma_wait3A_426 = arith.constant 0 : i32
      %dma_wait3A_427 = arith.constant 0 : i32
      %dma_wait3A_428 = tpu.memref_slice %arg10[%dma_wait3A_426, %dma_wait3A_427] : memref<10240x16xf32, #tpu.memory_space<vmem_shared>> -> memref<10240x16xf32, #tpu.memory_space<vmem_shared>>
      %dma_wait3A_429 = tpu.memref_slice %arg12[%dma_wait3A_418] : memref<8x!tpu.dma_semaphore, #tpu.memory_space<semaphore_mem>> -> memref<1x!tpu.dma_semaphore, #tpu.memory_space<semaphore_mem>>
      %dma_wait3A_430 = tpu.memref_squeeze %dma_wait3A_429 : memref<1x!tpu.dma_semaphore, #tpu.memory_space<semaphore_mem>> -> memref<!tpu.dma_semaphore, #tpu.memory_space<semaphore_mem>>
      tpu.wait_indirect_dma semaphore(%dma_wait3A_430 : memref<!tpu.dma_semaphore, #tpu.memory_space<semaphore_mem>>) src(%dma_wait3A_422 : memref<125x16xf32, #tpu.memory_space<vmem>>) dst(%dma_wait3A_428 : memref<10240x16xf32, #tpu.memory_space<vmem_shared>>)
      %lt3A_431 = arith.constant 9 : i32
      %lt3A_432 = arith.cmpi slt, %scan3A_134, %lt3A_431 : i32
      %convert_element_type3A_433 = arith.extui %lt3A_432 : i1 to i32
      %cond3A_434 = arith.constant 0 : i32
      %cond3A_435 = arith.cmpi ne, %convert_element_type3A_433, %cond3A_434 : i32
      scf.if %cond3A_435 {
        %add3A_541 = arith.constant 8 : i32
        %add3A_542 = arith.addi %add3A_416, %add3A_541 : i32
        %dma_start3A_543 = arith.constant 2 : i32
        %dma_start3A_544 = arith.constant 2 : i32
        %dma_start3A_545 = arith.constant 0 : i32
        %dma_start3A_546 = arith.constant 0 : i32
        %dma_start3A_547 = tpu.memref_slice %arg9[%dma_start3A_543, %dma_start3A_545, %dma_start3A_546] : memref<8x125x16xf32, #tpu.memory_space<vmem>> -> memref<1x125x16xf32, #tpu.memory_space<vmem>>
        %dma_start3A_548 = tpu.memref_squeeze %dma_start3A_547 : memref<1x125x16xf32, #tpu.memory_space<vmem>> -> memref<125x16xf32, #tpu.memory_space<vmem>>
        %dma_start3A_549 = arith.constant 0 : i32
        %dma_start3A_550 = tpu.memref_slice %arg7[%add3A_542, %dma_start3A_549] : memref<80x125xi32, #tpu.memory_space<vmem>> -> memref<1x125xi32, #tpu.memory_space<vmem>>
        %dma_start3A_551 = tpu.memref_squeeze %dma_start3A_550 : memref<1x125xi32, #tpu.memory_space<vmem>> -> memref<125xi32, #tpu.memory_space<vmem>>
        %dma_start3A_552 = arith.constant 0 : i32
        %dma_start3A_553 = arith.constant 0 : i32
        %dma_start3A_554 = tpu.memref_slice %arg2[%dma_start3A_552, %dma_start3A_553] : memref<10000x16xf32, #tpu.memory_space<hbm>> -> memref<10000x16xf32, #tpu.memory_space<hbm>>
        %dma_start3A_555 = tpu.memref_slice %arg11[%dma_start3A_544] : memref<8x!tpu.dma_semaphore, #tpu.memory_space<semaphore_mem>> -> memref<1x!tpu.dma_semaphore, #tpu.memory_space<semaphore_mem>>
        %dma_start3A_556 = tpu.memref_squeeze %dma_start3A_555 : memref<1x!tpu.dma_semaphore, #tpu.memory_space<semaphore_mem>> -> memref<!tpu.dma_semaphore, #tpu.memory_space<semaphore_mem>>
        tpu.enqueue_indirect_dma source(%dma_start3A_554 : memref<10000x16xf32, #tpu.memory_space<hbm>>) target(%dma_start3A_548 : memref<125x16xf32, #tpu.memory_space<vmem>>) offsets(%dma_start3A_551 : memref<125xi32, #tpu.memory_space<vmem>>) semaphore(%dma_start3A_556 : memref<!tpu.dma_semaphore, #tpu.memory_space<semaphore_mem>>)
      } else {
      }
      %add3A_436 = arith.constant 3 : i32
      %add3A_437 = arith.addi %mul3A_136, %add3A_436 : i32
      %dma_wait3A_438 = arith.constant 3 : i32
      %dma_wait3A_439 = arith.constant 3 : i32
      %dma_wait3A_440 = arith.constant 0 : i32
      %dma_wait3A_441 = arith.constant 0 : i32
      %dma_wait3A_442 = tpu.memref_slice %arg9[%dma_wait3A_438, %dma_wait3A_440, %dma_wait3A_441] : memref<8x125x16xf32, #tpu.memory_space<vmem>> -> memref<1x125x16xf32, #tpu.memory_space<vmem>>
      %dma_wait3A_443 = tpu.memref_squeeze %dma_wait3A_442 : memref<1x125x16xf32, #tpu.memory_space<vmem>> -> memref<125x16xf32, #tpu.memory_space<vmem>>
      %dma_wait3A_444 = arith.constant 0 : i32
      %dma_wait3A_445 = tpu.memref_slice %arg8[%add3A_437, %dma_wait3A_444] : memref<80x125xi32, #tpu.memory_space<vmem>> -> memref<1x125xi32, #tpu.memory_space<vmem>>
      %dma_wait3A_446 = tpu.memref_squeeze %dma_wait3A_445 : memref<1x125xi32, #tpu.memory_space<vmem>> -> memref<125xi32, #tpu.memory_space<vmem>>
      %dma_wait3A_447 = arith.constant 0 : i32
      %dma_wait3A_448 = arith.constant 0 : i32
      %dma_wait3A_449 = tpu.memref_slice %arg10[%dma_wait3A_447, %dma_wait3A_448] : memref<10240x16xf32, #tpu.memory_space<vmem_shared>> -> memref<10240x16xf32, #tpu.memory_space<vmem_shared>>
      %dma_wait3A_450 = tpu.memref_slice %arg12[%dma_wait3A_439] : memref<8x!tpu.dma_semaphore, #tpu.memory_space<semaphore_mem>> -> memref<1x!tpu.dma_semaphore, #tpu.memory_space<semaphore_mem>>
      %dma_wait3A_451 = tpu.memref_squeeze %dma_wait3A_450 : memref<1x!tpu.dma_semaphore, #tpu.memory_space<semaphore_mem>> -> memref<!tpu.dma_semaphore, #tpu.memory_space<semaphore_mem>>
      tpu.wait_indirect_dma semaphore(%dma_wait3A_451 : memref<!tpu.dma_semaphore, #tpu.memory_space<semaphore_mem>>) src(%dma_wait3A_443 : memref<125x16xf32, #tpu.memory_space<vmem>>) dst(%dma_wait3A_449 : memref<10240x16xf32, #tpu.memory_space<vmem_shared>>)
      %lt3A_452 = arith.constant 9 : i32
      %lt3A_453 = arith.cmpi slt, %scan3A_134, %lt3A_452 : i32
      %convert_element_type3A_454 = arith.extui %lt3A_453 : i1 to i32
      %cond3A_455 = arith.constant 0 : i32
      %cond3A_456 = arith.cmpi ne, %convert_element_type3A_454, %cond3A_455 : i32
      scf.if %cond3A_456 {
        %add3A_541 = arith.constant 8 : i32
        %add3A_542 = arith.addi %add3A_437, %add3A_541 : i32
        %dma_start3A_543 = arith.constant 3 : i32
        %dma_start3A_544 = arith.constant 3 : i32
        %dma_start3A_545 = arith.constant 0 : i32
        %dma_start3A_546 = arith.constant 0 : i32
        %dma_start3A_547 = tpu.memref_slice %arg9[%dma_start3A_543, %dma_start3A_545, %dma_start3A_546] : memref<8x125x16xf32, #tpu.memory_space<vmem>> -> memref<1x125x16xf32, #tpu.memory_space<vmem>>
        %dma_start3A_548 = tpu.memref_squeeze %dma_start3A_547 : memref<1x125x16xf32, #tpu.memory_space<vmem>> -> memref<125x16xf32, #tpu.memory_space<vmem>>
        %dma_start3A_549 = arith.constant 0 : i32
        %dma_start3A_550 = tpu.memref_slice %arg7[%add3A_542, %dma_start3A_549] : memref<80x125xi32, #tpu.memory_space<vmem>> -> memref<1x125xi32, #tpu.memory_space<vmem>>
        %dma_start3A_551 = tpu.memref_squeeze %dma_start3A_550 : memref<1x125xi32, #tpu.memory_space<vmem>> -> memref<125xi32, #tpu.memory_space<vmem>>
        %dma_start3A_552 = arith.constant 0 : i32
        %dma_start3A_553 = arith.constant 0 : i32
        %dma_start3A_554 = tpu.memref_slice %arg2[%dma_start3A_552, %dma_start3A_553] : memref<10000x16xf32, #tpu.memory_space<hbm>> -> memref<10000x16xf32, #tpu.memory_space<hbm>>
        %dma_start3A_555 = tpu.memref_slice %arg11[%dma_start3A_544] : memref<8x!tpu.dma_semaphore, #tpu.memory_space<semaphore_mem>> -> memref<1x!tpu.dma_semaphore, #tpu.memory_space<semaphore_mem>>
        %dma_start3A_556 = tpu.memref_squeeze %dma_start3A_555 : memref<1x!tpu.dma_semaphore, #tpu.memory_space<semaphore_mem>> -> memref<!tpu.dma_semaphore, #tpu.memory_space<semaphore_mem>>
        tpu.enqueue_indirect_dma source(%dma_start3A_554 : memref<10000x16xf32, #tpu.memory_space<hbm>>) target(%dma_start3A_548 : memref<125x16xf32, #tpu.memory_space<vmem>>) offsets(%dma_start3A_551 : memref<125xi32, #tpu.memory_space<vmem>>) semaphore(%dma_start3A_556 : memref<!tpu.dma_semaphore, #tpu.memory_space<semaphore_mem>>)
      } else {
      }
      %add3A_457 = arith.constant 4 : i32
      %add3A_458 = arith.addi %mul3A_136, %add3A_457 : i32
      %dma_wait3A_459 = arith.constant 4 : i32
      %dma_wait3A_460 = arith.constant 4 : i32
      %dma_wait3A_461 = arith.constant 0 : i32
      %dma_wait3A_462 = arith.constant 0 : i32
      %dma_wait3A_463 = tpu.memref_slice %arg9[%dma_wait3A_459, %dma_wait3A_461, %dma_wait3A_462] : memref<8x125x16xf32, #tpu.memory_space<vmem>> -> memref<1x125x16xf32, #tpu.memory_space<vmem>>
      %dma_wait3A_464 = tpu.memref_squeeze %dma_wait3A_463 : memref<1x125x16xf32, #tpu.memory_space<vmem>> -> memref<125x16xf32, #tpu.memory_space<vmem>>
      %dma_wait3A_465 = arith.constant 0 : i32
      %dma_wait3A_466 = tpu.memref_slice %arg8[%add3A_458, %dma_wait3A_465] : memref<80x125xi32, #tpu.memory_space<vmem>> -> memref<1x125xi32, #tpu.memory_space<vmem>>
      %dma_wait3A_467 = tpu.memref_squeeze %dma_wait3A_466 : memref<1x125xi32, #tpu.memory_space<vmem>> -> memref<125xi32, #tpu.memory_space<vmem>>
      %dma_wait3A_468 = arith.constant 0 : i32
      %dma_wait3A_469 = arith.constant 0 : i32
      %dma_wait3A_470 = tpu.memref_slice %arg10[%dma_wait3A_468, %dma_wait3A_469] : memref<10240x16xf32, #tpu.memory_space<vmem_shared>> -> memref<10240x16xf32, #tpu.memory_space<vmem_shared>>
      %dma_wait3A_471 = tpu.memref_slice %arg12[%dma_wait3A_460] : memref<8x!tpu.dma_semaphore, #tpu.memory_space<semaphore_mem>> -> memref<1x!tpu.dma_semaphore, #tpu.memory_space<semaphore_mem>>
      %dma_wait3A_472 = tpu.memref_squeeze %dma_wait3A_471 : memref<1x!tpu.dma_semaphore, #tpu.memory_space<semaphore_mem>> -> memref<!tpu.dma_semaphore, #tpu.memory_space<semaphore_mem>>
      tpu.wait_indirect_dma semaphore(%dma_wait3A_472 : memref<!tpu.dma_semaphore, #tpu.memory_space<semaphore_mem>>) src(%dma_wait3A_464 : memref<125x16xf32, #tpu.memory_space<vmem>>) dst(%dma_wait3A_470 : memref<10240x16xf32, #tpu.memory_space<vmem_shared>>)
      %lt3A_473 = arith.constant 9 : i32
      %lt3A_474 = arith.cmpi slt, %scan3A_134, %lt3A_473 : i32
      %convert_element_type3A_475 = arith.extui %lt3A_474 : i1 to i32
      %cond3A_476 = arith.constant 0 : i32
      %cond3A_477 = arith.cmpi ne, %convert_element_type3A_475, %cond3A_476 : i32
      scf.if %cond3A_477 {
        %add3A_541 = arith.constant 8 : i32
        %add3A_542 = arith.addi %add3A_458, %add3A_541 : i32
        %dma_start3A_543 = arith.constant 4 : i32
        %dma_start3A_544 = arith.constant 4 : i32
        %dma_start3A_545 = arith.constant 0 : i32
        %dma_start3A_546 = arith.constant 0 : i32
        %dma_start3A_547 = tpu.memref_slice %arg9[%dma_start3A_543, %dma_start3A_545, %dma_start3A_546] : memref<8x125x16xf32, #tpu.memory_space<vmem>> -> memref<1x125x16xf32, #tpu.memory_space<vmem>>
        %dma_start3A_548 = tpu.memref_squeeze %dma_start3A_547 : memref<1x125x16xf32, #tpu.memory_space<vmem>> -> memref<125x16xf32, #tpu.memory_space<vmem>>
        %dma_start3A_549 = arith.constant 0 : i32
        %dma_start3A_550 = tpu.memref_slice %arg7[%add3A_542, %dma_start3A_549] : memref<80x125xi32, #tpu.memory_space<vmem>> -> memref<1x125xi32, #tpu.memory_space<vmem>>
        %dma_start3A_551 = tpu.memref_squeeze %dma_start3A_550 : memref<1x125xi32, #tpu.memory_space<vmem>> -> memref<125xi32, #tpu.memory_space<vmem>>
        %dma_start3A_552 = arith.constant 0 : i32
        %dma_start3A_553 = arith.constant 0 : i32
        %dma_start3A_554 = tpu.memref_slice %arg2[%dma_start3A_552, %dma_start3A_553] : memref<10000x16xf32, #tpu.memory_space<hbm>> -> memref<10000x16xf32, #tpu.memory_space<hbm>>
        %dma_start3A_555 = tpu.memref_slice %arg11[%dma_start3A_544] : memref<8x!tpu.dma_semaphore, #tpu.memory_space<semaphore_mem>> -> memref<1x!tpu.dma_semaphore, #tpu.memory_space<semaphore_mem>>
        %dma_start3A_556 = tpu.memref_squeeze %dma_start3A_555 : memref<1x!tpu.dma_semaphore, #tpu.memory_space<semaphore_mem>> -> memref<!tpu.dma_semaphore, #tpu.memory_space<semaphore_mem>>
        tpu.enqueue_indirect_dma source(%dma_start3A_554 : memref<10000x16xf32, #tpu.memory_space<hbm>>) target(%dma_start3A_548 : memref<125x16xf32, #tpu.memory_space<vmem>>) offsets(%dma_start3A_551 : memref<125xi32, #tpu.memory_space<vmem>>) semaphore(%dma_start3A_556 : memref<!tpu.dma_semaphore, #tpu.memory_space<semaphore_mem>>)
      } else {
      }
      %add3A_478 = arith.constant 5 : i32
      %add3A_479 = arith.addi %mul3A_136, %add3A_478 : i32
      %dma_wait3A_480 = arith.constant 5 : i32
      %dma_wait3A_481 = arith.constant 5 : i32
      %dma_wait3A_482 = arith.constant 0 : i32
      %dma_wait3A_483 = arith.constant 0 : i32
      %dma_wait3A_484 = tpu.memref_slice %arg9[%dma_wait3A_480, %dma_wait3A_482, %dma_wait3A_483] : memref<8x125x16xf32, #tpu.memory_space<vmem>> -> memref<1x125x16xf32, #tpu.memory_space<vmem>>
      %dma_wait3A_485 = tpu.memref_squeeze %dma_wait3A_484 : memref<1x125x16xf32, #tpu.memory_space<vmem>> -> memref<125x16xf32, #tpu.memory_space<vmem>>
      %dma_wait3A_486 = arith.constant 0 : i32
      %dma_wait3A_487 = tpu.memref_slice %arg8[%add3A_479, %dma_wait3A_486] : memref<80x125xi32, #tpu.memory_space<vmem>> -> memref<1x125xi32, #tpu.memory_space<vmem>>
      %dma_wait3A_488 = tpu.memref_squeeze %dma_wait3A_487 : memref<1x125xi32, #tpu.memory_space<vmem>> -> memref<125xi32, #tpu.memory_space<vmem>>
      %dma_wait3A_489 = arith.constant 0 : i32
      %dma_wait3A_490 = arith.constant 0 : i32
      %dma_wait3A_491 = tpu.memref_slice %arg10[%dma_wait3A_489, %dma_wait3A_490] : memref<10240x16xf32, #tpu.memory_space<vmem_shared>> -> memref<10240x16xf32, #tpu.memory_space<vmem_shared>>
      %dma_wait3A_492 = tpu.memref_slice %arg12[%dma_wait3A_481] : memref<8x!tpu.dma_semaphore, #tpu.memory_space<semaphore_mem>> -> memref<1x!tpu.dma_semaphore, #tpu.memory_space<semaphore_mem>>
      %dma_wait3A_493 = tpu.memref_squeeze %dma_wait3A_492 : memref<1x!tpu.dma_semaphore, #tpu.memory_space<semaphore_mem>> -> memref<!tpu.dma_semaphore, #tpu.memory_space<semaphore_mem>>
      tpu.wait_indirect_dma semaphore(%dma_wait3A_493 : memref<!tpu.dma_semaphore, #tpu.memory_space<semaphore_mem>>) src(%dma_wait3A_485 : memref<125x16xf32, #tpu.memory_space<vmem>>) dst(%dma_wait3A_491 : memref<10240x16xf32, #tpu.memory_space<vmem_shared>>)
      %lt3A_494 = arith.constant 9 : i32
      %lt3A_495 = arith.cmpi slt, %scan3A_134, %lt3A_494 : i32
      %convert_element_type3A_496 = arith.extui %lt3A_495 : i1 to i32
      %cond3A_497 = arith.constant 0 : i32
      %cond3A_498 = arith.cmpi ne, %convert_element_type3A_496, %cond3A_497 : i32
      scf.if %cond3A_498 {
        %add3A_541 = arith.constant 8 : i32
        %add3A_542 = arith.addi %add3A_479, %add3A_541 : i32
        %dma_start3A_543 = arith.constant 5 : i32
        %dma_start3A_544 = arith.constant 5 : i32
        %dma_start3A_545 = arith.constant 0 : i32
        %dma_start3A_546 = arith.constant 0 : i32
        %dma_start3A_547 = tpu.memref_slice %arg9[%dma_start3A_543, %dma_start3A_545, %dma_start3A_546] : memref<8x125x16xf32, #tpu.memory_space<vmem>> -> memref<1x125x16xf32, #tpu.memory_space<vmem>>
        %dma_start3A_548 = tpu.memref_squeeze %dma_start3A_547 : memref<1x125x16xf32, #tpu.memory_space<vmem>> -> memref<125x16xf32, #tpu.memory_space<vmem>>
        %dma_start3A_549 = arith.constant 0 : i32
        %dma_start3A_550 = tpu.memref_slice %arg7[%add3A_542, %dma_start3A_549] : memref<80x125xi32, #tpu.memory_space<vmem>> -> memref<1x125xi32, #tpu.memory_space<vmem>>
        %dma_start3A_551 = tpu.memref_squeeze %dma_start3A_550 : memref<1x125xi32, #tpu.memory_space<vmem>> -> memref<125xi32, #tpu.memory_space<vmem>>
        %dma_start3A_552 = arith.constant 0 : i32
        %dma_start3A_553 = arith.constant 0 : i32
        %dma_start3A_554 = tpu.memref_slice %arg2[%dma_start3A_552, %dma_start3A_553] : memref<10000x16xf32, #tpu.memory_space<hbm>> -> memref<10000x16xf32, #tpu.memory_space<hbm>>
        %dma_start3A_555 = tpu.memref_slice %arg11[%dma_start3A_544] : memref<8x!tpu.dma_semaphore, #tpu.memory_space<semaphore_mem>> -> memref<1x!tpu.dma_semaphore, #tpu.memory_space<semaphore_mem>>
        %dma_start3A_556 = tpu.memref_squeeze %dma_start3A_555 : memref<1x!tpu.dma_semaphore, #tpu.memory_space<semaphore_mem>> -> memref<!tpu.dma_semaphore, #tpu.memory_space<semaphore_mem>>
        tpu.enqueue_indirect_dma source(%dma_start3A_554 : memref<10000x16xf32, #tpu.memory_space<hbm>>) target(%dma_start3A_548 : memref<125x16xf32, #tpu.memory_space<vmem>>) offsets(%dma_start3A_551 : memref<125xi32, #tpu.memory_space<vmem>>) semaphore(%dma_start3A_556 : memref<!tpu.dma_semaphore, #tpu.memory_space<semaphore_mem>>)
      } else {
      }
      %add3A_499 = arith.constant 6 : i32
      %add3A_500 = arith.addi %mul3A_136, %add3A_499 : i32
      %dma_wait3A_501 = arith.constant 6 : i32
      %dma_wait3A_502 = arith.constant 6 : i32
      %dma_wait3A_503 = arith.constant 0 : i32
      %dma_wait3A_504 = arith.constant 0 : i32
      %dma_wait3A_505 = tpu.memref_slice %arg9[%dma_wait3A_501, %dma_wait3A_503, %dma_wait3A_504] : memref<8x125x16xf32, #tpu.memory_space<vmem>> -> memref<1x125x16xf32, #tpu.memory_space<vmem>>
      %dma_wait3A_506 = tpu.memref_squeeze %dma_wait3A_505 : memref<1x125x16xf32, #tpu.memory_space<vmem>> -> memref<125x16xf32, #tpu.memory_space<vmem>>
      %dma_wait3A_507 = arith.constant 0 : i32
      %dma_wait3A_508 = tpu.memref_slice %arg8[%add3A_500, %dma_wait3A_507] : memref<80x125xi32, #tpu.memory_space<vmem>> -> memref<1x125xi32, #tpu.memory_space<vmem>>
      %dma_wait3A_509 = tpu.memref_squeeze %dma_wait3A_508 : memref<1x125xi32, #tpu.memory_space<vmem>> -> memref<125xi32, #tpu.memory_space<vmem>>
      %dma_wait3A_510 = arith.constant 0 : i32
      %dma_wait3A_511 = arith.constant 0 : i32
      %dma_wait3A_512 = tpu.memref_slice %arg10[%dma_wait3A_510, %dma_wait3A_511] : memref<10240x16xf32, #tpu.memory_space<vmem_shared>> -> memref<10240x16xf32, #tpu.memory_space<vmem_shared>>
      %dma_wait3A_513 = tpu.memref_slice %arg12[%dma_wait3A_502] : memref<8x!tpu.dma_semaphore, #tpu.memory_space<semaphore_mem>> -> memref<1x!tpu.dma_semaphore, #tpu.memory_space<semaphore_mem>>
      %dma_wait3A_514 = tpu.memref_squeeze %dma_wait3A_513 : memref<1x!tpu.dma_semaphore, #tpu.memory_space<semaphore_mem>> -> memref<!tpu.dma_semaphore, #tpu.memory_space<semaphore_mem>>
      tpu.wait_indirect_dma semaphore(%dma_wait3A_514 : memref<!tpu.dma_semaphore, #tpu.memory_space<semaphore_mem>>) src(%dma_wait3A_506 : memref<125x16xf32, #tpu.memory_space<vmem>>) dst(%dma_wait3A_512 : memref<10240x16xf32, #tpu.memory_space<vmem_shared>>)
      %lt3A_515 = arith.constant 9 : i32
      %lt3A_516 = arith.cmpi slt, %scan3A_134, %lt3A_515 : i32
      %convert_element_type3A_517 = arith.extui %lt3A_516 : i1 to i32
      %cond3A_518 = arith.constant 0 : i32
      %cond3A_519 = arith.cmpi ne, %convert_element_type3A_517, %cond3A_518 : i32
      scf.if %cond3A_519 {
        %add3A_541 = arith.constant 8 : i32
        %add3A_542 = arith.addi %add3A_500, %add3A_541 : i32
        %dma_start3A_543 = arith.constant 6 : i32
        %dma_start3A_544 = arith.constant 6 : i32
        %dma_start3A_545 = arith.constant 0 : i32
        %dma_start3A_546 = arith.constant 0 : i32
        %dma_start3A_547 = tpu.memref_slice %arg9[%dma_start3A_543, %dma_start3A_545, %dma_start3A_546] : memref<8x125x16xf32, #tpu.memory_space<vmem>> -> memref<1x125x16xf32, #tpu.memory_space<vmem>>
        %dma_start3A_548 = tpu.memref_squeeze %dma_start3A_547 : memref<1x125x16xf32, #tpu.memory_space<vmem>> -> memref<125x16xf32, #tpu.memory_space<vmem>>
        %dma_start3A_549 = arith.constant 0 : i32
        %dma_start3A_550 = tpu.memref_slice %arg7[%add3A_542, %dma_start3A_549] : memref<80x125xi32, #tpu.memory_space<vmem>> -> memref<1x125xi32, #tpu.memory_space<vmem>>
        %dma_start3A_551 = tpu.memref_squeeze %dma_start3A_550 : memref<1x125xi32, #tpu.memory_space<vmem>> -> memref<125xi32, #tpu.memory_space<vmem>>
        %dma_start3A_552 = arith.constant 0 : i32
        %dma_start3A_553 = arith.constant 0 : i32
        %dma_start3A_554 = tpu.memref_slice %arg2[%dma_start3A_552, %dma_start3A_553] : memref<10000x16xf32, #tpu.memory_space<hbm>> -> memref<10000x16xf32, #tpu.memory_space<hbm>>
        %dma_start3A_555 = tpu.memref_slice %arg11[%dma_start3A_544] : memref<8x!tpu.dma_semaphore, #tpu.memory_space<semaphore_mem>> -> memref<1x!tpu.dma_semaphore, #tpu.memory_space<semaphore_mem>>
        %dma_start3A_556 = tpu.memref_squeeze %dma_start3A_555 : memref<1x!tpu.dma_semaphore, #tpu.memory_space<semaphore_mem>> -> memref<!tpu.dma_semaphore, #tpu.memory_space<semaphore_mem>>
        tpu.enqueue_indirect_dma source(%dma_start3A_554 : memref<10000x16xf32, #tpu.memory_space<hbm>>) target(%dma_start3A_548 : memref<125x16xf32, #tpu.memory_space<vmem>>) offsets(%dma_start3A_551 : memref<125xi32, #tpu.memory_space<vmem>>) semaphore(%dma_start3A_556 : memref<!tpu.dma_semaphore, #tpu.memory_space<semaphore_mem>>)
      } else {
      }
      %add3A_520 = arith.constant 7 : i32
      %add3A_521 = arith.addi %mul3A_136, %add3A_520 : i32
      %dma_wait3A_522 = arith.constant 7 : i32
      %dma_wait3A_523 = arith.constant 7 : i32
      %dma_wait3A_524 = arith.constant 0 : i32
      %dma_wait3A_525 = arith.constant 0 : i32
      %dma_wait3A_526 = tpu.memref_slice %arg9[%dma_wait3A_522, %dma_wait3A_524, %dma_wait3A_525] : memref<8x125x16xf32, #tpu.memory_space<vmem>> -> memref<1x125x16xf32, #tpu.memory_space<vmem>>
      %dma_wait3A_527 = tpu.memref_squeeze %dma_wait3A_526 : memref<1x125x16xf32, #tpu.memory_space<vmem>> -> memref<125x16xf32, #tpu.memory_space<vmem>>
      %dma_wait3A_528 = arith.constant 0 : i32
      %dma_wait3A_529 = tpu.memref_slice %arg8[%add3A_521, %dma_wait3A_528] : memref<80x125xi32, #tpu.memory_space<vmem>> -> memref<1x125xi32, #tpu.memory_space<vmem>>
      %dma_wait3A_530 = tpu.memref_squeeze %dma_wait3A_529 : memref<1x125xi32, #tpu.memory_space<vmem>> -> memref<125xi32, #tpu.memory_space<vmem>>
      %dma_wait3A_531 = arith.constant 0 : i32
      %dma_wait3A_532 = arith.constant 0 : i32
      %dma_wait3A_533 = tpu.memref_slice %arg10[%dma_wait3A_531, %dma_wait3A_532] : memref<10240x16xf32, #tpu.memory_space<vmem_shared>> -> memref<10240x16xf32, #tpu.memory_space<vmem_shared>>
      %dma_wait3A_534 = tpu.memref_slice %arg12[%dma_wait3A_523] : memref<8x!tpu.dma_semaphore, #tpu.memory_space<semaphore_mem>> -> memref<1x!tpu.dma_semaphore, #tpu.memory_space<semaphore_mem>>
      %dma_wait3A_535 = tpu.memref_squeeze %dma_wait3A_534 : memref<1x!tpu.dma_semaphore, #tpu.memory_space<semaphore_mem>> -> memref<!tpu.dma_semaphore, #tpu.memory_space<semaphore_mem>>
      tpu.wait_indirect_dma semaphore(%dma_wait3A_535 : memref<!tpu.dma_semaphore, #tpu.memory_space<semaphore_mem>>) src(%dma_wait3A_527 : memref<125x16xf32, #tpu.memory_space<vmem>>) dst(%dma_wait3A_533 : memref<10240x16xf32, #tpu.memory_space<vmem_shared>>)
      %lt3A_536 = arith.constant 9 : i32
      %lt3A_537 = arith.cmpi slt, %scan3A_134, %lt3A_536 : i32
      %convert_element_type3A_538 = arith.extui %lt3A_537 : i1 to i32
      %cond3A_539 = arith.constant 0 : i32
      %cond3A_540 = arith.cmpi ne, %convert_element_type3A_538, %cond3A_539 : i32
      scf.if %cond3A_540 {
        %add3A_541 = arith.constant 8 : i32
        %add3A_542 = arith.addi %add3A_521, %add3A_541 : i32
        %dma_start3A_543 = arith.constant 7 : i32
        %dma_start3A_544 = arith.constant 7 : i32
        %dma_start3A_545 = arith.constant 0 : i32
        %dma_start3A_546 = arith.constant 0 : i32
        %dma_start3A_547 = tpu.memref_slice %arg9[%dma_start3A_543, %dma_start3A_545, %dma_start3A_546] : memref<8x125x16xf32, #tpu.memory_space<vmem>> -> memref<1x125x16xf32, #tpu.memory_space<vmem>>
        %dma_start3A_548 = tpu.memref_squeeze %dma_start3A_547 : memref<1x125x16xf32, #tpu.memory_space<vmem>> -> memref<125x16xf32, #tpu.memory_space<vmem>>
        %dma_start3A_549 = arith.constant 0 : i32
        %dma_start3A_550 = tpu.memref_slice %arg7[%add3A_542, %dma_start3A_549] : memref<80x125xi32, #tpu.memory_space<vmem>> -> memref<1x125xi32, #tpu.memory_space<vmem>>
        %dma_start3A_551 = tpu.memref_squeeze %dma_start3A_550 : memref<1x125xi32, #tpu.memory_space<vmem>> -> memref<125xi32, #tpu.memory_space<vmem>>
        %dma_start3A_552 = arith.constant 0 : i32
        %dma_start3A_553 = arith.constant 0 : i32
        %dma_start3A_554 = tpu.memref_slice %arg2[%dma_start3A_552, %dma_start3A_553] : memref<10000x16xf32, #tpu.memory_space<hbm>> -> memref<10000x16xf32, #tpu.memory_space<hbm>>
        %dma_start3A_555 = tpu.memref_slice %arg11[%dma_start3A_544] : memref<8x!tpu.dma_semaphore, #tpu.memory_space<semaphore_mem>> -> memref<1x!tpu.dma_semaphore, #tpu.memory_space<semaphore_mem>>
        %dma_start3A_556 = tpu.memref_squeeze %dma_start3A_555 : memref<1x!tpu.dma_semaphore, #tpu.memory_space<semaphore_mem>> -> memref<!tpu.dma_semaphore, #tpu.memory_space<semaphore_mem>>
        tpu.enqueue_indirect_dma source(%dma_start3A_554 : memref<10000x16xf32, #tpu.memory_space<hbm>>) target(%dma_start3A_548 : memref<125x16xf32, #tpu.memory_space<vmem>>) offsets(%dma_start3A_551 : memref<125xi32, #tpu.memory_space<vmem>>) semaphore(%dma_start3A_556 : memref<!tpu.dma_semaphore, #tpu.memory_space<semaphore_mem>>)
      } else {
      }
    }
    %scan3A_128 = arith.constant 10 : i32
    %barrier3A_129 = arith.constant 0 : index
    tpu.barrier barrier_id(%barrier3A_129)
    %mul3A_130 = arith.constant 640 : i32
    %mul3A_131 = arith.muli %arg1, %mul3A_130 : i32
    %mul3A_132 = arith.constant 640 : i32
    %mul3A_133 = arith.muli %arg1, %mul3A_132 : i32
    "tpu.region"() ({
      %run_scoped3A = tpu.sem_alloc : memref<!tpu.dma_semaphore, #tpu.memory_space<semaphore_mem>>
      %dma_start3A_134 = arith.constant 0 : i32
      %dma_start3A_135 = tpu.memref_slice %arg6[%arg0, %mul3A_133, %dma_start3A_134] : memref<2x10240x128xf32, #tpu.memory_space<hbm>> -> memref<1x640x16xf32, #tpu.memory_space<hbm>>
      %dma_start3A_136 = tpu.memref_squeeze %dma_start3A_135 : memref<1x640x16xf32, #tpu.memory_space<hbm>> -> memref<640x16xf32, #tpu.memory_space<hbm>>
      %dma_start3A_137 = arith.constant 0 : i32
      %dma_start3A_138 = tpu.memref_slice %arg10[%mul3A_131, %dma_start3A_137] : memref<10240x16xf32, #tpu.memory_space<vmem_shared>> -> memref<640x16xf32, #tpu.memory_space<vmem_shared>>
      tpu.enqueue_dma source(%dma_start3A_138 : memref<640x16xf32, #tpu.memory_space<vmem_shared>>) target(%dma_start3A_136 : memref<640x16xf32, #tpu.memory_space<hbm>>) target_semaphore(%run_scoped3A : memref<!tpu.dma_semaphore, #tpu.memory_space<semaphore_mem>>)
      %dma_wait3A = arith.constant 0 : i32
      %dma_wait3A_139 = tpu.memref_slice %arg6[%arg0, %mul3A_133, %dma_wait3A] : memref<2x10240x128xf32, #tpu.memory_space<hbm>> -> memref<1x640x16xf32, #tpu.memory_space<hbm>>
      %dma_wait3A_140 = tpu.memref_squeeze %dma_wait3A_139 : memref<1x640x16xf32, #tpu.memory_space<hbm>> -> memref<640x16xf32, #tpu.memory_space<hbm>>
      %dma_wait3A_141 = arith.constant 0 : i32
      %dma_wait3A_142 = tpu.memref_slice %arg10[%mul3A_131, %dma_wait3A_141] : memref<10240x16xf32, #tpu.memory_space<vmem_shared>> -> memref<640x16xf32, #tpu.memory_space<vmem_shared>>
      tpu.wait_dma2 semaphore(%run_scoped3A : memref<!tpu.dma_semaphore, #tpu.memory_space<semaphore_mem>>) src(%dma_wait3A_142 : memref<640x16xf32, #tpu.memory_space<vmem_shared>>) dst(%dma_wait3A_140 : memref<640x16xf32, #tpu.memory_space<hbm>>)
      tpu.yield
    }) : () -> ()
    return
  }
}

module attributes {stable_mosaic.version = 14 : i64} {
  func.func @_tc0_body(%arg0: memref<2x320000xi32, #tpu.memory_space<vmem>>, %arg1: memref<320000xi32, #tpu.memory_space<vmem>>, %arg2: memref<320000xi32, #tpu.memory_space<vmem>>) attributes {dimension_semantics = [], scalar_prefetch = 0 : i64, scratch_operands = 0 : i64, tpu.core_type = #tpu.core_type<tc>} {
    %get3A = arith.constant 0 : index
    %get3A_0 = arith.constant 0 : index
    %get3A_1 = vector.load %arg0[%get3A, %get3A_0] : memref<2x320000xi32, #tpu.memory_space<vmem>>, vector<1x320000xi32>
    %get3A_2 = vector.shape_cast %get3A_1 : vector<1x320000xi32> to vector<320000xi32>
    %swap3A = arith.constant 0 : index
    %swap3A_3 = vector.load %arg1[%swap3A] : memref<320000xi32, #tpu.memory_space<vmem>>, vector<320000xi32>
    tpu.vector_store %arg1[%swap3A], %get3A_2 {strides = array<i32>} : memref<320000xi32, #tpu.memory_space<vmem>>, vector<320000xi32>,
    %get3A_4 = arith.constant 1 : index
    %get3A_5 = arith.constant 0 : index
    %get3A_6 = vector.load %arg0[%get3A_4, %get3A_5] : memref<2x320000xi32, #tpu.memory_space<vmem>>, vector<1x320000xi32>
    %get3A_7 = vector.shape_cast %get3A_6 : vector<1x320000xi32> to vector<320000xi32>
    %swap3A_8 = arith.constant 0 : index
    %swap3A_9 = vector.load %arg2[%swap3A_8] : memref<320000xi32, #tpu.memory_space<vmem>>, vector<320000xi32>
    tpu.vector_store %arg2[%swap3A_8], %get3A_7 {strides = array<i32>} : memref<320000xi32, #tpu.memory_space<vmem>>, vector<320000xi32>,
    return
  }
}

module attributes {stable_mosaic.version = 14 : i64} {
  func.func @_tc1a_body(%arg0: memref<10000x128xf32, #tpu.memory_space<vmem>>, %arg1: memref<128x16xf32, #tpu.memory_space<vmem>>, %arg2: memref<10000x16xf32, #tpu.memory_space<vmem>>) attributes {dimension_semantics = [], scalar_prefetch = 0 : i64, scratch_operands = 0 : i64, tpu.core_type = #tpu.core_type<tc>} {
    %get3A = arith.constant 0 : index
    %get3A_0 = arith.constant 0 : index
    %get3A_1 = vector.load %arg0[%get3A, %get3A_0] : memref<10000x128xf32, #tpu.memory_space<vmem>>, vector<10000x128xf32>
    %get3A_2 = arith.constant 0 : index
    %get3A_3 = arith.constant 0 : index
    %get3A_4 = vector.load %arg1[%get3A_2, %get3A_3] : memref<128x16xf32, #tpu.memory_space<vmem>>, vector<128x16xf32>
    %dot_general3A = arith.constant dense<0.000000e+00> : vector<10000x16xf32>
    %dot_general3A_5 = tpu.matmul %get3A_1, %get3A_4, %dot_general3A {dimension_numbers = #tpu.dot_dimension_numbers<[1], [0], [0], [1], [0, 0, 1, 1], [], []>, transpose_lhs_hint = false} : vector<10000x128xf32>, vector<128x16xf32>, vector<10000x16xf32> -> vector<10000x16xf32>
    %swap3A = arith.constant 0 : index
    %swap3A_6 = arith.constant 0 : index
    %swap3A_7 = vector.load %arg2[%swap3A, %swap3A_6] : memref<10000x16xf32, #tpu.memory_space<vmem>>, vector<10000x16xf32>
    tpu.vector_store %arg2[%swap3A, %swap3A_6], %dot_general3A_5 {strides = array<i32>} : memref<10000x16xf32, #tpu.memory_space<vmem>>, vector<10000x16xf32>,
    return
  }
}

module attributes {stable_mosaic.version = 14 : i64} {
  func.func @_tc1b_body(%arg0: memref<10000x16xf32, #tpu.memory_space<vmem>>, %arg1: memref<2x10240x128xf32, #tpu.memory_space<vmem>>, %arg2: memref<10000x16xf32, #tpu.memory_space<vmem>>, %arg3: memref<10000x16xf32, #tpu.memory_space<vmem>>) attributes {dimension_semantics = [], scalar_prefetch = 0 : i64, scratch_operands = 0 : i64, tpu.core_type = #tpu.core_type<tc>} {
    %get3A = arith.constant 0 : index
    %get3A_0 = arith.constant 0 : index
    %get3A_1 = arith.constant 0 : index
    %get3A_2 = vector.load %arg1[%get3A, %get3A_0, %get3A_1] : memref<2x10240x128xf32, #tpu.memory_space<vmem>>, vector<1x10000x16xf32>
    %get3A_3 = vector.shape_cast %get3A_2 : vector<1x10000x16xf32> to vector<10000x16xf32>
    %get3A_4 = arith.constant 1 : index
    %get3A_5 = arith.constant 0 : index
    %get3A_6 = arith.constant 0 : index
    %get3A_7 = vector.load %arg1[%get3A_4, %get3A_5, %get3A_6] : memref<2x10240x128xf32, #tpu.memory_space<vmem>>, vector<1x10000x16xf32>
    %get3A_8 = vector.shape_cast %get3A_7 : vector<1x10000x16xf32> to vector<10000x16xf32>
    %add3A = arith.addf %get3A_3, %get3A_8 : vector<10000x16xf32>
    %add3A_9 = arith.constant 1.000000e+00 : f32
    %add3A_10 = vector.broadcast %add3A_9 : f32 to vector<10000x16xf32>
    %add3A_11 = arith.addf %add3A, %add3A_10 : vector<10000x16xf32>
    %rsqrt3A = math.rsqrt %add3A_11 : vector<10000x16xf32>
    %swap3A = arith.constant 0 : index
    %swap3A_12 = arith.constant 0 : index
    %swap3A_13 = vector.load %arg3[%swap3A, %swap3A_12] : memref<10000x16xf32, #tpu.memory_space<vmem>>, vector<10000x16xf32>
    tpu.vector_store %arg3[%swap3A, %swap3A_12], %rsqrt3A {strides = array<i32>} : memref<10000x16xf32, #tpu.memory_space<vmem>>, vector<10000x16xf32>,
    %get3A_14 = arith.constant 0 : index
    %get3A_15 = arith.constant 0 : index
    %get3A_16 = vector.load %arg0[%get3A_14, %get3A_15] : memref<10000x16xf32, #tpu.memory_space<vmem>>, vector<10000x16xf32>
    %mul3A = arith.mulf %get3A_16, %rsqrt3A : vector<10000x16xf32>
    %swap3A_17 = arith.constant 0 : index
    %swap3A_18 = arith.constant 0 : index
    %swap3A_19 = vector.load %arg2[%swap3A_17, %swap3A_18] : memref<10000x16xf32, #tpu.memory_space<vmem>>, vector<10000x16xf32>
    tpu.vector_store %arg2[%swap3A_17, %swap3A_18], %mul3A {strides = array<i32>} : memref<10000x16xf32, #tpu.memory_space<vmem>>, vector<10000x16xf32>,
    return
  }
}

module attributes {stable_mosaic.version = 14 : i64} {
  func.func @_tc2_body(%arg0: memref<2x10240x128xf32, #tpu.memory_space<vmem>>, %arg1: memref<10000x16xf32, #tpu.memory_space<vmem>>, %arg2: memref<10000x16xf32, #tpu.memory_space<vmem>>, %arg3: memref<1x16xf32, #tpu.memory_space<vmem>>, %arg4: memref<16x16xf32, #tpu.memory_space<vmem>>, %arg5: memref<10000x16xf32, #tpu.memory_space<vmem>>) attributes {dimension_semantics = [], scalar_prefetch = 0 : i64, scratch_operands = 0 : i64, tpu.core_type = #tpu.core_type<tc>} {
    %get3A = arith.constant 0 : index
    %get3A_0 = arith.constant 0 : index
    %get3A_1 = vector.load %arg2[%get3A, %get3A_0] : memref<10000x16xf32, #tpu.memory_space<vmem>>, vector<10000x16xf32>
    %get3A_2 = arith.constant 0 : index
    %get3A_3 = arith.constant 0 : index
    %get3A_4 = arith.constant 0 : index
    %get3A_5 = vector.load %arg0[%get3A_2, %get3A_3, %get3A_4] : memref<2x10240x128xf32, #tpu.memory_space<vmem>>, vector<1x10000x16xf32>
    %get3A_6 = vector.shape_cast %get3A_5 : vector<1x10000x16xf32> to vector<10000x16xf32>
    %get3A_7 = arith.constant 1 : index
    %get3A_8 = arith.constant 0 : index
    %get3A_9 = arith.constant 0 : index
    %get3A_10 = vector.load %arg0[%get3A_7, %get3A_8, %get3A_9] : memref<2x10240x128xf32, #tpu.memory_space<vmem>>, vector<1x10000x16xf32>
    %get3A_11 = vector.shape_cast %get3A_10 : vector<1x10000x16xf32> to vector<10000x16xf32>
    %add3A = arith.addf %get3A_6, %get3A_11 : vector<10000x16xf32>
    %get3A_12 = arith.constant 0 : index
    %get3A_13 = arith.constant 0 : index
    %get3A_14 = vector.load %arg1[%get3A_12, %get3A_13] : memref<10000x16xf32, #tpu.memory_space<vmem>>, vector<10000x16xf32>
    %add3A_15 = arith.addf %add3A, %get3A_14 : vector<10000x16xf32>
    %mul3A = arith.mulf %get3A_1, %add3A_15 : vector<10000x16xf32>
    %get3A_16 = arith.constant 0 : index
    %get3A_17 = arith.constant 0 : index
    %get3A_18 = vector.load %arg3[%get3A_16, %get3A_17] : memref<1x16xf32, #tpu.memory_space<vmem>>, vector<1x16xf32>
    %add3A_19 = vector.broadcast %get3A_18 : vector<1x16xf32> to vector<10000x16xf32>
    %add3A_20 = arith.addf %mul3A, %add3A_19 : vector<10000x16xf32>
    %max3A = arith.constant 0.000000e+00 : f32
    %max3A_21 = vector.broadcast %max3A : f32 to vector<10000x16xf32>
    %max3A_22 = arith.maximumf %add3A_20, %max3A_21 : vector<10000x16xf32>
    %get3A_23 = arith.constant 0 : index
    %get3A_24 = arith.constant 0 : index
    %get3A_25 = vector.load %arg4[%get3A_23, %get3A_24] : memref<16x16xf32, #tpu.memory_space<vmem>>, vector<16x16xf32>
    %dot_general3A = arith.constant dense<0.000000e+00> : vector<10000x16xf32>
    %dot_general3A_26 = tpu.matmul %max3A_22, %get3A_25, %dot_general3A {dimension_numbers = #tpu.dot_dimension_numbers<[1], [0], [0], [1], [0, 0, 1, 1], [], []>, transpose_lhs_hint = false} : vector<10000x16xf32>, vector<16x16xf32>, vector<10000x16xf32> -> vector<10000x16xf32>
    %mul3A_27 = arith.mulf %dot_general3A_26, %get3A_1 : vector<10000x16xf32>
    %swap3A = arith.constant 0 : index
    %swap3A_28 = arith.constant 0 : index
    %swap3A_29 = vector.load %arg5[%swap3A, %swap3A_28] : memref<10000x16xf32, #tpu.memory_space<vmem>>, vector<10000x16xf32>
    tpu.vector_store %arg5[%swap3A, %swap3A_28], %mul3A_27 {strides = array<i32>} : memref<10000x16xf32, #tpu.memory_space<vmem>>, vector<10000x16xf32>,
    return
  }
}

module attributes {stable_mosaic.version = 14 : i64} {
  func.func @_tc3_body(%arg0: memref<2x10240x128xf32, #tpu.memory_space<vmem>>, %arg1: memref<10000x16xf32, #tpu.memory_space<vmem>>, %arg2: memref<10000x16xf32, #tpu.memory_space<vmem>>, %arg3: memref<1x16xf32, #tpu.memory_space<vmem>>, %arg4: memref<10000x16xf32, #tpu.memory_space<vmem>>) attributes {dimension_semantics = [], scalar_prefetch = 0 : i64, scratch_operands = 0 : i64, tpu.core_type = #tpu.core_type<tc>} {
    %get3A = arith.constant 0 : index
    %get3A_0 = arith.constant 0 : index
    %get3A_1 = vector.load %arg2[%get3A, %get3A_0] : memref<10000x16xf32, #tpu.memory_space<vmem>>, vector<10000x16xf32>
    %get3A_2 = arith.constant 0 : index
    %get3A_3 = arith.constant 0 : index
    %get3A_4 = arith.constant 0 : index
    %get3A_5 = vector.load %arg0[%get3A_2, %get3A_3, %get3A_4] : memref<2x10240x128xf32, #tpu.memory_space<vmem>>, vector<1x10000x16xf32>
    %get3A_6 = vector.shape_cast %get3A_5 : vector<1x10000x16xf32> to vector<10000x16xf32>
    %get3A_7 = arith.constant 1 : index
    %get3A_8 = arith.constant 0 : index
    %get3A_9 = arith.constant 0 : index
    %get3A_10 = vector.load %arg0[%get3A_7, %get3A_8, %get3A_9] : memref<2x10240x128xf32, #tpu.memory_space<vmem>>, vector<1x10000x16xf32>
    %get3A_11 = vector.shape_cast %get3A_10 : vector<1x10000x16xf32> to vector<10000x16xf32>
    %add3A = arith.addf %get3A_6, %get3A_11 : vector<10000x16xf32>
    %get3A_12 = arith.constant 0 : index
    %get3A_13 = arith.constant 0 : index
    %get3A_14 = vector.load %arg1[%get3A_12, %get3A_13] : memref<10000x16xf32, #tpu.memory_space<vmem>>, vector<10000x16xf32>
    %add3A_15 = arith.addf %add3A, %get3A_14 : vector<10000x16xf32>
    %mul3A = arith.mulf %get3A_1, %add3A_15 : vector<10000x16xf32>
    %get3A_16 = arith.constant 0 : index
    %get3A_17 = arith.constant 0 : index
    %get3A_18 = vector.load %arg3[%get3A_16, %get3A_17] : memref<1x16xf32, #tpu.memory_space<vmem>>, vector<1x16xf32>
    %add3A_19 = vector.broadcast %get3A_18 : vector<1x16xf32> to vector<10000x16xf32>
    %add3A_20 = arith.addf %mul3A, %add3A_19 : vector<10000x16xf32>
    %swap3A = arith.constant 0 : index
    %swap3A_21 = arith.constant 0 : index
    %swap3A_22 = vector.load %arg4[%swap3A, %swap3A_21] : memref<10000x16xf32, #tpu.memory_space<vmem>>, vector<10000x16xf32>
    tpu.vector_store %arg4[%swap3A, %swap3A_21], %add3A_20 {strides = array<i32>} : memref<10000x16xf32, #tpu.memory_space<vmem>>, vector<10000x16xf32>,
    return
  }
}

</mosaic_0001>

<sc_bundles>
// kernel: kernel.10.cloned.1.call-start
scs
__scs_entry_jumppad:
0x0: {  	(pc) =	sbr.rel $0x88, $3  }
0x1: {  	(tag) =	ssettag $0x0;
	lr =	simm.s32 $0x1  }
0x2: {  	[smem:$0x3F9B] =	sst lr;
	_ =	strace $0xD0000000  }
0x3: {  	_ = 	snop  }
0x4: {  	_ = 	snop  }
0x5: {  	_ = 	snop  }
0x6: {  	_ = 	snop  }
0x7: {  	_ = 	snop  }
__scs_overlays_trampoline_lowered:
0x8: {  	[smem:$0x3FAA] =	sst s0  }
0x9: {  	[smem:$0x3FAB] =	sst s1  }
0xa: {  	[smem:$0x3FAC] =	sst s2  }
0xb: {  	[smem:$0x3FAD] =	sst s3  }
0xc: {  	[smem:$0x3FAE] =	sst s4  }
0xd: {  	[smem:$0x3FAF] =	sst s5  }
0xe: {  	[smem:$0x3FB0] =	sst s6  }
0xf: {  	[smem:$0x3FB1] =	sst s7  }
0x10: {  	[smem:$0x3FB2] =	sst s8  }
0x11: {  	[smem:$0x3FB3] =	sst s9;
	s0 =	simm.s32 @!p0 $0x0  }
0x12: {  	s1 =	sld [smem:$0x3F99];
	s0 =	simm.s32 @p0 $0x1  }
0x13: {  	[smem:$0x3FB4] =	sst s0;
	s0 =	simm.s32 @!p1 $0x0  }
0x14: {  	s2 =	sld [smem:$0x3F98];
	s0 =	simm.s32 @p1 $0x1  }
0x15: {  	[smem:$0x3FB5] =	sst s0;
	s0 =	simm.s32 @!p2 $0x0  }
0x16: {  	s3 =	sld [smem:$0x3FDB];
	s0 =	simm.s32 @p2 $0x1  }
0x17: {  	s4 =	simm.s32 $0x1BF5;
	[smem:$0x3FB7] =	sst s0  }
0x18: {  	s0 =	sld [smem:$0x3F9A];
	_ =	swait.ge [sflag:s4], $0x0  }
0x19: {  	s7 =	sld [smem:$0x3F9B]  }
0x1a: {  	s8 =	sadd.s32 $0xFFFFE003, lr  }
0x1b: {  	s9 =	sadd.s32 $0xFFFFFEF7, lr;
	s5 =	simm.s32 $0xFFFFFFFF;
	p2 =	slt.u32 s8, $0xFFFFF086  }
0x1c: {  	p1 =	slt.u32 s9, $0xF7A;
	s5 =	simm.s32 @!p2 $0x0  }
0x1d: {  	s5 =	simm.s32 @p1 $0x1;
	p0 =	seq.s32 s7, s2  }
0x1e: {  	s7 =	smul.u32 @!p0 $0xF7A, s2;
	p2 =	seq.s32 @!p0 s5, $0x0  }
0x1f: {  	s9 =	smul.u32 $0xF7A, s1;
	s8 =	simm.s32 @!p0 $0x1BF5;
	p2 =	por !p2, p0  }
0x20: {  	[sflag:s8] =	ssyncset.s32 @!p0 $0xFFFFF086;
	s6 =	sadd.s32 @!p0 s3, s7;
	s7 =	simm.s32 @!p0 $0x108  }
0x21: {  	s3 =	sadd.s32 s3, s9;
	s6 =	sadd.s32 @!p0 $0x88, s6;
	s7 =	simm.s32 @p2 $0x1082  }
0x22: {  	[simem:s7], [sflag:s8] =	dma.local @!p0 [hbm:s6], $0xF7A  }
0x23: {  	s9 =	sor.u32 $0xD0000000, s2;
	s6 =	simm.s32 $0x108;
	_ =	swait.ge @!p0 [sflag:s8], $0x0  }
0x24: {  	s3 =	sadd.s32 $0x88, s3;
	s6 =	simm.s32 @!p1 $0x1082;
	[sflag:s4] =	ssyncset.s32 $0xFFFFF086  }
0x25: {  	[simem:s6], [sflag:s4] =	dma.local [hbm:s3], $0xF7A  }
0x26: {  	[smem:$0x3F9B] =	sst s1;
	(tag) =	ssettag s2;
	_ =	strace s9  }
0x27: {  	s1 =	sld [smem:$0x3FAB]  }
0x28: {  	s2 =	sld [smem:$0x3FAC]  }
0x29: {  	s4 =	sld [smem:$0x3FAE]  }
0x2a: {  	p0 =	seq.s32 s5, $0x0;
	s5 =	sld [smem:$0x3FAF]  }
0x2b: {  	s6 =	sld [smem:$0x3FB0]  }
0x2c: {  	s7 =	sld [smem:$0x3FB1]  }
0x2d: {  	s3 =	simm.s32 $0x108;
	s8 =	sld [smem:$0x3FB2]  }
0x2e: {  	s3 =	simm.s32 @!p0 $0x1082;
	s9 =	sld [smem:$0x3FB3]  }
0x2f: {  	lr =	sadd.s32 s0, s3;
	s0 =	sld [smem:$0x3FAA]  }
0x30: {  	s3 =	sld [smem:$0x3FAD]  }
0x31: {  	[smem:$0x3FB6] =	sst s10  }
0x32: {  	s10 =	sld [smem:$0x3FB4];
	_ =	sdelay $0x3  }
0x33: {  	p0 =	seq.s32 s10, $0x1;
	s10 =	sld [smem:$0x3FB6];
	_ =	sdelay $0x3  }
0x34: {  	[smem:$0x3FB6] =	sst s10  }
0x35: {  	s10 =	sld [smem:$0x3FB5];
	_ =	sdelay $0x3  }
0x36: {  	p1 =	seq.s32 s10, $0x1;
	s10 =	sld [smem:$0x3FB6];
	_ =	sdelay $0x3  }
0x37: {  	[smem:$0x3FB6] =	sst s10  }
0x38: {  	s10 =	sld [smem:$0x3FB7]  }
0x39: {  	_ = 	snop;
	(pc) =	sbr.ind lr, $3  }
0x3a: {  	_ = 	snop  }
0x3b: {  	_ = 	snop  }
0x3c: {  	p2 =	seq.s32 s10, $0x1;
	s10 =	sld [smem:$0x3FB6]  }
0x3d: {  	_ =	shalt  }
0x3e: {  	_ =	shalt  }
0x3f: {  	_ =	shalt  }
0x40: {  	_ =	shalt  }
0x41: {  	_ =	shalt  }
0x42: {  	_ =	shalt  }
0x43: {  	_ =	shalt  }
0x44: {  	_ =	shalt  }
0x45: {  	_ =	shalt  }
0x46: {  	_ =	shalt  }
0x47: {  	_ =	shalt  }
0x48: {  	_ =	shalt  }
0x49: {  	_ =	shalt  }
0x4a: {  	_ =	shalt  }
0x4b: {  	_ =	shalt  }
0x4c: {  	_ =	shalt  }
0x4d: {  	_ =	shalt  }
0x4e: {  	_ =	shalt  }
0x4f: {  	_ =	shalt  }
0x50: {  	_ =	shalt  }
0x51: {  	_ =	shalt  }
0x52: {  	_ =	shalt  }
0x53: {  	_ =	shalt  }
0x54: {  	_ =	shalt  }
0x55: {  	_ =	shalt  }
0x56: {  	_ =	shalt  }
0x57: {  	_ =	shalt  }
0x58: {  	_ =	shalt  }
0x59: {  	_ =	shalt  }
0x5a: {  	_ =	shalt  }
0x5b: {  	_ =	shalt  }
0x5c: {  	_ =	shalt  }
0x5d: {  	_ =	shalt  }
0x5e: {  	_ =	shalt  }
0x5f: {  	_ =	shalt  }
0x60: {  	_ =	shalt  }
0x61: {  	_ =	shalt  }
0x62: {  	_ =	shalt  }
0x63: {  	_ =	shalt  }
0x64: {  	_ =	shalt  }
0x65: {  	_ =	shalt  }
0x66: {  	_ =	shalt  }
0x67: {  	_ =	shalt  }
0x68: {  	_ =	shalt  }
0x69: {  	_ =	shalt  }
0x6a: {  	_ =	shalt  }
0x6b: {  	_ =	shalt  }
0x6c: {  	_ =	shalt  }
0x6d: {  	_ =	shalt  }
0x6e: {  	_ =	shalt  }
0x6f: {  	_ =	shalt  }
0x70: {  	_ =	shalt  }
0x71: {  	_ =	shalt  }
0x72: {  	_ =	shalt  }
0x73: {  	_ =	shalt  }
0x74: {  	_ =	shalt  }
0x75: {  	_ =	shalt  }
0x76: {  	_ =	shalt  }
0x77: {  	_ =	shalt  }
0x78: {  	_ =	shalt  }
0x79: {  	_ =	shalt  }
0x7a: {  	_ =	shalt  }
0x7b: {  	_ =	shalt  }
0x7c: {  	_ =	shalt  }
0x7d: {  	_ =	shalt  }
0x7e: {  	_ =	shalt  }
0x7f: {  	_ =	shalt  }
0x80: {  	_ =	shalt  }
0x81: {  	_ =	shalt  }
0x82: {  	_ =	shalt  }
0x83: {  	_ =	shalt  }
0x84: {  	_ =	shalt  }
0x85: {  	_ =	shalt  }
0x86: {  	_ =	shalt  }
0x87: {  	_ =	shalt  }
.Lfunc_end0:
.L_simem_size_0:
called_computation_lowered:
.L_overlay_start_0:
0x88: {  	s2 =	sld [smem:$0x3FD9]  }
0x89: {  	s3 =	sld [smem:$0x3FFE];
	_ =	sdelay $0x1  }
0x8a: {  	s1 =	srdreg.scid  }
0x8b: {  	s0 =	sand.u32 $0x1, s1  }
0x8c: {  	s17 =	sshll.u32 s0, $0xA;
	s2 =	sadd.s32 s3, s2  }
0x8d: {  	s2 =	sadd.s32 s2, s17  }
0x8e: {  	[smem:$0x3FC2] =	sst s2  }
0x8f: {  	_ = 	snop  }
0x90: {  	s2 =	sld [smem:$0x3FD0];
	(tm) =	ssettm $0x1  }
0x91: {  	s18 =	sld [smem:$0x3FFB];
	_ =	sdelay $0x3  }
0x92: {  	_ =	strace s18  }
0x93: {  	s3 =	sld [smem:$0x3FFC];
	_ =	sdelay $0x3  }
0x94: {  	_ =	strace s3  }
0x95: {  	s3 =	sld [smem:$0x3FFD];
	_ =	sdelay $0x3  }
0x96: {  	_ =	strace s3  }
0x97: {  	_ =	strace $0x8FFFFFFF  }
0x98: {  	s19 =	sld [smem:$0x3FDB];
	_ =	sdelay $0x1  }
0x99: {  	s4 =	simm.s32 $_scs_section_size  }
0x9a: {  	s5 =	simm.s32 $_size__tile_overlayer_lowered;
	s6 =	simm.s32 $_tile_overlayer_lowered  }
0x9b: {  	s22 =	simm.s32 $0x1BFF;
	s21 =	sshll.u32 s6, $0x1;
	s3 =	sadd.s32 s4, s19  }
0x9c: {  	s7 =	simm.s32 $0x0;
	s20 =	sshll.u32 s5, $0x1;
	s5 =	sadd.s32 s21, s3  }
0x9d: {  	[timem:s7], [sflag:s22] =	dma.local [hbm:s5], s20  }
0x9e: {  	_ =	swait.ge [sflag:s22], s20  }
0x9f: {  	s4 =	ssub.s32 $0x0, s20;
	[sflag:s22] =	ssyncset.done $0x0  }
0xa0: {  	[sflag:s22] =	ssyncadd.s32 s4;
	_ =	sdelay $0x1  }
0xa1: {  	s23 =	simm.s32 $0x1B8B  }
0xa2: {  	_ =	swait.ge [sflag:s23], $0x1  }
0xa3: {  	[sflag:s23] =	ssyncset.done $0x0  }
0xa4: {  	s25 =	simm.s32 $0x1B8E;
	s24 =	sld [smem:$0x3FFE];
	[sflag:s23] =	ssyncadd.s32 $0xFFFFFFFF  }
0xa5: {  	s26 =	simm.s32 $execute0_lowered;
	[smem:$0x3FD2] =	sst s25  }
0xa6: {  	s5 =	sshll.u32 s26, $0x1;
	_ =	strace $0x80000046;
	[dreg:$0x1] =	wrdreg $0xFFFFFFFF  }
0xa7: {  	s28 =	simm.s32 $_size_execute0_lowered;
	s3 =	sadd.s32 s3, s5;
	[dreg:$0x0] =	wrdreg $0x0  }
0xa8: {  	s5 =	sshll.u32 s28, $0x1;
	[dreg:$0x2] =	wrdreg s3  }
0xa9: {  	[dreg:$0x3] =	wrdreg s5  }
0xaa: {  	[dreg:$0x4] =	wrdreg $0xC0  }
0xab: {  	_ =	task [dreg:s7], $0x5FFFF  }
0xac: {  	[dreg:$0x1] =	wrdreg $0xFFFFFFFF  }
0xad: {  	[dreg:$0x0] =	wrdreg $0x60  }
0xae: {  	[dreg:$0x2] =	wrdreg s24  }
0xaf: {  	[dreg:$0x3] =	wrdreg s2  }
0xb0: {  	[dreg:$0x4] =	wrdreg $0x2FD00  }
0xb1: {  	[dreg:$0x5] =	wrdreg $0x9  }
0xb2: {  	_ =	task.clear_ibuf [dreg:s7], $0x6FFFF;
	_ =	strace $0x90000046  }
0xb3: {  	s29 =	simm.s32 $0x9;
	_ =	strace $0x80000048  }
0xb4: {  	_ =	swait.ge [sflag:s29], $0x1  }
0xb5: {  	[sflag:s29] =	ssyncadd.s32 $0xFFFFFFFF  }
0xb6: {  	_ =	strace $0x90000048  }
0xb7: {  	_ =	sfence  }
0xb8: {  	s30 =	sld [smem:$0x0];
	_ =	sdelay $0x2  }
0xb9: {  	s31 =	sshll.u32 s1, $0xD;
	s1 =	sshrl.u32 s1, $0x2  }
0xba: {  	s3 =	sand.u32 $0x4000, s31;
	s1 =	sadd.s32 s1, s30  }
0xbb: {  	s0 =	sor.u32 s3, s0;
	s1 =	sshll.u32 s1, $0x11  }
0xbc: {  	s0 =	sor.u32 s1, s0  }
0xbd: {  	s0 =	sadd.s32 $0x8F2B, s0  }
0xbe: {  	[sflag:s0] =	ssyncadd.remote.s32 $0x1  }
0xbf: {  	_ =	sfence.sel $0xFFFF  }
0xc0: {  	[dreg:$0x0] =	wrdreg $0xFFFFFFFF;
	(pc) =	sbr.abs _section_cstart, $3  }
0xc1: {  	[dreg:$0x1] =	wrdreg $0xFFFFFFFF  }
0xc2: {  	_ =	task.clear_ibuf [dreg:s7], $0x2FFFF;
	_ =	strace $0x9FFFFFFF  }
0xc3: {  	(tm) =	ssettm $0x7FFFFFFF  }
tec
execute0_lowered:
.L_overlay_start_1:
0x0: {  	(tag) =	ssettag $0x1  }
0x1: {  	s1 =	srdreg.scid;
	s5 =	rddreg [dreg:$0x0]  }
0x2: {  	s0 =	stileid.u32;
	s2 =	rddreg [dreg:$0x1]  }
0x3: {  	s3 =	rddreg [dreg:$0x2];
	s4 =	simm.s32 $0x0;
	s13 =	simm.s32 $0x7D  }
0x4: {  	s14 =	simm.s32 $0x1;
	s15 =	simm.s32 $0x2;
	s16 =	simm.s32 $0x3  }
0x5: {  	s17 =	simm.s32 $0x4;
	s18 =	simm.s32 $0x5;
	s19 =	simm.s32 $0x6  }
0x6: {  	s20 =	simm.s32 $0x7;
	s21 =	simm.s32 $0x8;
	s22 =	simm.s32 $0x10  }
0x7: {  	s23 =	simm.s32 $0x0;
	s6 =	sand.u32 $0x1, s1;
	s9 =	smul.u32 $0x14000, s0  }
0x8: {  	s29 =	sshll.u32 s0, $0x1;
	[smem:$0x7FF] =	sst s4;
	s10 =	smul.u32 $0x2800, s0  }
0x9: {  	s31 =	sshll.u32 s0, $0x6;
	s1 =	sor.u32 s6, s29;
	s8 =	smul.u32 $0x140000, s6  }
0xa: {  	s6 =	ssub.s32 $0x2, s6;
	s7 =	smul.u32 $0x500, s1;
	s1 =	rddreg [dreg:$0x3]  }
0xb: {  	_ =	strace $0x80000047;
	s30 =	sshrl.u32 s10, $0x3;
	s11 =	sshrl.u32 s6, $0x1  }
0xc: {  	s12 =	sadd.s32 s10, s3;
	s10 =	simm.s32 $0x2800;
	s8 =	sadd.s32 s9, s8  }
0xd: {  	s9 =	sadd.s32 s30, s5;
	s11 =	ssub.s32 s6, s11;
	s12 =	sshrl.u32 s12, $0x3  }
0xe: {  	s7 =	sadd.s32 s7, s5;
	s8 =	sshrl.u32 s8, $0x3;
	s6 =	sadd.s32 $0xC200, s9  }
0xf: {  	s9 =	simm.s32 $0x9;
	s8 =	sadd.s32 s8, s5;
	s5 =	sadd.s32 $0x2200, s7  }
0x10: {  	s7 =	sadd.s32 $0x11200, s8;
	s8 =	smax.u32 s11, $0x1;
	s11 =	sor.u32 $0x1C09, s31  }
.LBB2_1:
0x11: {  	[tilespmem:s4], [sflag:$0x9] =	stream.linear.gather [hbm4b:s5+s4], $0x2800, $0x38;
	[tilespmem:$0x57D0] =	vst v63  }
0x12: {  	_ =	swait.ge [sflag:s9], $0x2800  }
0x13: {  	[sflag:s9] =	ssyncset.done $0x0  }
0x14: {  	[sflag:s9] =	ssyncadd.s32 $0xFFFFD800  }
0x15: {  	[tilespmem:s10], [sflag:$0x9] =	stream.linear.gather [hbm4b:s2+s4], $0x7D0, $0x38;
	[tilespmem:$0x57D0] =	vst v63  }
0x16: {  	_ =	swait.ge [sflag:s9], $0x7D0  }
0x17: {  	[sflag:s9] =	ssyncset.done $0x0  }
0x18: {  	[sflag:s9] =	ssyncadd.s32 $0xFFFFF830  }
0x19: {  	[spmem:s12], [sflag:s11] =	dma.local [hbm:s6], $0x500  }
0x1a: {  	_ =	swait.ge [sflag:s9], $0x500  }
0x1b: {  	[sflag:s9] =	ssyncset.done $0x0  }
0x1c: {  	[sflag:s9] =	ssyncadd.s32 $0xFFFFFB00  }
0x1d: {  	s24 =	simm.s32 $0x0;
	[bflag:$0x0] =	sbarrier.arrive $0xFFFF  }
0x1e: {  	[spmem:s3] =	stream.indirect.scatter.add.f32 [tilespmem:s10], [sflag:$0x1], $0x10, s24, s13, $0xb8;
	[tilespmem:$0x57D0] =	vst v63  }
0x1f: {  	s31 =	simm.s32 $0x80  }
0x20: {  	[spmem:s3] =	stream.indirect.scatter.add.f32 [tilespmem:s10], [sflag:$0x2], $0x10, s31, s13, $0xb8;
	[tilespmem:$0x57D0] =	vst v63  }
0x21: {  	s25 =	simm.s32 $0x100  }
0x22: {  	[spmem:s3] =	stream.indirect.scatter.add.f32 [tilespmem:s10], [sflag:$0x3], $0x10, s25, s13, $0xb8;
	[tilespmem:$0x57D0] =	vst v63  }
0x23: {  	s26 =	simm.s32 $0x180  }
0x24: {  	[spmem:s3] =	stream.indirect.scatter.add.f32 [tilespmem:s10], [sflag:$0x4], $0x10, s26, s13, $0xb8;
	[tilespmem:$0x57D0] =	vst v63  }
0x25: {  	s28 =	simm.s32 $0x200  }
0x26: {  	[spmem:s3] =	stream.indirect.scatter.add.f32 [tilespmem:s10], [sflag:$0x5], $0x10, s28, s13, $0xb8;
	[tilespmem:$0x57D0] =	vst v63  }
0x27: {  	s29 =	simm.s32 $0x280  }
0x28: {  	[spmem:s3] =	stream.indirect.scatter.add.f32 [tilespmem:s10], [sflag:$0x6], $0x10, s29, s13, $0xb8;
	[tilespmem:$0x57D0] =	vst v63  }
0x29: {  	s30 =	simm.s32 $0x300  }
0x2a: {  	[spmem:s3] =	stream.indirect.scatter.add.f32 [tilespmem:s10], [sflag:$0x7], $0x10, s30, s13, $0xb8;
	[tilespmem:$0x57D0] =	vst v63  }
0x2b: {  	s31 =	simm.s32 $0x380  }
0x2c: {  	[spmem:s3] =	stream.indirect.scatter.add.f32 [tilespmem:s10], [sflag:$0x8], $0x10, s31, s13, $0xb8;
	[tilespmem:$0x57D0] =	vst v63  }
0x2d: {  	_ =	swait.ge [sflag:s14], $0x7D0  }
0x2e: {  	[sflag:s14] =	ssyncset.done $0x0  }
0x2f: {  	[sflag:s14] =	ssyncadd.s32 $0xFFFFF830  }
0x30: {  	_ =	swait.ge [sflag:s15], $0x7D0  }
0x31: {  	[sflag:s15] =	ssyncset.done $0x0  }
0x32: {  	[sflag:s15] =	ssyncadd.s32 $0xFFFFF830  }
0x33: {  	_ =	swait.ge [sflag:s16], $0x7D0  }
0x34: {  	[sflag:s16] =	ssyncset.done $0x0  }
0x35: {  	[sflag:s16] =	ssyncadd.s32 $0xFFFFF830  }
0x36: {  	_ =	swait.ge [sflag:s17], $0x7D0  }
0x37: {  	[sflag:s17] =	ssyncset.done $0x0  }
0x38: {  	[sflag:s17] =	ssyncadd.s32 $0xFFFFF830  }
0x39: {  	_ =	swait.ge [sflag:s18], $0x7D0  }
0x3a: {  	[sflag:s18] =	ssyncset.done $0x0  }
0x3b: {  	[sflag:s18] =	ssyncadd.s32 $0xFFFFF830  }
0x3c: {  	_ =	swait.ge [sflag:s19], $0x7D0  }
0x3d: {  	[sflag:s19] =	ssyncset.done $0x0  }
0x3e: {  	[sflag:s19] =	ssyncadd.s32 $0xFFFFF830  }
0x3f: {  	_ =	swait.ge [sflag:s20], $0x7D0  }
0x40: {  	[sflag:s20] =	ssyncset.done $0x0  }
0x41: {  	[sflag:s20] =	ssyncadd.s32 $0xFFFFF830  }
0x42: {  	_ =	swait.ge [sflag:s21], $0x7D0  }
0x43: {  	s24 =	simm.s32 $0x1000;
	s26 =	simm.s32 $0x2000;
	[sflag:s21] =	ssyncset.done $0x0  }
.LBB2_2:
0x44: {  	s28 =	sshra.s32 s24, $0x2  }
0x45: {  	[sflag:s21] =	ssyncadd.s32 $0xFFFFF830;
	s24 =	smov.u32 s26;
	s25 =	sadd.s32 $0x1000, s26  }
0x46: {  	[spmem:s3] =	stream.indirect.scatter.add.f32 [tilespmem:s10], [sflag:$0x1], $0x10, s28, s13, $0xb8;
	[tilespmem:$0x57D0] =	vst v63  }
0x47: {  	p0 =	sne.s32 s26, $0x9000;
	s26 =	sadd.s32 $0x80, s28  }
0x48: {  	[spmem:s3] =	stream.indirect.scatter.add.f32 [tilespmem:s10], [sflag:$0x2], $0x10, s26, s13, $0xb8;
	[tilespmem:$0x57D0] =	vst v63  }
0x49: {  	s26 =	sadd.s32 $0x100, s28  }
0x4a: {  	[spmem:s3] =	stream.indirect.scatter.add.f32 [tilespmem:s10], [sflag:$0x3], $0x10, s26, s13, $0xb8;
	[tilespmem:$0x57D0] =	vst v63  }
0x4b: {  	s26 =	sadd.s32 $0x180, s28  }
0x4c: {  	[spmem:s3] =	stream.indirect.scatter.add.f32 [tilespmem:s10], [sflag:$0x4], $0x10, s26, s13, $0xb8;
	[tilespmem:$0x57D0] =	vst v63  }
0x4d: {  	s26 =	sadd.s32 $0x200, s28  }
0x4e: {  	[spmem:s3] =	stream.indirect.scatter.add.f32 [tilespmem:s10], [sflag:$0x5], $0x10, s26, s13, $0xb8;
	[tilespmem:$0x57D0] =	vst v63  }
0x4f: {  	s26 =	sadd.s32 $0x280, s28  }
0x50: {  	[spmem:s3] =	stream.indirect.scatter.add.f32 [tilespmem:s10], [sflag:$0x6], $0x10, s26, s13, $0xb8;
	[tilespmem:$0x57D0] =	vst v63  }
0x51: {  	s26 =	sadd.s32 $0x300, s28  }
0x52: {  	[spmem:s3] =	stream.indirect.scatter.add.f32 [tilespmem:s10], [sflag:$0x7], $0x10, s26, s13, $0xb8;
	[tilespmem:$0x57D0] =	vst v63  }
0x53: {  	s26 =	sadd.s32 $0x380, s28  }
0x54: {  	[spmem:s3] =	stream.indirect.scatter.add.f32 [tilespmem:s10], [sflag:$0x8], $0x10, s26, s13, $0xb8;
	[tilespmem:$0x57D0] =	vst v63  }
0x55: {  	_ =	swait.ge [sflag:s14], $0x7D0  }
0x56: {  	[sflag:s14] =	ssyncset.done $0x0  }
0x57: {  	[sflag:s14] =	ssyncadd.s32 $0xFFFFF830  }
0x58: {  	_ =	swait.ge [sflag:s15], $0x7D0  }
0x59: {  	[sflag:s15] =	ssyncset.done $0x0  }
0x5a: {  	[sflag:s15] =	ssyncadd.s32 $0xFFFFF830  }
0x5b: {  	_ =	swait.ge [sflag:s16], $0x7D0  }
0x5c: {  	[sflag:s16] =	ssyncset.done $0x0  }
0x5d: {  	[sflag:s16] =	ssyncadd.s32 $0xFFFFF830  }
0x5e: {  	_ =	swait.ge [sflag:s17], $0x7D0  }
0x5f: {  	[sflag:s17] =	ssyncset.done $0x0  }
0x60: {  	[sflag:s17] =	ssyncadd.s32 $0xFFFFF830  }
0x61: {  	_ =	swait.ge [sflag:s18], $0x7D0  }
0x62: {  	[sflag:s18] =	ssyncset.done $0x0  }
0x63: {  	[sflag:s18] =	ssyncadd.s32 $0xFFFFF830  }
0x64: {  	_ =	swait.ge [sflag:s19], $0x7D0  }
0x65: {  	[sflag:s19] =	ssyncset.done $0x0  }
0x66: {  	[sflag:s19] =	ssyncadd.s32 $0xFFFFF830  }
.Ltmp0:
0x67: {  	_ =	swait.ge [sflag:s20], $0x7D0;
	(pc) =	sbr.rel @p0 .LBB2_2-.Ltmp0, $4  }
0x68: {  	[sflag:s20] =	ssyncset.done $0x0  }
0x69: {  	[sflag:s20] =	ssyncadd.s32 $0xFFFFF830  }
0x6a: {  	_ =	swait.ge [sflag:s21], $0x7D0  }
0x6b: {  	s26 =	smov.u32 s25;
	[sflag:s21] =	ssyncset.done $0x0  }
0x6c: {  	s24 =	sshra.s32 s24, $0x2;
	[sflag:s21] =	ssyncadd.s32 $0xFFFFF830  }
0x6d: {  	[spmem:s3] =	stream.indirect.scatter.add.f32 [tilespmem:s10], [sflag:$0x1], $0x10, s24, s13, $0xb8;
	[tilespmem:$0x57D0] =	vst v63  }
0x6e: {  	s25 =	sadd.s32 $0x80, s24  }
0x6f: {  	[spmem:s3] =	stream.indirect.scatter.add.f32 [tilespmem:s10], [sflag:$0x2], $0x10, s25, s13, $0xb8;
	[tilespmem:$0x57D0] =	vst v63  }
0x70: {  	s26 =	sadd.s32 $0x100, s24  }
0x71: {  	[spmem:s3] =	stream.indirect.scatter.add.f32 [tilespmem:s10], [sflag:$0x3], $0x10, s26, s13, $0xb8;
	[tilespmem:$0x57D0] =	vst v63  }
0x72: {  	s28 =	sadd.s32 $0x180, s24  }
0x73: {  	[spmem:s3] =	stream.indirect.scatter.add.f32 [tilespmem:s10], [sflag:$0x4], $0x10, s28, s13, $0xb8;
	[tilespmem:$0x57D0] =	vst v63  }
0x74: {  	s29 =	sadd.s32 $0x200, s24  }
0x75: {  	[spmem:s3] =	stream.indirect.scatter.add.f32 [tilespmem:s10], [sflag:$0x5], $0x10, s29, s13, $0xb8;
	[tilespmem:$0x57D0] =	vst v63  }
0x76: {  	s30 =	sadd.s32 $0x280, s24  }
0x77: {  	[spmem:s3] =	stream.indirect.scatter.add.f32 [tilespmem:s10], [sflag:$0x6], $0x10, s30, s13, $0xb8;
	[tilespmem:$0x57D0] =	vst v63  }
0x78: {  	s31 =	sadd.s32 $0x300, s24  }
0x79: {  	[spmem:s3] =	stream.indirect.scatter.add.f32 [tilespmem:s10], [sflag:$0x7], $0x10, s31, s13, $0xb8;
	[tilespmem:$0x57D0] =	vst v63  }
0x7a: {  	s24 =	sadd.s32 $0x380, s24  }
0x7b: {  	[spmem:s3] =	stream.indirect.scatter.add.f32 [tilespmem:s10], [sflag:$0x8], $0x10, s24, s13, $0xb8;
	[tilespmem:$0x57D0] =	vst v63  }
0x7c: {  	_ =	swait.ge [sflag:s14], $0x7D0  }
0x7d: {  	[sflag:s14] =	ssyncset.done $0x0  }
0x7e: {  	[sflag:s14] =	ssyncadd.s32 $0xFFFFF830  }
0x7f: {  	_ =	swait.ge [sflag:s15], $0x7D0  }
0x80: {  	[sflag:s15] =	ssyncset.done $0x0  }
0x81: {  	[sflag:s15] =	ssyncadd.s32 $0xFFFFF830  }
0x82: {  	_ =	swait.ge [sflag:s16], $0x7D0  }
0x83: {  	[sflag:s16] =	ssyncset.done $0x0  }
0x84: {  	[sflag:s16] =	ssyncadd.s32 $0xFFFFF830  }
0x85: {  	_ =	swait.ge [sflag:s17], $0x7D0  }
0x86: {  	[sflag:s17] =	ssyncset.done $0x0  }
0x87: {  	[sflag:s17] =	ssyncadd.s32 $0xFFFFF830  }
0x88: {  	_ =	swait.ge [sflag:s18], $0x7D0  }
0x89: {  	[sflag:s18] =	ssyncset.done $0x0  }
0x8a: {  	[sflag:s18] =	ssyncadd.s32 $0xFFFFF830  }
0x8b: {  	_ =	swait.ge [sflag:s19], $0x7D0  }
0x8c: {  	[sflag:s19] =	ssyncset.done $0x0  }
0x8d: {  	[sflag:s19] =	ssyncadd.s32 $0xFFFFF830  }
0x8e: {  	_ =	swait.ge [sflag:s20], $0x7D0  }
0x8f: {  	[sflag:s20] =	ssyncset.done $0x0  }
0x90: {  	[sflag:s20] =	ssyncadd.s32 $0xFFFFF830  }
0x91: {  	_ =	swait.ge [sflag:s21], $0x7D0  }
0x92: {  	s23 =	sadd.s32 $0x1, s23;
	[sflag:s21] =	ssyncset.done $0x0  }
0x93: {  	p0 =	sne.s32 s23, s8;
	[sflag:s21] =	ssyncadd.s32 $0xFFFFF830  }
.Ltmp1:
0x94: {  	[bflag:$0x0] =	sbarrier.arrive $0xFFFF;
	(pc) =	sbr.rel @p0 .LBB2_1-.Ltmp1, $4  }
0x95: {  	[hbm:s7@s22], [sflag:s11] =	dma.strided [spmem:s12@s15], $0x500, s14, $0x2   }
0x96: {  	_ =	swait.ge [sflag:s9], $0x500  }
0x97: {  	[sflag:s9] =	ssyncset.done $0x0  }
0x98: {  	[sflag:s9] =	ssyncadd.s32 $0xFFFFFB00  }
0x99: {  	_ =	sfence.sel $0x180000  }
0x9a: {  	[bflag:$0x0] =	sbarrier.arrive $0xFFFF  }
0x9b: {  	p0 =	sne.s32 s0, $0x0;
	_ =	strace $0x90000047  }
0x9c: {  	s0 =	sadd.s32 @!p0 $0x100000, s1;
	[bflag:$0x2] =	sbarrier.arrive $0xFFFF  }
0x9d: {  	[sflag:s0] =	ssyncadd.tile.s32 @!p0 $0x1;
	_ =	shalt  }
.Lfunc_end2:
_tile_overlayer_lowered:
.L_overlay_start_2:
0x9e: {  	(tag) =	ssettag $0x2  }
0x9f: {  	s0 =	rddreg [dreg:$0x0];
	s2 =	stileid.u32  }
0xa0: {  	s1 =	rddreg [dreg:$0x1];
	p0 =	sne.s32 s2, $0x0  }
0xa1: {  	s3 =	rddreg [dreg:$0x2];
	[bflag:$0x3] =	sbarrier.arrive $0xFFFF;
	s2 =	simm.s32 @!p0 $0x1C09  }
0xa2: {  	[timem:s3], [sflag:s2] =	dma.local @!p0 [hbm:s0], s1  }
0xa3: {  	s0 =	simm.s32 @!p0 $0x9  }
0xa4: {  	_ =	swait.ge @!p0 [sflag:s0], s1  }
0xa5: {  	s1 =	ssub.s32 @!p0 $0x0, s1;
	[sflag:s0] =	ssyncset.done @!p0 $0x0  }
0xa6: {  	[sflag:s0] =	ssyncadd.s32 @!p0 s1  }
0xa7: {  	[bflag:$0x3] =	sbarrier.arrive $0xFFFF  }
0xa8: {  	_ =	shalt  }

// kernel: kernel.13.cloned.1.call-start
scs
__scs_entry_jumppad:
0x0: {  	(pc) =	sbr.rel $0x88, $3  }
0x1: {  	(tag) =	ssettag $0x0;
	lr =	simm.s32 $0x1  }
0x2: {  	[smem:$0x3F9B] =	sst lr;
	_ =	strace $0xD0000000  }
0x3: {  	_ = 	snop  }
0x4: {  	_ = 	snop  }
0x5: {  	_ = 	snop  }
0x6: {  	_ = 	snop  }
0x7: {  	_ = 	snop  }
__scs_overlays_trampoline_lowered:
0x8: {  	[smem:$0x3FAA] =	sst s0  }
0x9: {  	[smem:$0x3FAB] =	sst s1  }
0xa: {  	[smem:$0x3FAC] =	sst s2  }
0xb: {  	[smem:$0x3FAD] =	sst s3  }
0xc: {  	[smem:$0x3FAE] =	sst s4  }
0xd: {  	[smem:$0x3FAF] =	sst s5  }
0xe: {  	[smem:$0x3FB0] =	sst s6  }
0xf: {  	[smem:$0x3FB1] =	sst s7  }
0x10: {  	[smem:$0x3FB2] =	sst s8  }
0x11: {  	[smem:$0x3FB3] =	sst s9;
	s0 =	simm.s32 @!p0 $0x0  }
0x12: {  	s1 =	sld [smem:$0x3F99];
	s0 =	simm.s32 @p0 $0x1  }
0x13: {  	[smem:$0x3FB4] =	sst s0;
	s0 =	simm.s32 @!p1 $0x0  }
0x14: {  	s2 =	sld [smem:$0x3F98];
	s0 =	simm.s32 @p1 $0x1  }
0x15: {  	[smem:$0x3FB5] =	sst s0;
	s0 =	simm.s32 @!p2 $0x0  }
0x16: {  	s3 =	sld [smem:$0x3FDB];
	s0 =	simm.s32 @p2 $0x1  }
0x17: {  	s4 =	simm.s32 $0x1BF5;
	[smem:$0x3FB7] =	sst s0  }
0x18: {  	s0 =	sld [smem:$0x3F9A];
	_ =	swait.ge [sflag:s4], $0x0  }
0x19: {  	s7 =	sld [smem:$0x3F9B]  }
0x1a: {  	s8 =	sadd.s32 $0xFFFFE003, lr  }
0x1b: {  	s9 =	sadd.s32 $0xFFFFFEF7, lr;
	s5 =	simm.s32 $0xFFFFFFFF;
	p2 =	slt.u32 s8, $0xFFFFF086  }
0x1c: {  	p1 =	slt.u32 s9, $0xF7A;
	s5 =	simm.s32 @!p2 $0x0  }
0x1d: {  	s5 =	simm.s32 @p1 $0x1;
	p0 =	seq.s32 s7, s2  }
0x1e: {  	s7 =	smul.u32 @!p0 $0xF7A, s2;
	p2 =	seq.s32 @!p0 s5, $0x0  }
0x1f: {  	s9 =	smul.u32 $0xF7A, s1;
	s8 =	simm.s32 @!p0 $0x1BF5;
	p2 =	por !p2, p0  }
0x20: {  	[sflag:s8] =	ssyncset.s32 @!p0 $0xFFFFF086;
	s6 =	sadd.s32 @!p0 s3, s7;
	s7 =	simm.s32 @!p0 $0x108  }
0x21: {  	s3 =	sadd.s32 s3, s9;
	s6 =	sadd.s32 @!p0 $0x88, s6;
	s7 =	simm.s32 @p2 $0x1082  }
0x22: {  	[simem:s7], [sflag:s8] =	dma.local @!p0 [hbm:s6], $0xF7A  }
0x23: {  	s9 =	sor.u32 $0xD0000000, s2;
	s6 =	simm.s32 $0x108;
	_ =	swait.ge @!p0 [sflag:s8], $0x0  }
0x24: {  	s3 =	sadd.s32 $0x88, s3;
	s6 =	simm.s32 @!p1 $0x1082;
	[sflag:s4] =	ssyncset.s32 $0xFFFFF086  }
0x25: {  	[simem:s6], [sflag:s4] =	dma.local [hbm:s3], $0xF7A  }
0x26: {  	[smem:$0x3F9B] =	sst s1;
	(tag) =	ssettag s2;
	_ =	strace s9  }
0x27: {  	s1 =	sld [smem:$0x3FAB]  }
0x28: {  	s2 =	sld [smem:$0x3FAC]  }
0x29: {  	s4 =	sld [smem:$0x3FAE]  }
0x2a: {  	p0 =	seq.s32 s5, $0x0;
	s5 =	sld [smem:$0x3FAF]  }
0x2b: {  	s6 =	sld [smem:$0x3FB0]  }
0x2c: {  	s7 =	sld [smem:$0x3FB1]  }
0x2d: {  	s3 =	simm.s32 $0x108;
	s8 =	sld [smem:$0x3FB2]  }
0x2e: {  	s3 =	simm.s32 @!p0 $0x1082;
	s9 =	sld [smem:$0x3FB3]  }
0x2f: {  	lr =	sadd.s32 s0, s3;
	s0 =	sld [smem:$0x3FAA]  }
0x30: {  	s3 =	sld [smem:$0x3FAD]  }
0x31: {  	[smem:$0x3FB6] =	sst s10  }
0x32: {  	s10 =	sld [smem:$0x3FB4];
	_ =	sdelay $0x3  }
0x33: {  	p0 =	seq.s32 s10, $0x1;
	s10 =	sld [smem:$0x3FB6];
	_ =	sdelay $0x3  }
0x34: {  	[smem:$0x3FB6] =	sst s10  }
0x35: {  	s10 =	sld [smem:$0x3FB5];
	_ =	sdelay $0x3  }
0x36: {  	p1 =	seq.s32 s10, $0x1;
	s10 =	sld [smem:$0x3FB6];
	_ =	sdelay $0x3  }
0x37: {  	[smem:$0x3FB6] =	sst s10  }
0x38: {  	s10 =	sld [smem:$0x3FB7]  }
0x39: {  	_ = 	snop;
	(pc) =	sbr.ind lr, $3  }
0x3a: {  	_ = 	snop  }
0x3b: {  	_ = 	snop  }
0x3c: {  	p2 =	seq.s32 s10, $0x1;
	s10 =	sld [smem:$0x3FB6]  }
0x3d: {  	_ =	shalt  }
0x3e: {  	_ =	shalt  }
0x3f: {  	_ =	shalt  }
0x40: {  	_ =	shalt  }
0x41: {  	_ =	shalt  }
0x42: {  	_ =	shalt  }
0x43: {  	_ =	shalt  }
0x44: {  	_ =	shalt  }
0x45: {  	_ =	shalt  }
0x46: {  	_ =	shalt  }
0x47: {  	_ =	shalt  }
0x48: {  	_ =	shalt  }
0x49: {  	_ =	shalt  }
0x4a: {  	_ =	shalt  }
0x4b: {  	_ =	shalt  }
0x4c: {  	_ =	shalt  }
0x4d: {  	_ =	shalt  }
0x4e: {  	_ =	shalt  }
0x4f: {  	_ =	shalt  }
0x50: {  	_ =	shalt  }
0x51: {  	_ =	shalt  }
0x52: {  	_ =	shalt  }
0x53: {  	_ =	shalt  }
0x54: {  	_ =	shalt  }
0x55: {  	_ =	shalt  }
0x56: {  	_ =	shalt  }
0x57: {  	_ =	shalt  }
0x58: {  	_ =	shalt  }
0x59: {  	_ =	shalt  }
0x5a: {  	_ =	shalt  }
0x5b: {  	_ =	shalt  }
0x5c: {  	_ =	shalt  }
0x5d: {  	_ =	shalt  }
0x5e: {  	_ =	shalt  }
0x5f: {  	_ =	shalt  }
0x60: {  	_ =	shalt  }
0x61: {  	_ =	shalt  }
0x62: {  	_ =	shalt  }
0x63: {  	_ =	shalt  }
0x64: {  	_ =	shalt  }
0x65: {  	_ =	shalt  }
0x66: {  	_ =	shalt  }
0x67: {  	_ =	shalt  }
0x68: {  	_ =	shalt  }
0x69: {  	_ =	shalt  }
0x6a: {  	_ =	shalt  }
0x6b: {  	_ =	shalt  }
0x6c: {  	_ =	shalt  }
0x6d: {  	_ =	shalt  }
0x6e: {  	_ =	shalt  }
0x6f: {  	_ =	shalt  }
0x70: {  	_ =	shalt  }
0x71: {  	_ =	shalt  }
0x72: {  	_ =	shalt  }
0x73: {  	_ =	shalt  }
0x74: {  	_ =	shalt  }
0x75: {  	_ =	shalt  }
0x76: {  	_ =	shalt  }
0x77: {  	_ =	shalt  }
0x78: {  	_ =	shalt  }
0x79: {  	_ =	shalt  }
0x7a: {  	_ =	shalt  }
0x7b: {  	_ =	shalt  }
0x7c: {  	_ =	shalt  }
0x7d: {  	_ =	shalt  }
0x7e: {  	_ =	shalt  }
0x7f: {  	_ =	shalt  }
0x80: {  	_ =	shalt  }
0x81: {  	_ =	shalt  }
0x82: {  	_ =	shalt  }
0x83: {  	_ =	shalt  }
0x84: {  	_ =	shalt  }
0x85: {  	_ =	shalt  }
0x86: {  	_ =	shalt  }
0x87: {  	_ =	shalt  }
.Lfunc_end0:
.L_simem_size_0:
called_computation.1_lowered:
.L_overlay_start_0:
0x88: {  	s2 =	sld [smem:$0x3FD9]  }
0x89: {  	s3 =	sld [smem:$0x3FFE];
	_ =	sdelay $0x1  }
0x8a: {  	s1 =	srdreg.scid  }
0x8b: {  	s0 =	sand.u32 $0x1, s1  }
0x8c: {  	s17 =	sshll.u32 s0, $0xA;
	s2 =	sadd.s32 s3, s2  }
0x8d: {  	s2 =	sadd.s32 s2, s17  }
0x8e: {  	[smem:$0x3FC2] =	sst s2  }
0x8f: {  	_ = 	snop  }
0x90: {  	s2 =	sld [smem:$0x3FD0];
	(tm) =	ssettm $0x1  }
0x91: {  	s18 =	sld [smem:$0x3FFB];
	_ =	sdelay $0x3  }
0x92: {  	_ =	strace s18  }
0x93: {  	s3 =	sld [smem:$0x3FFC];
	_ =	sdelay $0x3  }
0x94: {  	_ =	strace s3  }
0x95: {  	s3 =	sld [smem:$0x3FFD];
	_ =	sdelay $0x3  }
0x96: {  	_ =	strace s3  }
0x97: {  	_ =	strace $0x8FFFFFFF  }
0x98: {  	s19 =	sld [smem:$0x3FDB];
	_ =	sdelay $0x1  }
0x99: {  	s4 =	simm.s32 $_scs_section_size  }
0x9a: {  	s5 =	simm.s32 $_size__tile_overlayer_lowered;
	s6 =	simm.s32 $_tile_overlayer_lowered  }
0x9b: {  	s22 =	simm.s32 $0x1BFF;
	s21 =	sshll.u32 s6, $0x1;
	s3 =	sadd.s32 s4, s19  }
0x9c: {  	s7 =	simm.s32 $0x0;
	s20 =	sshll.u32 s5, $0x1;
	s5 =	sadd.s32 s21, s3  }
0x9d: {  	[timem:s7], [sflag:s22] =	dma.local [hbm:s5], s20  }
0x9e: {  	_ =	swait.ge [sflag:s22], s20  }
0x9f: {  	s4 =	ssub.s32 $0x0, s20;
	[sflag:s22] =	ssyncset.done $0x0  }
0xa0: {  	[sflag:s22] =	ssyncadd.s32 s4;
	_ =	sdelay $0x1  }
0xa1: {  	s23 =	simm.s32 $0x1B8B  }
0xa2: {  	_ =	swait.ge [sflag:s23], $0x1  }
0xa3: {  	[sflag:s23] =	ssyncset.done $0x0  }
0xa4: {  	s25 =	simm.s32 $0x1B8E;
	s24 =	sld [smem:$0x3FFE];
	[sflag:s23] =	ssyncadd.s32 $0xFFFFFFFF  }
0xa5: {  	s26 =	simm.s32 $execute0_lowered;
	[smem:$0x3FD2] =	sst s25  }
0xa6: {  	s5 =	sshll.u32 s26, $0x1;
	_ =	strace $0x80000049;
	[dreg:$0x1] =	wrdreg $0xFFFFFFFF  }
0xa7: {  	s28 =	simm.s32 $_size_execute0_lowered;
	s3 =	sadd.s32 s3, s5;
	[dreg:$0x0] =	wrdreg $0x0  }
0xa8: {  	s5 =	sshll.u32 s28, $0x1;
	[dreg:$0x2] =	wrdreg s3  }
0xa9: {  	[dreg:$0x3] =	wrdreg s5  }
0xaa: {  	[dreg:$0x4] =	wrdreg $0xC0  }
0xab: {  	_ =	task [dreg:s7], $0x5FFFF  }
0xac: {  	[dreg:$0x1] =	wrdreg $0xFFFFFFFF  }
0xad: {  	[dreg:$0x0] =	wrdreg $0x60  }
0xae: {  	[dreg:$0x2] =	wrdreg s2  }
0xaf: {  	[dreg:$0x3] =	wrdreg s24  }
0xb0: {  	[dreg:$0x4] =	wrdreg $0x8E800  }
0xb1: {  	[dreg:$0x5] =	wrdreg $0x9  }
0xb2: {  	_ =	task.clear_ibuf [dreg:s7], $0x6FFFF;
	_ =	strace $0x90000049  }
0xb3: {  	s29 =	simm.s32 $0x9;
	_ =	strace $0x8000004B  }
0xb4: {  	_ =	swait.ge [sflag:s29], $0x1  }
0xb5: {  	[sflag:s29] =	ssyncadd.s32 $0xFFFFFFFF  }
0xb6: {  	_ =	strace $0x9000004B  }
0xb7: {  	_ =	sfence  }
0xb8: {  	s30 =	sld [smem:$0x0];
	_ =	sdelay $0x2  }
0xb9: {  	s31 =	sshll.u32 s1, $0xD;
	s1 =	sshrl.u32 s1, $0x2  }
0xba: {  	s3 =	sand.u32 $0x4000, s31;
	s1 =	sadd.s32 s1, s30  }
0xbb: {  	s0 =	sor.u32 s3, s0;
	s1 =	sshll.u32 s1, $0x11  }
0xbc: {  	s0 =	sor.u32 s1, s0  }
0xbd: {  	s0 =	sadd.s32 $0x8F2B, s0  }
0xbe: {  	[sflag:s0] =	ssyncadd.remote.s32 $0x1  }
0xbf: {  	_ =	sfence.sel $0xFFFF  }
0xc0: {  	[dreg:$0x0] =	wrdreg $0xFFFFFFFF;
	(pc) =	sbr.abs _section_cstart, $3  }
0xc1: {  	[dreg:$0x1] =	wrdreg $0xFFFFFFFF  }
0xc2: {  	_ =	task.clear_ibuf [dreg:s7], $0x2FFFF;
	_ =	strace $0x9FFFFFFF  }
0xc3: {  	(tm) =	ssettm $0x7FFFFFFF  }
tec
execute0_lowered:
.L_overlay_start_1:
0x0: {  	(tag) =	ssettag $0x1  }
0x1: {  	s2 =	rddreg [dreg:$0x0]  }
0x2: {  	s0 =	srdreg.scid;
	s4 =	rddreg [dreg:$0x1]  }
0x3: {  	s8 =	stileid.u32;
	s3 =	rddreg [dreg:$0x2];
	s7 =	simm.s32 $0x0  }
0x4: {  	s13 =	simm.s32 $0x11;
	s14 =	simm.s32 $0x7D;
	s15 =	simm.s32 $0x5000  }
0x5: {  	s17 =	simm.s32 $0x57D0;
	s19 =	simm.s32 $0x5FA0;
	s28 =	simm.s32 $0x7EE0  }
0x6: {  	s30 =	simm.s32 $0x86B0;
	s31 =	simm.s32 $0x1;
	s11 =	simm.s32 $0x4  }
0x7: {  	s16 =	simm.s32 $0x5;
	s18 =	simm.s32 $0x6;
	s29 =	simm.s32 $0xB  }
0x8: {  	s9 =	simm.s32 $0x10;
	s10 =	simm.s32 $0x0;
	s0 =	sand.u32 $0x1, s0  }
0x9: {  	s1 =	sshll.u32 s8, $0x1;
	s6 =	smul.u32 $0x14000, s8;
	[smem:$0x7FF] =	sst s7  }
0xa: {  	s20 =	smul.u32 $0x2800, s8;
	s26 =	sshll.u32 s8, $0x6;
	s7 =	simm.s32 $0xE  }
0xb: {  	s8 =	simm.s32 $0xF;
	s1 =	sor.u32 s0, s1;
	s5 =	smul.u32 $0x140000, s0  }
0xc: {  	_ =	strace $0x8000004A;
	s0 =	ssub.s32 $0x2, s0;
	[dreg:$0xb] =	wrdreg s10  }
0xd: {  	s1 =	smul.u32 $0x500, s1;
	s21 =	sshrl.u32 s20, $0x3;
	s22 =	sshrl.u32 s0, $0x1  }
0xe: {  	s24 =	sadd.s32 s20, s3;
	s20 =	simm.s32 $0x7;
	s5 =	sadd.s32 s6, s5  }
0xf: {  	s6 =	sadd.s32 s21, s4;
	s0 =	ssub.s32 s0, s22;
	s12 =	sshrl.u32 s24, $0x3  }
0x10: {  	s21 =	simm.s32 $0x6770;
	s22 =	simm.s32 $0x8;
	s24 =	simm.s32 $0x9  }
0x11: {  	s1 =	sadd.s32 s1, s4;
	s5 =	sshrl.u32 s5, $0x3;
	s25 =	sadd.s32 $0xC200, s6  }
0x12: {  	s0 =	smax.u32 s0, $0x1;
	s6 =	simm.s32 $0xD;
	[dreg:$0x9] =	wrdreg s12  }
0x13: {  	s4 =	sadd.s32 s5, s4;
	s23 =	sadd.s32 $0x61200, s1;
	[dreg:$0x6] =	wrdreg s25  }
.Ltmp0:
0x14: {  	s1 =	sadd.s32 $0x2200, s1;
	[dreg:$0x8] =	wrdreg s0;
	(pc) =	sbr.rel .LBB2_1-.Ltmp0, $4  }
0x15: {  	s0 =	sor.u32 $0x1C11, s26;
	s25 =	simm.s32 $0x7710;
	[dreg:$0x4] =	wrdreg s23  }
0x16: {  	s26 =	simm.s32 $0xA;
	s5 =	simm.s32 $0xC;
	[dreg:$0x5] =	wrdreg s1  }
0x17: {  	s4 =	sadd.s32 $0x11200, s4;
	[dreg:$0xa] =	wrdreg s0;
	s23 =	simm.s32 $0x6F40  }
0x18: {  	s1 =	simm.s32 $0x2;
	s0 =	simm.s32 $0x3;
	[dreg:$0x7] =	wrdreg s4  }
.LBB2_4:
0x19: {  	_ =	swait.ge [sflag:s26], $0x7D0  }
0x1a: {  	[sflag:s26] =	ssyncset.done $0x0  }
0x1b: {  	[sflag:s26] =	ssyncadd.s32 $0xFFFFF830  }
0x1c: {  	_ =	swait.ge [sflag:s29], $0x7D0  }
0x1d: {  	[sflag:s29] =	ssyncset.done $0x0  }
0x1e: {  	[sflag:s29] =	ssyncadd.s32 $0xFFFFF830  }
0x1f: {  	_ =	swait.ge [sflag:s5], $0x7D0  }
0x20: {  	[sflag:s5] =	ssyncset.done $0x0  }
0x21: {  	[sflag:s5] =	ssyncadd.s32 $0xFFFFF830  }
0x22: {  	_ =	swait.ge [sflag:s6], $0x7D0  }
0x23: {  	[sflag:s6] =	ssyncset.done $0x0  }
0x24: {  	[sflag:s6] =	ssyncadd.s32 $0xFFFFF830  }
0x25: {  	_ =	swait.ge [sflag:s7], $0x7D0  }
0x26: {  	[sflag:s7] =	ssyncset.done $0x0  }
0x27: {  	[sflag:s7] =	ssyncadd.s32 $0xFFFFF830  }
0x28: {  	_ =	swait.ge [sflag:s8], $0x7D0  }
0x29: {  	[sflag:s8] =	ssyncset.done $0x0  }
0x2a: {  	[sflag:s8] =	ssyncadd.s32 $0xFFFFF830  }
0x2b: {  	_ =	swait.ge [sflag:s9], $0x7D0  }
0x2c: {  	[sflag:s9] =	ssyncset.done $0x0  }
0x2d: {  	[sflag:s9] =	ssyncadd.s32 $0xFFFFF830  }
0x2e: {  	[bflag:$0x0] =	sbarrier.arrive $0xFFFF  }
0x2f: {  	s10 =	rddreg [dreg:$0x7]  }
0x30: {  	s12 =	rddreg [dreg:$0x9]  }
0x31: {  	s13 =	simm.s32 $0x11;
	s4 =	rddreg [dreg:$0xa]  }
0x32: {  	[hbm:s10@s9], [sflag:s4] =	dma.strided [spmem:s12@s1], $0x500, s31, $0x2   }
0x33: {  	_ =	swait.ge [sflag:s13], $0x500  }
0x34: {  	s10 =	rddreg [dreg:$0xb]  }
0x35: {  	s12 =	rddreg [dreg:$0x8];
	s4 =	sadd.s32 $0x1, s10  }
0x36: {  	p0 =	sne.s32 s4, s12  }
.Ltmp1:
0x37: {  	_ = 	snop;
	(pc) =	sbr.rel @!p0 .LBB2_5-.Ltmp1, $3  }
0x38: {  	_ =	sdelay $0x1  }
0x39: {  	[sflag:s13] =	ssyncset.done $0x0  }
0x3a: {  	[sflag:s13] =	ssyncadd.s32 $0xFFFFFB00;
	[dreg:$0xb] =	wrdreg s4  }
.LBB2_1:
0x3b: {  	s4 =	simm.s32 $0x0;
	s12 =	rddreg [dreg:$0x4]  }
0x3c: {  	[tilespmem:s4], [sflag:$0x11] =	stream.linear.gather [hbm4b:s12+s4], $0x2800, $0x38;
	[tilespmem:$0xB680] =	vst v63  }
0x3d: {  	_ =	swait.ge [sflag:s13], $0x2800  }
0x3e: {  	s10 =	simm.s32 $0x0;
	[sflag:s13] =	ssyncset.done $0x0  }
0x3f: {  	s4 =	simm.s32 $0x2800;
	s12 =	rddreg [dreg:$0x5];
	[sflag:s13] =	ssyncadd.s32 $0xFFFFD800  }
0x40: {  	[tilespmem:s4], [sflag:$0x11] =	stream.linear.gather [hbm4b:s12+s10], $0x2800, $0x38;
	[tilespmem:$0xB680] =	vst v63  }
0x41: {  	s10 =	rddreg [dreg:$0xa];
	_ =	swait.ge [sflag:s13], $0x2800  }
0x42: {  	[sflag:s13] =	ssyncset.done $0x0;
	s12 =	rddreg [dreg:$0x6]  }
0x43: {  	s4 =	rddreg [dreg:$0x9];
	[sflag:s13] =	ssyncadd.s32 $0xFFFFD800  }
0x44: {  	[spmem:s4], [sflag:s10] =	dma.local [hbm:s12], $0x500  }
0x45: {  	_ =	swait.ge [sflag:s13], $0x500  }
0x46: {  	[sflag:s13] =	ssyncset.done $0x0  }
0x47: {  	[sflag:s13] =	ssyncadd.s32 $0xFFFFFB00  }
0x48: {  	s12 =	simm.s32 $0x0;
	[bflag:$0x0] =	sbarrier.arrive $0xFFFF  }
0x49: {  	[tilespmem:s15], [sflag:$0x1] =	stream.indirect.gather [hbm4b:s2+s14], $0x10, s12, s14, $0xb8;
	[tilespmem:$0xB680] =	vst v63  }
0x4a: {  	s13 =	simm.s32 $0x80  }
0x4b: {  	[tilespmem:s17], [sflag:$0x2] =	stream.indirect.gather [hbm4b:s2+s14], $0x10, s13, s14, $0xb8;
	[tilespmem:$0xB680] =	vst v63  }
0x4c: {  	s4 =	simm.s32 $0x100  }
0x4d: {  	[tilespmem:s19], [sflag:$0x3] =	stream.indirect.gather [hbm4b:s2+s14], $0x10, s4, s14, $0xb8;
	[tilespmem:$0xB680] =	vst v63  }
0x4e: {  	s12 =	simm.s32 $0x180  }
0x4f: {  	[tilespmem:s21], [sflag:$0x4] =	stream.indirect.gather [hbm4b:s2+s14], $0x10, s12, s14, $0xb8;
	[tilespmem:$0xB680] =	vst v63  }
0x50: {  	s13 =	simm.s32 $0x200  }
0x51: {  	[tilespmem:s23], [sflag:$0x5] =	stream.indirect.gather [hbm4b:s2+s14], $0x10, s13, s14, $0xb8;
	[tilespmem:$0xB680] =	vst v63  }
0x52: {  	s4 =	simm.s32 $0x280  }
0x53: {  	[tilespmem:s25], [sflag:$0x6] =	stream.indirect.gather [hbm4b:s2+s14], $0x10, s4, s14, $0xb8;
	[tilespmem:$0xB680] =	vst v63  }
0x54: {  	s12 =	simm.s32 $0x300  }
0x55: {  	[tilespmem:s28], [sflag:$0x7] =	stream.indirect.gather [hbm4b:s2+s14], $0x10, s12, s14, $0xb8;
	[tilespmem:$0xB680] =	vst v63  }
0x56: {  	s13 =	simm.s32 $0x380;
	s12 =	simm.s32 $0x0  }
0x57: {  	[tilespmem:s30], [sflag:$0x8] =	stream.indirect.gather [hbm4b:s2+s14], $0x10, s13, s14, $0xb8;
	[tilespmem:$0xB680] =	vst v63  }
.LBB2_2:
0x58: {  	_ =	swait.ge [sflag:s31], $0x7D0  }
0x59: {  	s13 =	sshra.s32 s12, $0x2;
	[sflag:s31] =	ssyncset.done $0x0  }
0x5a: {  	s10 =	sadd.s32 $0x2800, s13;
	[sflag:s31] =	ssyncadd.s32 $0xFFFFF830  }
0x5b: {  	[spmem:s3] =	stream.indirect.scatter.add.f32 [tilespmem:s15], [sflag:$0x9], $0x10, s10, s14, $0xb8;
	[tilespmem:$0xB680] =	vst v63  }
0x5c: {  	_ =	swait.ge [sflag:s1], $0x7D0  }
0x5d: {  	[sflag:s1] =	ssyncset.done $0x0  }
0x5e: {  	s4 =	sadd.s32 $0x2880, s13;
	[sflag:s1] =	ssyncadd.s32 $0xFFFFF830  }
0x5f: {  	[spmem:s3] =	stream.indirect.scatter.add.f32 [tilespmem:s17], [sflag:$0xA], $0x10, s4, s14, $0xb8;
	[tilespmem:$0xB680] =	vst v63  }
0x60: {  	_ =	swait.ge [sflag:s0], $0x7D0  }
0x61: {  	[sflag:s0] =	ssyncset.done $0x0  }
0x62: {  	s4 =	sadd.s32 $0x2900, s13;
	[sflag:s0] =	ssyncadd.s32 $0xFFFFF830  }
0x63: {  	[spmem:s3] =	stream.indirect.scatter.add.f32 [tilespmem:s19], [sflag:$0xB], $0x10, s4, s14, $0xb8;
	[tilespmem:$0xB680] =	vst v63  }
0x64: {  	_ =	swait.ge [sflag:s11], $0x7D0  }
0x65: {  	[sflag:s11] =	ssyncset.done $0x0  }
0x66: {  	s4 =	sadd.s32 $0x2980, s13;
	[sflag:s11] =	ssyncadd.s32 $0xFFFFF830  }
0x67: {  	[spmem:s3] =	stream.indirect.scatter.add.f32 [tilespmem:s21], [sflag:$0xC], $0x10, s4, s14, $0xb8;
	[tilespmem:$0xB680] =	vst v63  }
0x68: {  	_ =	swait.ge [sflag:s16], $0x7D0  }
0x69: {  	[sflag:s16] =	ssyncset.done $0x0  }
0x6a: {  	s4 =	sadd.s32 $0x2A00, s13;
	[sflag:s16] =	ssyncadd.s32 $0xFFFFF830  }
0x6b: {  	[spmem:s3] =	stream.indirect.scatter.add.f32 [tilespmem:s23], [sflag:$0xD], $0x10, s4, s14, $0xb8;
	[tilespmem:$0xB680] =	vst v63  }
0x6c: {  	_ =	swait.ge [sflag:s18], $0x7D0  }
0x6d: {  	[sflag:s18] =	ssyncset.done $0x0  }
0x6e: {  	s4 =	sadd.s32 $0x2A80, s13;
	[sflag:s18] =	ssyncadd.s32 $0xFFFFF830  }
0x6f: {  	[spmem:s3] =	stream.indirect.scatter.add.f32 [tilespmem:s25], [sflag:$0xE], $0x10, s4, s14, $0xb8;
	[tilespmem:$0xB680] =	vst v63  }
0x70: {  	_ =	swait.ge [sflag:s20], $0x7D0  }
0x71: {  	[sflag:s20] =	ssyncset.done $0x0  }
0x72: {  	s4 =	sadd.s32 $0x2B00, s13;
	[sflag:s20] =	ssyncadd.s32 $0xFFFFF830  }
0x73: {  	[spmem:s3] =	stream.indirect.scatter.add.f32 [tilespmem:s28], [sflag:$0xF], $0x10, s4, s14, $0xb8;
	[tilespmem:$0xB680] =	vst v63  }
0x74: {  	_ =	swait.ge [sflag:s22], $0x7D0  }
0x75: {  	p0 =	seq.s32 s12, $0x9000;
	[sflag:s22] =	ssyncset.done $0x0  }
.Ltmp2:
0x76: {  	s4 =	sadd.s32 $0x2B80, s13;
	[sflag:s22] =	ssyncadd.s32 $0xFFFFF830;
	(pc) =	sbr.rel @p0 .LBB2_4-.Ltmp2, $4  }
0x77: {  	[spmem:s3] =	stream.indirect.scatter.add.f32 [tilespmem:s30], [sflag:$0x10], $0x10, s4, s14, $0xb8;
	[tilespmem:$0xB680] =	vst v63  }
0x78: {  	_ =	swait.ge [sflag:s24], $0x7D0  }
0x79: {  	[sflag:s24] =	ssyncset.done $0x0  }
0x7a: {  	[sflag:s24] =	ssyncadd.s32 $0xFFFFF830  }
0x7b: {  	s10 =	sadd.s32 $0x400, s13  }
0x7c: {  	[tilespmem:s15], [sflag:$0x1] =	stream.indirect.gather [hbm4b:s2+s14], $0x10, s10, s14, $0xb8;
	[tilespmem:$0xB680] =	vst v63  }
0x7d: {  	_ =	swait.ge [sflag:s26], $0x7D0  }
0x7e: {  	[sflag:s26] =	ssyncset.done $0x0  }
0x7f: {  	s4 =	sadd.s32 $0x480, s13;
	[sflag:s26] =	ssyncadd.s32 $0xFFFFF830  }
0x80: {  	[tilespmem:s17], [sflag:$0x2] =	stream.indirect.gather [hbm4b:s2+s14], $0x10, s4, s14, $0xb8;
	[tilespmem:$0xB680] =	vst v63  }
0x81: {  	_ =	swait.ge [sflag:s29], $0x7D0  }
0x82: {  	[sflag:s29] =	ssyncset.done $0x0  }
0x83: {  	s4 =	sadd.s32 $0x500, s13;
	[sflag:s29] =	ssyncadd.s32 $0xFFFFF830  }
0x84: {  	[tilespmem:s19], [sflag:$0x3] =	stream.indirect.gather [hbm4b:s2+s14], $0x10, s4, s14, $0xb8;
	[tilespmem:$0xB680] =	vst v63  }
0x85: {  	_ =	swait.ge [sflag:s5], $0x7D0  }
0x86: {  	[sflag:s5] =	ssyncset.done $0x0  }
0x87: {  	s4 =	sadd.s32 $0x580, s13;
	[sflag:s5] =	ssyncadd.s32 $0xFFFFF830  }
0x88: {  	[tilespmem:s21], [sflag:$0x4] =	stream.indirect.gather [hbm4b:s2+s14], $0x10, s4, s14, $0xb8;
	[tilespmem:$0xB680] =	vst v63  }
0x89: {  	_ =	swait.ge [sflag:s6], $0x7D0  }
0x8a: {  	[sflag:s6] =	ssyncset.done $0x0  }
0x8b: {  	s4 =	sadd.s32 $0x600, s13;
	[sflag:s6] =	ssyncadd.s32 $0xFFFFF830  }
0x8c: {  	[tilespmem:s23], [sflag:$0x5] =	stream.indirect.gather [hbm4b:s2+s14], $0x10, s4, s14, $0xb8;
	[tilespmem:$0xB680] =	vst v63  }
0x8d: {  	_ =	swait.ge [sflag:s7], $0x7D0  }
0x8e: {  	[sflag:s7] =	ssyncset.done $0x0  }
0x8f: {  	s4 =	sadd.s32 $0x680, s13;
	[sflag:s7] =	ssyncadd.s32 $0xFFFFF830  }
0x90: {  	[tilespmem:s25], [sflag:$0x6] =	stream.indirect.gather [hbm4b:s2+s14], $0x10, s4, s14, $0xb8;
	[tilespmem:$0xB680] =	vst v63  }
0x91: {  	_ =	swait.ge [sflag:s8], $0x7D0  }
0x92: {  	[sflag:s8] =	ssyncset.done $0x0  }
0x93: {  	s4 =	sadd.s32 $0x700, s13;
	[sflag:s8] =	ssyncadd.s32 $0xFFFFF830  }
0x94: {  	[tilespmem:s28], [sflag:$0x7] =	stream.indirect.gather [hbm4b:s2+s14], $0x10, s4, s14, $0xb8;
	[tilespmem:$0xB680] =	vst v63  }
.Ltmp3:
0x95: {  	_ = 	snop;
	(pc) =	sbr.rel .LBB2_2-.Ltmp3, $4  }
0x96: {  	_ =	swait.ge [sflag:s9], $0x7D0  }
0x97: {  	[sflag:s9] =	ssyncset.done $0x0  }
0x98: {  	s12 =	sadd.s32 $0x1000, s12;
	s13 =	sadd.s32 $0x780, s13;
	[sflag:s9] =	ssyncadd.s32 $0xFFFFF830  }
0x99: {  	[tilespmem:s30], [sflag:$0x8] =	stream.indirect.gather [hbm4b:s2+s14], $0x10, s13, s14, $0xb8;
	[tilespmem:$0xB680] =	vst v63  }
.LBB2_5:
0x9a: {  	_ =	sfence.sel $0x180000  }
0x9b: {  	[bflag:$0x0] =	sbarrier.arrive $0xFFFF  }
0x9c: {  	_ =	strace $0x9000004A  }
0x9d: {  	s0 =	stileid.u32;
	[bflag:$0x2] =	sbarrier.arrive $0xFFFF  }
0x9e: {  	p0 =	sne.s32 s0, $0x0;
	s0 =	rddreg [dreg:$0x3]  }
0x9f: {  	s0 =	sadd.s32 @!p0 $0x100000, s0  }
0xa0: {  	[sflag:s0] =	ssyncadd.tile.s32 @!p0 $0x1;
	_ =	shalt  }
.Lfunc_end2:
_tile_overlayer_lowered:
.L_overlay_start_2:
0xa1: {  	(tag) =	ssettag $0x2  }
0xa2: {  	s0 =	rddreg [dreg:$0x0];
	s2 =	stileid.u32  }
0xa3: {  	s1 =	rddreg [dreg:$0x1];
	p0 =	sne.s32 s2, $0x0  }
0xa4: {  	s3 =	rddreg [dreg:$0x2];
	[bflag:$0x3] =	sbarrier.arrive $0xFFFF;
	s2 =	simm.s32 @!p0 $0x1C11  }
0xa5: {  	[timem:s3], [sflag:s2] =	dma.local @!p0 [hbm:s0], s1  }
0xa6: {  	s0 =	simm.s32 @!p0 $0x11  }
0xa7: {  	_ =	swait.ge @!p0 [sflag:s0], s1  }
0xa8: {  	s1 =	ssub.s32 @!p0 $0x0, s1;
	[sflag:s0] =	ssyncset.done @!p0 $0x0  }
0xa9: {  	[sflag:s0] =	ssyncadd.s32 @!p0 s1  }
0xaa: {  	[bflag:$0x3] =	sbarrier.arrive $0xFFFF  }
0xab: {  	_ =	shalt  }

// kernel: kernel.16.cloned.1.call-start
scs
__scs_entry_jumppad:
0x0: {  	(pc) =	sbr.rel $0x88, $3  }
0x1: {  	(tag) =	ssettag $0x0;
	lr =	simm.s32 $0x1  }
0x2: {  	[smem:$0x3F9B] =	sst lr;
	_ =	strace $0xD0000000  }
0x3: {  	_ = 	snop  }
0x4: {  	_ = 	snop  }
0x5: {  	_ = 	snop  }
0x6: {  	_ = 	snop  }
0x7: {  	_ = 	snop  }
__scs_overlays_trampoline_lowered:
0x8: {  	[smem:$0x3FAA] =	sst s0  }
0x9: {  	[smem:$0x3FAB] =	sst s1  }
0xa: {  	[smem:$0x3FAC] =	sst s2  }
0xb: {  	[smem:$0x3FAD] =	sst s3  }
0xc: {  	[smem:$0x3FAE] =	sst s4  }
0xd: {  	[smem:$0x3FAF] =	sst s5  }
0xe: {  	[smem:$0x3FB0] =	sst s6  }
0xf: {  	[smem:$0x3FB1] =	sst s7  }
0x10: {  	[smem:$0x3FB2] =	sst s8  }
0x11: {  	[smem:$0x3FB3] =	sst s9;
	s0 =	simm.s32 @!p0 $0x0  }
0x12: {  	s1 =	sld [smem:$0x3F99];
	s0 =	simm.s32 @p0 $0x1  }
0x13: {  	[smem:$0x3FB4] =	sst s0;
	s0 =	simm.s32 @!p1 $0x0  }
0x14: {  	s2 =	sld [smem:$0x3F98];
	s0 =	simm.s32 @p1 $0x1  }
0x15: {  	[smem:$0x3FB5] =	sst s0;
	s0 =	simm.s32 @!p2 $0x0  }
0x16: {  	s3 =	sld [smem:$0x3FDB];
	s0 =	simm.s32 @p2 $0x1  }
0x17: {  	s4 =	simm.s32 $0x1BF5;
	[smem:$0x3FB7] =	sst s0  }
0x18: {  	s0 =	sld [smem:$0x3F9A];
	_ =	swait.ge [sflag:s4], $0x0  }
0x19: {  	s7 =	sld [smem:$0x3F9B]  }
0x1a: {  	s8 =	sadd.s32 $0xFFFFE003, lr  }
0x1b: {  	s9 =	sadd.s32 $0xFFFFFEF7, lr;
	s5 =	simm.s32 $0xFFFFFFFF;
	p2 =	slt.u32 s8, $0xFFFFF086  }
0x1c: {  	p1 =	slt.u32 s9, $0xF7A;
	s5 =	simm.s32 @!p2 $0x0  }
0x1d: {  	s5 =	simm.s32 @p1 $0x1;
	p0 =	seq.s32 s7, s2  }
0x1e: {  	s7 =	smul.u32 @!p0 $0xF7A, s2;
	p2 =	seq.s32 @!p0 s5, $0x0  }
0x1f: {  	s9 =	smul.u32 $0xF7A, s1;
	s8 =	simm.s32 @!p0 $0x1BF5;
	p2 =	por !p2, p0  }
0x20: {  	[sflag:s8] =	ssyncset.s32 @!p0 $0xFFFFF086;
	s6 =	sadd.s32 @!p0 s3, s7;
	s7 =	simm.s32 @!p0 $0x108  }
0x21: {  	s3 =	sadd.s32 s3, s9;
	s6 =	sadd.s32 @!p0 $0x88, s6;
	s7 =	simm.s32 @p2 $0x1082  }
0x22: {  	[simem:s7], [sflag:s8] =	dma.local @!p0 [hbm:s6], $0xF7A  }
0x23: {  	s9 =	sor.u32 $0xD0000000, s2;
	s6 =	simm.s32 $0x108;
	_ =	swait.ge @!p0 [sflag:s8], $0x0  }
0x24: {  	s3 =	sadd.s32 $0x88, s3;
	s6 =	simm.s32 @!p1 $0x1082;
	[sflag:s4] =	ssyncset.s32 $0xFFFFF086  }
0x25: {  	[simem:s6], [sflag:s4] =	dma.local [hbm:s3], $0xF7A  }
0x26: {  	[smem:$0x3F9B] =	sst s1;
	(tag) =	ssettag s2;
	_ =	strace s9  }
0x27: {  	s1 =	sld [smem:$0x3FAB]  }
0x28: {  	s2 =	sld [smem:$0x3FAC]  }
0x29: {  	s4 =	sld [smem:$0x3FAE]  }
0x2a: {  	p0 =	seq.s32 s5, $0x0;
	s5 =	sld [smem:$0x3FAF]  }
0x2b: {  	s6 =	sld [smem:$0x3FB0]  }
0x2c: {  	s7 =	sld [smem:$0x3FB1]  }
0x2d: {  	s3 =	simm.s32 $0x108;
	s8 =	sld [smem:$0x3FB2]  }
0x2e: {  	s3 =	simm.s32 @!p0 $0x1082;
	s9 =	sld [smem:$0x3FB3]  }
0x2f: {  	lr =	sadd.s32 s0, s3;
	s0 =	sld [smem:$0x3FAA]  }
0x30: {  	s3 =	sld [smem:$0x3FAD]  }
0x31: {  	[smem:$0x3FB6] =	sst s10  }
0x32: {  	s10 =	sld [smem:$0x3FB4];
	_ =	sdelay $0x3  }
0x33: {  	p0 =	seq.s32 s10, $0x1;
	s10 =	sld [smem:$0x3FB6];
	_ =	sdelay $0x3  }
0x34: {  	[smem:$0x3FB6] =	sst s10  }
0x35: {  	s10 =	sld [smem:$0x3FB5];
	_ =	sdelay $0x3  }
0x36: {  	p1 =	seq.s32 s10, $0x1;
	s10 =	sld [smem:$0x3FB6];
	_ =	sdelay $0x3  }
0x37: {  	[smem:$0x3FB6] =	sst s10  }
0x38: {  	s10 =	sld [smem:$0x3FB7]  }
0x39: {  	_ = 	snop;
	(pc) =	sbr.ind lr, $3  }
0x3a: {  	_ = 	snop  }
0x3b: {  	_ = 	snop  }
0x3c: {  	p2 =	seq.s32 s10, $0x1;
	s10 =	sld [smem:$0x3FB6]  }
0x3d: {  	_ =	shalt  }
0x3e: {  	_ =	shalt  }
0x3f: {  	_ =	shalt  }
0x40: {  	_ =	shalt  }
0x41: {  	_ =	shalt  }
0x42: {  	_ =	shalt  }
0x43: {  	_ =	shalt  }
0x44: {  	_ =	shalt  }
0x45: {  	_ =	shalt  }
0x46: {  	_ =	shalt  }
0x47: {  	_ =	shalt  }
0x48: {  	_ =	shalt  }
0x49: {  	_ =	shalt  }
0x4a: {  	_ =	shalt  }
0x4b: {  	_ =	shalt  }
0x4c: {  	_ =	shalt  }
0x4d: {  	_ =	shalt  }
0x4e: {  	_ =	shalt  }
0x4f: {  	_ =	shalt  }
0x50: {  	_ =	shalt  }
0x51: {  	_ =	shalt  }
0x52: {  	_ =	shalt  }
0x53: {  	_ =	shalt  }
0x54: {  	_ =	shalt  }
0x55: {  	_ =	shalt  }
0x56: {  	_ =	shalt  }
0x57: {  	_ =	shalt  }
0x58: {  	_ =	shalt  }
0x59: {  	_ =	shalt  }
0x5a: {  	_ =	shalt  }
0x5b: {  	_ =	shalt  }
0x5c: {  	_ =	shalt  }
0x5d: {  	_ =	shalt  }
0x5e: {  	_ =	shalt  }
0x5f: {  	_ =	shalt  }
0x60: {  	_ =	shalt  }
0x61: {  	_ =	shalt  }
0x62: {  	_ =	shalt  }
0x63: {  	_ =	shalt  }
0x64: {  	_ =	shalt  }
0x65: {  	_ =	shalt  }
0x66: {  	_ =	shalt  }
0x67: {  	_ =	shalt  }
0x68: {  	_ =	shalt  }
0x69: {  	_ =	shalt  }
0x6a: {  	_ =	shalt  }
0x6b: {  	_ =	shalt  }
0x6c: {  	_ =	shalt  }
0x6d: {  	_ =	shalt  }
0x6e: {  	_ =	shalt  }
0x6f: {  	_ =	shalt  }
0x70: {  	_ =	shalt  }
0x71: {  	_ =	shalt  }
0x72: {  	_ =	shalt  }
0x73: {  	_ =	shalt  }
0x74: {  	_ =	shalt  }
0x75: {  	_ =	shalt  }
0x76: {  	_ =	shalt  }
0x77: {  	_ =	shalt  }
0x78: {  	_ =	shalt  }
0x79: {  	_ =	shalt  }
0x7a: {  	_ =	shalt  }
0x7b: {  	_ =	shalt  }
0x7c: {  	_ =	shalt  }
0x7d: {  	_ =	shalt  }
0x7e: {  	_ =	shalt  }
0x7f: {  	_ =	shalt  }
0x80: {  	_ =	shalt  }
0x81: {  	_ =	shalt  }
0x82: {  	_ =	shalt  }
0x83: {  	_ =	shalt  }
0x84: {  	_ =	shalt  }
0x85: {  	_ =	shalt  }
0x86: {  	_ =	shalt  }
0x87: {  	_ =	shalt  }
.Lfunc_end0:
.L_simem_size_0:
called_computation.2_lowered:
.L_overlay_start_0:
0x88: {  	s2 =	sld [smem:$0x3FD9]  }
0x89: {  	s3 =	sld [smem:$0x3FFE];
	_ =	sdelay $0x1  }
0x8a: {  	s1 =	srdreg.scid  }
0x8b: {  	s0 =	sand.u32 $0x1, s1  }
0x8c: {  	s17 =	sshll.u32 s0, $0xA;
	s2 =	sadd.s32 s3, s2  }
0x8d: {  	s2 =	sadd.s32 s2, s17  }
0x8e: {  	[smem:$0x3FC2] =	sst s2  }
0x8f: {  	_ = 	snop  }
0x90: {  	s2 =	sld [smem:$0x3FD0];
	(tm) =	ssettm $0x1  }
0x91: {  	s18 =	sld [smem:$0x3FFB];
	_ =	sdelay $0x3  }
0x92: {  	_ =	strace s18  }
0x93: {  	s3 =	sld [smem:$0x3FFC];
	_ =	sdelay $0x3  }
0x94: {  	_ =	strace s3  }
0x95: {  	s3 =	sld [smem:$0x3FFD];
	_ =	sdelay $0x3  }
0x96: {  	_ =	strace s3  }
0x97: {  	_ =	strace $0x8FFFFFFF  }
0x98: {  	s19 =	sld [smem:$0x3FDB];
	_ =	sdelay $0x1  }
0x99: {  	s4 =	simm.s32 $_scs_section_size  }
0x9a: {  	s5 =	simm.s32 $_size__tile_overlayer_lowered;
	s6 =	simm.s32 $_tile_overlayer_lowered  }
0x9b: {  	s22 =	simm.s32 $0x1BFF;
	s21 =	sshll.u32 s6, $0x1;
	s3 =	sadd.s32 s4, s19  }
0x9c: {  	s7 =	simm.s32 $0x0;
	s20 =	sshll.u32 s5, $0x1;
	s5 =	sadd.s32 s21, s3  }
0x9d: {  	[timem:s7], [sflag:s22] =	dma.local [hbm:s5], s20  }
0x9e: {  	_ =	swait.ge [sflag:s22], s20  }
0x9f: {  	s4 =	ssub.s32 $0x0, s20;
	[sflag:s22] =	ssyncset.done $0x0  }
0xa0: {  	[sflag:s22] =	ssyncadd.s32 s4;
	_ =	sdelay $0x1  }
0xa1: {  	s23 =	simm.s32 $0x1B8B  }
0xa2: {  	_ =	swait.ge [sflag:s23], $0x1  }
0xa3: {  	[sflag:s23] =	ssyncset.done $0x0  }
0xa4: {  	s25 =	simm.s32 $0x1B8E;
	s24 =	sld [smem:$0x3FFE];
	[sflag:s23] =	ssyncadd.s32 $0xFFFFFFFF  }
0xa5: {  	s26 =	simm.s32 $execute0_lowered;
	[smem:$0x3FD2] =	sst s25  }
0xa6: {  	s5 =	sshll.u32 s26, $0x1;
	_ =	strace $0x8000004C;
	[dreg:$0x1] =	wrdreg $0xFFFFFFFF  }
0xa7: {  	s28 =	simm.s32 $_size_execute0_lowered;
	s3 =	sadd.s32 s3, s5;
	[dreg:$0x0] =	wrdreg $0x0  }
0xa8: {  	s5 =	sshll.u32 s28, $0x1;
	[dreg:$0x2] =	wrdreg s3  }
0xa9: {  	[dreg:$0x3] =	wrdreg s5  }
0xaa: {  	[dreg:$0x4] =	wrdreg $0xC0  }
0xab: {  	_ =	task [dreg:s7], $0x5FFFF  }
0xac: {  	[dreg:$0x1] =	wrdreg $0xFFFFFFFF  }
0xad: {  	[dreg:$0x0] =	wrdreg $0x60  }
0xae: {  	[dreg:$0x2] =	wrdreg s2  }
0xaf: {  	[dreg:$0x3] =	wrdreg s24  }
0xb0: {  	[dreg:$0x4] =	wrdreg $0x8E800  }
0xb1: {  	[dreg:$0x5] =	wrdreg $0x9  }
0xb2: {  	_ =	task.clear_ibuf [dreg:s7], $0x6FFFF;
	_ =	strace $0x9000004C  }
0xb3: {  	s29 =	simm.s32 $0x9;
	_ =	strace $0x8000004E  }
0xb4: {  	_ =	swait.ge [sflag:s29], $0x1  }
0xb5: {  	[sflag:s29] =	ssyncadd.s32 $0xFFFFFFFF  }
0xb6: {  	_ =	strace $0x9000004E  }
0xb7: {  	_ =	sfence  }
0xb8: {  	s30 =	sld [smem:$0x0];
	_ =	sdelay $0x2  }
0xb9: {  	s31 =	sshll.u32 s1, $0xD;
	s1 =	sshrl.u32 s1, $0x2  }
0xba: {  	s3 =	sand.u32 $0x4000, s31;
	s1 =	sadd.s32 s1, s30  }
0xbb: {  	s0 =	sor.u32 s3, s0;
	s1 =	sshll.u32 s1, $0x11  }
0xbc: {  	s0 =	sor.u32 s1, s0  }
0xbd: {  	s0 =	sadd.s32 $0x8F2B, s0  }
0xbe: {  	[sflag:s0] =	ssyncadd.remote.s32 $0x1  }
0xbf: {  	_ =	sfence.sel $0xFFFF  }
0xc0: {  	[dreg:$0x0] =	wrdreg $0xFFFFFFFF;
	(pc) =	sbr.abs _section_cstart, $3  }
0xc1: {  	[dreg:$0x1] =	wrdreg $0xFFFFFFFF  }
0xc2: {  	_ =	task.clear_ibuf [dreg:s7], $0x2FFFF;
	_ =	strace $0x9FFFFFFF  }
0xc3: {  	(tm) =	ssettm $0x7FFFFFFF  }
tec
execute0_lowered:
.L_overlay_start_1:
0x0: {  	(tag) =	ssettag $0x1  }
0x1: {  	s2 =	rddreg [dreg:$0x0]  }
0x2: {  	s0 =	srdreg.scid;
	s4 =	rddreg [dreg:$0x1]  }
0x3: {  	s8 =	stileid.u32;
	s3 =	rddreg [dreg:$0x2];
	s7 =	simm.s32 $0x0  }
0x4: {  	s13 =	simm.s32 $0x11;
	s14 =	simm.s32 $0x7D;
	s15 =	simm.s32 $0x5000  }
0x5: {  	s17 =	simm.s32 $0x57D0;
	s19 =	simm.s32 $0x5FA0;
	s28 =	simm.s32 $0x7EE0  }
0x6: {  	s30 =	simm.s32 $0x86B0;
	s31 =	simm.s32 $0x1;
	s11 =	simm.s32 $0x4  }
0x7: {  	s16 =	simm.s32 $0x5;
	s18 =	simm.s32 $0x6;
	s29 =	simm.s32 $0xB  }
0x8: {  	s9 =	simm.s32 $0x10;
	s10 =	simm.s32 $0x0;
	s0 =	sand.u32 $0x1, s0  }
0x9: {  	s1 =	sshll.u32 s8, $0x1;
	s6 =	smul.u32 $0x14000, s8;
	[smem:$0x7FF] =	sst s7  }
0xa: {  	s20 =	smul.u32 $0x2800, s8;
	s26 =	sshll.u32 s8, $0x6;
	s7 =	simm.s32 $0xE  }
0xb: {  	s8 =	simm.s32 $0xF;
	s1 =	sor.u32 s0, s1;
	s5 =	smul.u32 $0x140000, s0  }
0xc: {  	_ =	strace $0x8000004D;
	s0 =	ssub.s32 $0x2, s0;
	[dreg:$0xb] =	wrdreg s10  }
0xd: {  	s1 =	smul.u32 $0x500, s1;
	s21 =	sshrl.u32 s20, $0x3;
	s22 =	sshrl.u32 s0, $0x1  }
0xe: {  	s24 =	sadd.s32 s20, s3;
	s20 =	simm.s32 $0x7;
	s5 =	sadd.s32 s6, s5  }
0xf: {  	s6 =	sadd.s32 s21, s4;
	s0 =	ssub.s32 s0, s22;
	s12 =	sshrl.u32 s24, $0x3  }
0x10: {  	s21 =	simm.s32 $0x6770;
	s22 =	simm.s32 $0x8;
	s24 =	simm.s32 $0x9  }
0x11: {  	s1 =	sadd.s32 s1, s4;
	s5 =	sshrl.u32 s5, $0x3;
	s25 =	sadd.s32 $0xC200, s6  }
0x12: {  	s0 =	smax.u32 s0, $0x1;
	s6 =	simm.s32 $0xD;
	[dreg:$0x9] =	wrdreg s12  }
0x13: {  	s4 =	sadd.s32 s5, s4;
	s23 =	sadd.s32 $0x61200, s1;
	[dreg:$0x6] =	wrdreg s25  }
.Ltmp0:
0x14: {  	s1 =	sadd.s32 $0x2200, s1;
	[dreg:$0x8] =	wrdreg s0;
	(pc) =	sbr.rel .LBB2_1-.Ltmp0, $4  }
0x15: {  	s0 =	sor.u32 $0x1C11, s26;
	s25 =	simm.s32 $0x7710;
	[dreg:$0x4] =	wrdreg s23  }
0x16: {  	s26 =	simm.s32 $0xA;
	s5 =	simm.s32 $0xC;
	[dreg:$0x5] =	wrdreg s1  }
0x17: {  	s4 =	sadd.s32 $0x11200, s4;
	[dreg:$0xa] =	wrdreg s0;
	s23 =	simm.s32 $0x6F40  }
0x18: {  	s1 =	simm.s32 $0x2;
	s0 =	simm.s32 $0x3;
	[dreg:$0x7] =	wrdreg s4  }
.LBB2_4:
0x19: {  	_ =	swait.ge [sflag:s26], $0x7D0  }
0x1a: {  	[sflag:s26] =	ssyncset.done $0x0  }
0x1b: {  	[sflag:s26] =	ssyncadd.s32 $0xFFFFF830  }
0x1c: {  	_ =	swait.ge [sflag:s29], $0x7D0  }
0x1d: {  	[sflag:s29] =	ssyncset.done $0x0  }
0x1e: {  	[sflag:s29] =	ssyncadd.s32 $0xFFFFF830  }
0x1f: {  	_ =	swait.ge [sflag:s5], $0x7D0  }
0x20: {  	[sflag:s5] =	ssyncset.done $0x0  }
0x21: {  	[sflag:s5] =	ssyncadd.s32 $0xFFFFF830  }
0x22: {  	_ =	swait.ge [sflag:s6], $0x7D0  }
0x23: {  	[sflag:s6] =	ssyncset.done $0x0  }
0x24: {  	[sflag:s6] =	ssyncadd.s32 $0xFFFFF830  }
0x25: {  	_ =	swait.ge [sflag:s7], $0x7D0  }
0x26: {  	[sflag:s7] =	ssyncset.done $0x0  }
0x27: {  	[sflag:s7] =	ssyncadd.s32 $0xFFFFF830  }
0x28: {  	_ =	swait.ge [sflag:s8], $0x7D0  }
0x29: {  	[sflag:s8] =	ssyncset.done $0x0  }
0x2a: {  	[sflag:s8] =	ssyncadd.s32 $0xFFFFF830  }
0x2b: {  	_ =	swait.ge [sflag:s9], $0x7D0  }
0x2c: {  	[sflag:s9] =	ssyncset.done $0x0  }
0x2d: {  	[sflag:s9] =	ssyncadd.s32 $0xFFFFF830  }
0x2e: {  	[bflag:$0x0] =	sbarrier.arrive $0xFFFF  }
0x2f: {  	s10 =	rddreg [dreg:$0x7]  }
0x30: {  	s12 =	rddreg [dreg:$0x9]  }
0x31: {  	s13 =	simm.s32 $0x11;
	s4 =	rddreg [dreg:$0xa]  }
0x32: {  	[hbm:s10@s9], [sflag:s4] =	dma.strided [spmem:s12@s1], $0x500, s31, $0x2   }
0x33: {  	_ =	swait.ge [sflag:s13], $0x500  }
0x34: {  	s10 =	rddreg [dreg:$0xb]  }
0x35: {  	s12 =	rddreg [dreg:$0x8];
	s4 =	sadd.s32 $0x1, s10  }
0x36: {  	p0 =	sne.s32 s4, s12  }
.Ltmp1:
0x37: {  	_ = 	snop;
	(pc) =	sbr.rel @!p0 .LBB2_5-.Ltmp1, $3  }
0x38: {  	_ =	sdelay $0x1  }
0x39: {  	[sflag:s13] =	ssyncset.done $0x0  }
0x3a: {  	[sflag:s13] =	ssyncadd.s32 $0xFFFFFB00;
	[dreg:$0xb] =	wrdreg s4  }
.LBB2_1:
0x3b: {  	s4 =	simm.s32 $0x0;
	s12 =	rddreg [dreg:$0x4]  }
0x3c: {  	[tilespmem:s4], [sflag:$0x11] =	stream.linear.gather [hbm4b:s12+s4], $0x2800, $0x38;
	[tilespmem:$0xB680] =	vst v63  }
0x3d: {  	_ =	swait.ge [sflag:s13], $0x2800  }
0x3e: {  	s10 =	simm.s32 $0x0;
	[sflag:s13] =	ssyncset.done $0x0  }
0x3f: {  	s4 =	simm.s32 $0x2800;
	s12 =	rddreg [dreg:$0x5];
	[sflag:s13] =	ssyncadd.s32 $0xFFFFD800  }
0x40: {  	[tilespmem:s4], [sflag:$0x11] =	stream.linear.gather [hbm4b:s12+s10], $0x2800, $0x38;
	[tilespmem:$0xB680] =	vst v63  }
0x41: {  	s10 =	rddreg [dreg:$0xa];
	_ =	swait.ge [sflag:s13], $0x2800  }
0x42: {  	[sflag:s13] =	ssyncset.done $0x0;
	s12 =	rddreg [dreg:$0x6]  }
0x43: {  	s4 =	rddreg [dreg:$0x9];
	[sflag:s13] =	ssyncadd.s32 $0xFFFFD800  }
0x44: {  	[spmem:s4], [sflag:s10] =	dma.local [hbm:s12], $0x500  }
0x45: {  	_ =	swait.ge [sflag:s13], $0x500  }
0x46: {  	[sflag:s13] =	ssyncset.done $0x0  }
0x47: {  	[sflag:s13] =	ssyncadd.s32 $0xFFFFFB00  }
0x48: {  	s12 =	simm.s32 $0x0;
	[bflag:$0x0] =	sbarrier.arrive $0xFFFF  }
0x49: {  	[tilespmem:s15], [sflag:$0x1] =	stream.indirect.gather [hbm4b:s2+s14], $0x10, s12, s14, $0xb8;
	[tilespmem:$0xB680] =	vst v63  }
0x4a: {  	s13 =	simm.s32 $0x80  }
0x4b: {  	[tilespmem:s17], [sflag:$0x2] =	stream.indirect.gather [hbm4b:s2+s14], $0x10, s13, s14, $0xb8;
	[tilespmem:$0xB680] =	vst v63  }
0x4c: {  	s4 =	simm.s32 $0x100  }
0x4d: {  	[tilespmem:s19], [sflag:$0x3] =	stream.indirect.gather [hbm4b:s2+s14], $0x10, s4, s14, $0xb8;
	[tilespmem:$0xB680] =	vst v63  }
0x4e: {  	s12 =	simm.s32 $0x180  }
0x4f: {  	[tilespmem:s21], [sflag:$0x4] =	stream.indirect.gather [hbm4b:s2+s14], $0x10, s12, s14, $0xb8;
	[tilespmem:$0xB680] =	vst v63  }
0x50: {  	s13 =	simm.s32 $0x200  }
0x51: {  	[tilespmem:s23], [sflag:$0x5] =	stream.indirect.gather [hbm4b:s2+s14], $0x10, s13, s14, $0xb8;
	[tilespmem:$0xB680] =	vst v63  }
0x52: {  	s4 =	simm.s32 $0x280  }
0x53: {  	[tilespmem:s25], [sflag:$0x6] =	stream.indirect.gather [hbm4b:s2+s14], $0x10, s4, s14, $0xb8;
	[tilespmem:$0xB680] =	vst v63  }
0x54: {  	s12 =	simm.s32 $0x300  }
0x55: {  	[tilespmem:s28], [sflag:$0x7] =	stream.indirect.gather [hbm4b:s2+s14], $0x10, s12, s14, $0xb8;
	[tilespmem:$0xB680] =	vst v63  }
0x56: {  	s13 =	simm.s32 $0x380;
	s12 =	simm.s32 $0x0  }
0x57: {  	[tilespmem:s30], [sflag:$0x8] =	stream.indirect.gather [hbm4b:s2+s14], $0x10, s13, s14, $0xb8;
	[tilespmem:$0xB680] =	vst v63  }
.LBB2_2:
0x58: {  	_ =	swait.ge [sflag:s31], $0x7D0  }
0x59: {  	s13 =	sshra.s32 s12, $0x2;
	[sflag:s31] =	ssyncset.done $0x0  }
0x5a: {  	s10 =	sadd.s32 $0x2800, s13;
	[sflag:s31] =	ssyncadd.s32 $0xFFFFF830  }
0x5b: {  	[spmem:s3] =	stream.indirect.scatter.add.f32 [tilespmem:s15], [sflag:$0x9], $0x10, s10, s14, $0xb8;
	[tilespmem:$0xB680] =	vst v63  }
0x5c: {  	_ =	swait.ge [sflag:s1], $0x7D0  }
0x5d: {  	[sflag:s1] =	ssyncset.done $0x0  }
0x5e: {  	s4 =	sadd.s32 $0x2880, s13;
	[sflag:s1] =	ssyncadd.s32 $0xFFFFF830  }
0x5f: {  	[spmem:s3] =	stream.indirect.scatter.add.f32 [tilespmem:s17], [sflag:$0xA], $0x10, s4, s14, $0xb8;
	[tilespmem:$0xB680] =	vst v63  }
0x60: {  	_ =	swait.ge [sflag:s0], $0x7D0  }
0x61: {  	[sflag:s0] =	ssyncset.done $0x0  }
0x62: {  	s4 =	sadd.s32 $0x2900, s13;
	[sflag:s0] =	ssyncadd.s32 $0xFFFFF830  }
0x63: {  	[spmem:s3] =	stream.indirect.scatter.add.f32 [tilespmem:s19], [sflag:$0xB], $0x10, s4, s14, $0xb8;
	[tilespmem:$0xB680] =	vst v63  }
0x64: {  	_ =	swait.ge [sflag:s11], $0x7D0  }
0x65: {  	[sflag:s11] =	ssyncset.done $0x0  }
0x66: {  	s4 =	sadd.s32 $0x2980, s13;
	[sflag:s11] =	ssyncadd.s32 $0xFFFFF830  }
0x67: {  	[spmem:s3] =	stream.indirect.scatter.add.f32 [tilespmem:s21], [sflag:$0xC], $0x10, s4, s14, $0xb8;
	[tilespmem:$0xB680] =	vst v63  }
0x68: {  	_ =	swait.ge [sflag:s16], $0x7D0  }
0x69: {  	[sflag:s16] =	ssyncset.done $0x0  }
0x6a: {  	s4 =	sadd.s32 $0x2A00, s13;
	[sflag:s16] =	ssyncadd.s32 $0xFFFFF830  }
0x6b: {  	[spmem:s3] =	stream.indirect.scatter.add.f32 [tilespmem:s23], [sflag:$0xD], $0x10, s4, s14, $0xb8;
	[tilespmem:$0xB680] =	vst v63  }
0x6c: {  	_ =	swait.ge [sflag:s18], $0x7D0  }
0x6d: {  	[sflag:s18] =	ssyncset.done $0x0  }
0x6e: {  	s4 =	sadd.s32 $0x2A80, s13;
	[sflag:s18] =	ssyncadd.s32 $0xFFFFF830  }
0x6f: {  	[spmem:s3] =	stream.indirect.scatter.add.f32 [tilespmem:s25], [sflag:$0xE], $0x10, s4, s14, $0xb8;
	[tilespmem:$0xB680] =	vst v63  }
0x70: {  	_ =	swait.ge [sflag:s20], $0x7D0  }
0x71: {  	[sflag:s20] =	ssyncset.done $0x0  }
0x72: {  	s4 =	sadd.s32 $0x2B00, s13;
	[sflag:s20] =	ssyncadd.s32 $0xFFFFF830  }
0x73: {  	[spmem:s3] =	stream.indirect.scatter.add.f32 [tilespmem:s28], [sflag:$0xF], $0x10, s4, s14, $0xb8;
	[tilespmem:$0xB680] =	vst v63  }
0x74: {  	_ =	swait.ge [sflag:s22], $0x7D0  }
0x75: {  	p0 =	seq.s32 s12, $0x9000;
	[sflag:s22] =	ssyncset.done $0x0  }
.Ltmp2:
0x76: {  	s4 =	sadd.s32 $0x2B80, s13;
	[sflag:s22] =	ssyncadd.s32 $0xFFFFF830;
	(pc) =	sbr.rel @p0 .LBB2_4-.Ltmp2, $4  }
0x77: {  	[spmem:s3] =	stream.indirect.scatter.add.f32 [tilespmem:s30], [sflag:$0x10], $0x10, s4, s14, $0xb8;
	[tilespmem:$0xB680] =	vst v63  }
0x78: {  	_ =	swait.ge [sflag:s24], $0x7D0  }
0x79: {  	[sflag:s24] =	ssyncset.done $0x0  }
0x7a: {  	[sflag:s24] =	ssyncadd.s32 $0xFFFFF830  }
0x7b: {  	s10 =	sadd.s32 $0x400, s13  }
0x7c: {  	[tilespmem:s15], [sflag:$0x1] =	stream.indirect.gather [hbm4b:s2+s14], $0x10, s10, s14, $0xb8;
	[tilespmem:$0xB680] =	vst v63  }
0x7d: {  	_ =	swait.ge [sflag:s26], $0x7D0  }
0x7e: {  	[sflag:s26] =	ssyncset.done $0x0  }
0x7f: {  	s4 =	sadd.s32 $0x480, s13;
	[sflag:s26] =	ssyncadd.s32 $0xFFFFF830  }
0x80: {  	[tilespmem:s17], [sflag:$0x2] =	stream.indirect.gather [hbm4b:s2+s14], $0x10, s4, s14, $0xb8;
	[tilespmem:$0xB680] =	vst v63  }
0x81: {  	_ =	swait.ge [sflag:s29], $0x7D0  }
0x82: {  	[sflag:s29] =	ssyncset.done $0x0  }
0x83: {  	s4 =	sadd.s32 $0x500, s13;
	[sflag:s29] =	ssyncadd.s32 $0xFFFFF830  }
0x84: {  	[tilespmem:s19], [sflag:$0x3] =	stream.indirect.gather [hbm4b:s2+s14], $0x10, s4, s14, $0xb8;
	[tilespmem:$0xB680] =	vst v63  }
0x85: {  	_ =	swait.ge [sflag:s5], $0x7D0  }
0x86: {  	[sflag:s5] =	ssyncset.done $0x0  }
0x87: {  	s4 =	sadd.s32 $0x580, s13;
	[sflag:s5] =	ssyncadd.s32 $0xFFFFF830  }
0x88: {  	[tilespmem:s21], [sflag:$0x4] =	stream.indirect.gather [hbm4b:s2+s14], $0x10, s4, s14, $0xb8;
	[tilespmem:$0xB680] =	vst v63  }
0x89: {  	_ =	swait.ge [sflag:s6], $0x7D0  }
0x8a: {  	[sflag:s6] =	ssyncset.done $0x0  }
0x8b: {  	s4 =	sadd.s32 $0x600, s13;
	[sflag:s6] =	ssyncadd.s32 $0xFFFFF830  }
0x8c: {  	[tilespmem:s23], [sflag:$0x5] =	stream.indirect.gather [hbm4b:s2+s14], $0x10, s4, s14, $0xb8;
	[tilespmem:$0xB680] =	vst v63  }
0x8d: {  	_ =	swait.ge [sflag:s7], $0x7D0  }
0x8e: {  	[sflag:s7] =	ssyncset.done $0x0  }
0x8f: {  	s4 =	sadd.s32 $0x680, s13;
	[sflag:s7] =	ssyncadd.s32 $0xFFFFF830  }
0x90: {  	[tilespmem:s25], [sflag:$0x6] =	stream.indirect.gather [hbm4b:s2+s14], $0x10, s4, s14, $0xb8;
	[tilespmem:$0xB680] =	vst v63  }
0x91: {  	_ =	swait.ge [sflag:s8], $0x7D0  }
0x92: {  	[sflag:s8] =	ssyncset.done $0x0  }
0x93: {  	s4 =	sadd.s32 $0x700, s13;
	[sflag:s8] =	ssyncadd.s32 $0xFFFFF830  }
0x94: {  	[tilespmem:s28], [sflag:$0x7] =	stream.indirect.gather [hbm4b:s2+s14], $0x10, s4, s14, $0xb8;
	[tilespmem:$0xB680] =	vst v63  }
.Ltmp3:
0x95: {  	_ = 	snop;
	(pc) =	sbr.rel .LBB2_2-.Ltmp3, $4  }
0x96: {  	_ =	swait.ge [sflag:s9], $0x7D0  }
0x97: {  	[sflag:s9] =	ssyncset.done $0x0  }
0x98: {  	s12 =	sadd.s32 $0x1000, s12;
	s13 =	sadd.s32 $0x780, s13;
	[sflag:s9] =	ssyncadd.s32 $0xFFFFF830  }
0x99: {  	[tilespmem:s30], [sflag:$0x8] =	stream.indirect.gather [hbm4b:s2+s14], $0x10, s13, s14, $0xb8;
	[tilespmem:$0xB680] =	vst v63  }
.LBB2_5:
0x9a: {  	_ =	sfence.sel $0x180000  }
0x9b: {  	[bflag:$0x0] =	sbarrier.arrive $0xFFFF  }
0x9c: {  	_ =	strace $0x9000004D  }
0x9d: {  	s0 =	stileid.u32;
	[bflag:$0x2] =	sbarrier.arrive $0xFFFF  }
0x9e: {  	p0 =	sne.s32 s0, $0x0;
	s0 =	rddreg [dreg:$0x3]  }
0x9f: {  	s0 =	sadd.s32 @!p0 $0x100000, s0  }
0xa0: {  	[sflag:s0] =	ssyncadd.tile.s32 @!p0 $0x1;
	_ =	shalt  }
.Lfunc_end2:
_tile_overlayer_lowered:
.L_overlay_start_2:
0xa1: {  	(tag) =	ssettag $0x2  }
0xa2: {  	s0 =	rddreg [dreg:$0x0];
	s2 =	stileid.u32  }
0xa3: {  	s1 =	rddreg [dreg:$0x1];
	p0 =	sne.s32 s2, $0x0  }
0xa4: {  	s3 =	rddreg [dreg:$0x2];
	[bflag:$0x3] =	sbarrier.arrive $0xFFFF;
	s2 =	simm.s32 @!p0 $0x1C11  }
0xa5: {  	[timem:s3], [sflag:s2] =	dma.local @!p0 [hbm:s0], s1  }
0xa6: {  	s0 =	simm.s32 @!p0 $0x11  }
0xa7: {  	_ =	swait.ge @!p0 [sflag:s0], s1  }
0xa8: {  	s1 =	ssub.s32 @!p0 $0x0, s1;
	[sflag:s0] =	ssyncset.done @!p0 $0x0  }
0xa9: {  	[sflag:s0] =	ssyncadd.s32 @!p0 s1  }
0xaa: {  	[bflag:$0x3] =	sbarrier.arrive $0xFFFF  }
0xab: {  	_ =	shalt  }

</sc_bundles>
